<compile_context>
chip_gen: v7x
topology: tpu7x:2x2x1
jax: 0.10.2.dev20260603
libtpu: 0.0.44.dev20260713+nightly
codegen_flags: <defaults>
</compile_context>

<pallas_src>
import functools

import jax
import jax.numpy as jnp
from jax import lax
from jax.experimental import pallas as pl
from jax.experimental.pallas import tpu as pltpu
from jax.experimental.pallas import tpu_sc as plsc

B, L = 1024, 100
EMB = 16
K_DIM, H1, H2, LAT = 64, 128, 64, 32

NC, NS = 2, 16
NW = NC * NS
TOT = B * L
PER_W = TOT // NW
CHUNK = 128
NCH = PER_W // CHUNK

BB = 64
GRID = B // BB

V = 1000000
CC = 8192


NP_PAIRS = 7813
VP = 128 * NP_PAIRS
NBUF = 8
TPW = (NP_PAIRS + NW - 1) // NW


def _sc_pack(table_t):
    mesh = plsc.VectorSubcoreMesh(core_axis_name="c", subcore_axis_name="s")

    @functools.partial(
        pl.kernel,
        out_type=jax.ShapeDtypeStruct((VP * EMB,), jnp.float32),
        mesh=mesh,
        scratch_types=[
            pltpu.VMEM((NBUF, 16, 128), jnp.float32),
            pltpu.VMEM((NBUF * 2048,), jnp.float32),
            pltpu.SemaphoreType.DMA((NBUF,)),
            pltpu.SemaphoreType.DMA((NBUF,)),
        ],
        compiler_params=pltpu.CompilerParams(
            use_tc_tiling_on_sc=True, needs_layout_passes=False),
    )
    def pack_kernel(tt_hbm, out_hbm, in_v, rows_v, sem_in, sem_out):
        wid = lax.axis_index("s") * NC + lax.axis_index("c")
        m = lax.iota(jnp.int32, 16)
        base_m = (m // 8) * 128 + (m % 8) * 16

        def in_desc(b, c):
            return pltpu.make_async_copy(
                tt_hbm.at[:, pl.ds(128 * c, 128)], in_v.at[b], sem_in.at[b])

        def out_desc(b, c):
            return pltpu.make_async_copy(
                rows_v.at[pl.ds(2048 * b, 2048)],
                out_hbm.at[pl.ds(2048 * c, 2048)], sem_out.at[b])

        for b in range(NBUF):
            in_desc(b, wid + NW * b).start()

        def step(t, carry):
            b = lax.rem(t, NBUF)
            c = wid + NW * t

            @pl.when(c < NP_PAIRS)
            def _():
                in_desc(b, c).wait()

                @pl.when(t >= NBUF)
                def _():
                    out_desc(b, c - NW * NBUF).wait()

                slot_m = base_m + 2048 * b
                for d in range(16):
                    for k in range(8):
                        vals = in_v[b, d, pl.ds(16 * k, 16)]
                        plsc.store_scatter(
                            rows_v, [slot_m + (256 * k + d)], vals)
                out_desc(b, c).start()

                @pl.when(c + NW * NBUF < NP_PAIRS)
                def _():
                    in_desc(b, c + NW * NBUF).start()
            return carry

        lax.fori_loop(0, TPW, step, 0, unroll=False)

        t_max = (NP_PAIRS - 1 - wid) // NW
        for b in range(NBUF):
            t_last = t_max - lax.rem(t_max - b + NBUF, NBUF)
            out_desc(b, wid + NW * t_last).wait()

    return pack_kernel(table_t)


def _sc_gather(x32, table):
    mesh = plsc.VectorSubcoreMesh(core_axis_name="c", subcore_axis_name="s")

    @functools.partial(
        pl.kernel,
        out_type=jax.ShapeDtypeStruct((NW, PER_W, EMB), jnp.float32),
        mesh=mesh,
        scratch_types=[
            pltpu.VMEM((NCH, CHUNK), jnp.int32),
            pltpu.VMEM((PER_W, EMB), jnp.float32),
            pltpu.SemaphoreType.DMA,
        ],
        compiler_params=pltpu.CompilerParams(use_tc_tiling_on_sc=False),
    )
    def gather_kernel(x_hbm, table_hbm, out_hbm, idx_v, rows_v, sem):
        wid = lax.axis_index("s") * NC + lax.axis_index("c")
        pltpu.sync_copy(x_hbm.at[wid], idx_v)

        def fire(j, _):
            pltpu.make_async_copy(
                table_hbm.at[idx_v.at[j]],
                rows_v.at[pl.ds(j * CHUNK, CHUNK)],
                sem,
            ).start()
            return _

        lax.fori_loop(0, NCH, fire, 0, unroll=False)

        def drain(j, _):
            pltpu.make_async_copy(
                table_hbm.at[idx_v.at[j]],
                rows_v.at[pl.ds(j * CHUNK, CHUNK)],
                sem,
            ).wait()
            return _

        lax.fori_loop(0, NCH, drain, 0, unroll=False)
        pltpu.sync_copy(rows_v, out_hbm.at[wid])

    return gather_kernel(x32, table)


RPB = BB * L // 8


def _tc_fused(e8, mjs3, wbig, bbig, w1, b1, w2, b2, wmu, bmu, wlv, blv, eps):

    def body(e_ref, m_ref, wb_ref, bb_ref, w1_ref, b1_ref, w2_ref, b2_ref,
             wmu_ref, bmu_ref, wlv_ref, blv_ref, eps_ref,
             z_ref, mu_ref, lv_ref):
        hp = jax.lax.Precision.HIGHEST
        p8 = jnp.dot(e_ref[...], wb_ref[...]) + bb_ref[...]
        p8 = jnp.maximum(p8, 0.0)
        bb_lo = jax.lax.broadcasted_iota(jnp.int32, (BB, RPB), 0) * L
        el8 = jax.lax.broadcasted_iota(jnp.int32, (BB, RPB), 1) * 8
        pnc = jnp.zeros((BB, K_DIM), jnp.float32)
        for j in range(8):
            el = el8 + j
            sel = ((el >= bb_lo) & (el < bb_lo + L)).astype(jnp.float32)
            sel = sel * m_ref[0, j, :][None, :]
            pnc = pnc + jnp.dot(sel, p8[:, 64 * j:64 * (j + 1)])
        h = jnp.maximum(jnp.dot(pnc, w1_ref[...], precision=hp) + b1_ref[...], 0.0)
        h = jnp.maximum(jnp.dot(h, w2_ref[...], precision=hp) + b2_ref[...], 0.0)
        mu = jnp.dot(h, wmu_ref[...], precision=hp) + bmu_ref[...]
        lv = jnp.dot(h, wlv_ref[...], precision=hp) + blv_ref[...]
        z = mu + eps_ref[...] * jnp.exp(0.5 * lv)
        z_ref[...] = z
        mu_ref[...] = mu
        lv_ref[...] = lv

    rep = lambda shape: pl.BlockSpec(shape, lambda i: (0,) * len(shape))
    out_sds = jax.ShapeDtypeStruct((B, LAT), jnp.float32)
    return pl.pallas_call(
        body,
        grid=(GRID,),
        in_specs=[
            pl.BlockSpec((RPB, 128), lambda i: (i, 0)),
            pl.BlockSpec((1, 8, RPB), lambda i: (i, 0, 0)),
            rep((128, 8 * K_DIM)), rep((1, 8 * K_DIM)),
            rep((K_DIM, H1)), rep((1, H1)),
            rep((H1, H2)), rep((1, H2)),
            rep((H2, LAT)), rep((1, LAT)),
            rep((H2, LAT)), rep((1, LAT)),
            pl.BlockSpec((BB, LAT), lambda i: (i, 0)),
        ],
        out_specs=[
            pl.BlockSpec((BB, LAT), lambda i: (i, 0)),
            pl.BlockSpec((BB, LAT), lambda i: (i, 0)),
            pl.BlockSpec((BB, LAT), lambda i: (i, 0)),
        ],
        out_shape=[out_sds, out_sds, out_sds],
    )(e8, mjs3, wbig, bbig, w1, b1, w2, b2, wmu, bmu, wlv, blv, eps)


def kernel(x, mask, table, W_pnnn, b_pnnn, W1, b1, W2, b2, Wmu, bmu, Wlv, blv, eps):
    x32 = x.reshape(NW, NCH, CHUNK)
    table_lin = _sc_pack(table.T).reshape(VP, EMB)
    e8 = _sc_gather(x32, table_lin).reshape(TOT // 8, 128)
    mjs3 = mask.astype(jnp.float32).reshape(GRID, RPB, 8).transpose(0, 2, 1)
    wbig = jnp.kron(jnp.eye(8, dtype=jnp.float32), W_pnnn.T)
    bbig = jnp.tile(b_pnnn, 8).reshape(1, 8 * K_DIM)
    z, mu, lv = _tc_fused(
        e8, mjs3, wbig, bbig,
        W1.T, b1.reshape(1, H1),
        W2.T, b2.reshape(1, H2),
        Wmu.T, bmu.reshape(1, LAT),
        Wlv.T, blv.reshape(1, LAT),
        eps,
    )
    return (z, mu, lv)

# --- scband reference (transcript-rebuilt; emitter-appended) ---
"""Pipeline reference for scband-partial-vae-encoder-62998580297763 (READ-ONLY COPY).

The authoritative reference and input builder live on the scoring server;
editing this copy changes nothing except your own understanding.
"""

import jax, jax.numpy as jnp
import numpy as np

B, L = 1024, 100
PROB_NUM = 500000
EMB_DIM = 16
K_DIM, H1, H2, LAT = 64, 128, 64, 32


def setup_inputs(seed: int = 0) -> dict:
    key = jax.random.key(seed)
    ks = jax.random.split(key, 14)
    x = jax.random.randint(ks[0], (B, L), 0, 2 * PROB_NUM, dtype=jnp.int32)
    mask = jnp.ones((B, L), dtype=bool)
    table = jax.random.normal(ks[1], (2 * PROB_NUM, EMB_DIM), dtype=jnp.float32) * 0.02
    W_pnnn = jax.random.normal(ks[2], (K_DIM, EMB_DIM), dtype=jnp.float32) * (1.0 / np.sqrt(EMB_DIM))
    b_pnnn = jnp.zeros((K_DIM,), dtype=jnp.float32)
    W1 = jax.random.normal(ks[3], (H1, K_DIM), dtype=jnp.float32) * (1.0 / np.sqrt(K_DIM))
    b1 = jnp.zeros((H1,), dtype=jnp.float32)
    W2 = jax.random.normal(ks[4], (H2, H1), dtype=jnp.float32) * (1.0 / np.sqrt(H1))
    b2 = jnp.zeros((H2,), dtype=jnp.float32)
    Wmu = jax.random.normal(ks[5], (LAT, H2), dtype=jnp.float32) * (1.0 / np.sqrt(H2))
    bmu = jnp.zeros((LAT,), dtype=jnp.float32)
    Wlv = jax.random.normal(ks[6], (LAT, H2), dtype=jnp.float32) * (1.0 / np.sqrt(H2))
    blv = jnp.zeros((LAT,), dtype=jnp.float32)
    eps = jax.random.normal(ks[7], (B, LAT), dtype=jnp.float32)
    return {"x": x, "mask": mask, "table": table, "W_pnnn": W_pnnn, "b_pnnn": b_pnnn,
            "W1": W1, "b1": b1, "W2": W2, "b2": b2,
            "Wmu": Wmu, "bmu": bmu, "Wlv": Wlv, "blv": blv, "eps": eps}


def reference(x, mask, table, W_pnnn, b_pnnn, W1, b1, W2, b2, Wmu, bmu, Wlv, blv, eps):
    # embedding_net: per-element embedding lookup, per-element pnnn MLP, masked sum over fields.
    emb = jnp.take(table, x, axis=0)                      # [B, L, emb_dim] gather
    p = jax.nn.relu(emb @ W_pnnn.T + b_pnnn)              # [B, L, K_dim]
    m = mask.astype(p.dtype)[..., None]
    pnc = jnp.sum(p * m, axis=1)                          # [B, K_dim] masked sum (same as summing only masked pnnn outputs)
    # Encoder
    h = jax.nn.relu(pnc @ W1.T + b1)
    h = jax.nn.relu(h @ W2.T + b2)
    mu = h @ Wmu.T + bmu
    logvar = h @ Wlv.T + blv
    # representation trick (epsilon materialized in setup for determinism)
    z = mu + eps * jnp.exp(0.5 * logvar)
    return (z, mu, logvar)

if __name__ == "__main__":
    import jax
    _d = setup_inputs()
    print(jax.jit(kernel)(*tuple(_d.values())))

</pallas_src>

<mosaic_0001>
#map = affine_map<(d0, d1) -> (0, 0)>
#map1 = affine_map<(d0, d1) -> (0)>
module attributes {stable_mosaic.version = 14 : i64} {
  func.func @pack_kernel(%arg0: i32, %arg1: i32, %arg2: memref<16x1000000xf32, #tpu.memory_space<hbm>>, %arg3: memref<16001024xf32, #tpu.memory_space<hbm>>, %arg4: memref<8x16x128xf32, #tpu.memory_space<vmem>>, %arg5: memref<16384xf32, #tpu.memory_space<vmem>>, %arg6: memref<8x!tpu.dma_semaphore, #tpu.memory_space<semaphore_mem>>, %arg7: memref<8x!tpu.dma_semaphore, #tpu.memory_space<semaphore_mem>>) attributes {dimension_semantics = [#tpu.dimension_semantics<core_parallel>, #tpu.dimension_semantics<subcore_parallel>], iteration_bounds = array<i64: 2, 16>, scalar_prefetch = 0 : i64, scratch_operands = 4 : i64, tpu.core_type = #tpu.core_type<sc_vector_subcore>, window_params = [{transform_indices = #map}, {transform_indices = #map1}]} {
    %mul3A = arith.constant 2 : i32
    %mul3A_0 = arith.muli %arg1, %mul3A : i32
    %add3A = arith.addi %mul3A_0, %arg0 : i32
    %iota3A = tpu.iota {dimensions = array<i32: 0>} : vector<16xi32>
    %jit3A = arith.constant 8 : i32
    %div3A = vector.broadcast %jit3A : i32 to vector<16xi32>
    %div3A_1 = arith.divsi %iota3A, %div3A : vector<16xi32>
    %sign3A = arith.constant 0 : i32
    %sign3A_2 = vector.broadcast %sign3A : i32 to vector<16xi32>
    %sign3A_3 = arith.cmpi sgt, %iota3A, %sign3A_2 : vector<16xi32>
    %sign3A_4 = arith.extui %sign3A_3 : vector<16xi1> to vector<16xi32>
    %sign3A_5 = arith.constant 0 : i32
    %sign3A_6 = vector.broadcast %sign3A_5 : i32 to vector<16xi32>
    %sign3A_7 = arith.cmpi slt, %iota3A, %sign3A_6 : vector<16xi32>
    %sign3A_8 = arith.extui %sign3A_7 : vector<16xi1> to vector<16xi32>
    %sign3A_9 = arith.subi %sign3A_4, %sign3A_8 : vector<16xi32>
    %sign3A_10 = arith.constant 0 : i32
    %sign3A_11 = arith.cmpi sgt, %jit3A, %sign3A_10 : i32
    %sign3A_12 = arith.extui %sign3A_11 : i1 to i32
    %sign3A_13 = arith.constant 0 : i32
    %sign3A_14 = arith.cmpi slt, %jit3A, %sign3A_13 : i32
    %sign3A_15 = arith.extui %sign3A_14 : i1 to i32
    %sign3A_16 = arith.subi %sign3A_12, %sign3A_15 : i32
    %ne3A = vector.broadcast %sign3A_16 : i32 to vector<16xi32>
    %ne3A_17 = arith.cmpi ne, %sign3A_9, %ne3A : vector<16xi32>
    %rem3A = vector.broadcast %jit3A : i32 to vector<16xi32>
    %rem3A_18 = arith.remsi %iota3A, %rem3A : vector<16xi32>
    %ne3A_19 = arith.constant 0 : i32
    %ne3A_20 = vector.broadcast %ne3A_19 : i32 to vector<16xi32>
    %ne3A_21 = arith.cmpi ne, %rem3A_18, %ne3A_20 : vector<16xi32>
    %and3A = arith.andi %ne3A_17, %ne3A_21 : vector<16xi1>
    %sub3A = arith.constant 1 : i32
    %sub3A_22 = vector.broadcast %sub3A : i32 to vector<16xi32>
    %sub3A_23 = arith.subi %div3A_1, %sub3A_22 : vector<16xi32>
    %select_n3A = arith.select %and3A, %sub3A_23, %div3A_1 : vector<16xi1>, vector<16xi32>
    %mul3A_24 = arith.constant 128 : i32
    %mul3A_25 = vector.broadcast %mul3A_24 : i32 to vector<16xi32>
    %mul3A_26 = arith.muli %select_n3A, %mul3A_25 : vector<16xi32>
    %jit3A_27 = arith.constant 8 : i32
    %eq3A = arith.constant 0 : i32
    %eq3A_28 = arith.cmpi eq, %jit3A_27, %eq3A : i32
    %jit3A_29 = arith.constant 1 : i32
    %select_n3A_30 = arith.select %eq3A_28, %jit3A_29, %jit3A_27 : i32
    %rem3A_31 = vector.broadcast %select_n3A_30 : i32 to vector<16xi32>
    %rem3A_32 = arith.remsi %iota3A, %rem3A_31 : vector<16xi32>
    %ne3A_33 = arith.constant 0 : i32
    %ne3A_34 = vector.broadcast %ne3A_33 : i32 to vector<16xi32>
    %ne3A_35 = arith.cmpi ne, %rem3A_32, %ne3A_34 : vector<16xi32>
    %lt3A = arith.constant 0 : i32
    %lt3A_36 = vector.broadcast %lt3A : i32 to vector<16xi32>
    %lt3A_37 = arith.cmpi slt, %rem3A_32, %lt3A_36 : vector<16xi32>
    %lt3A_38 = arith.constant 0 : i32
    %lt3A_39 = arith.cmpi slt, %select_n3A_30, %lt3A_38 : i32
    %ne3A_40 = vector.broadcast %lt3A_39 : i1 to vector<16xi1>
    %ne3A_41 = vector.broadcast %ne3A_40 : vector<16xi1> to vector<16xi1>
    %ne3A_42 = arith.xori %lt3A_37, %ne3A_41 : vector<16xi1>
    %and3A_43 = arith.andi %ne3A_42, %ne3A_35 : vector<16xi1>
    %add3A_44 = vector.broadcast %select_n3A_30 : i32 to vector<16xi32>
    %add3A_45 = arith.addi %rem3A_32, %add3A_44 : vector<16xi32>
    %select_n3A_46 = arith.select %and3A_43, %add3A_45, %rem3A_32 : vector<16xi1>, vector<16xi32>
    %mul3A_47 = arith.constant 16 : i32
    %mul3A_48 = vector.broadcast %mul3A_47 : i32 to vector<16xi32>
    %mul3A_49 = arith.muli %select_n3A_46, %mul3A_48 : vector<16xi32>
    %add3A_50 = arith.addi %mul3A_26, %mul3A_49 : vector<16xi32>
    %add3A_51 = arith.constant 0 : i32
    %add3A_52 = arith.addi %add3A, %add3A_51 : i32
    %mul3A_53 = arith.constant 128 : i32
    %mul3A_54 = arith.muli %mul3A_53, %add3A_52 : i32
    %dma_start3A = arith.constant 0 : i32
    %dma_start3A_55 = arith.constant 0 : i32
    %dma_start3A_56 = arith.constant 0 : i32
    %dma_start3A_57 = arith.constant 0 : i32
    %dma_start3A_58 = tpu.memref_slice %arg4[%dma_start3A, %dma_start3A_56, %dma_start3A_57] : memref<8x16x128xf32, #tpu.memory_space<vmem>> -> memref<1x16x128xf32, #tpu.memory_space<vmem>>
    %dma_start3A_59 = tpu.memref_squeeze %dma_start3A_58 : memref<1x16x128xf32, #tpu.memory_space<vmem>> -> memref<16x128xf32, #tpu.memory_space<vmem>>
    %dma_start3A_60 = arith.constant 0 : i32
    %dma_start3A_61 = tpu.memref_slice %arg2[%dma_start3A_60, %mul3A_54] : memref<16x1000000xf32, #tpu.memory_space<hbm>> -> memref<16x128xf32, #tpu.memory_space<hbm>>
    %dma_start3A_62 = tpu.memref_slice %arg6[%dma_start3A_55] : memref<8x!tpu.dma_semaphore, #tpu.memory_space<semaphore_mem>> -> memref<1x!tpu.dma_semaphore, #tpu.memory_space<semaphore_mem>>
    %dma_start3A_63 = tpu.memref_squeeze %dma_start3A_62 : memref<1x!tpu.dma_semaphore, #tpu.memory_space<semaphore_mem>> -> memref<!tpu.dma_semaphore, #tpu.memory_space<semaphore_mem>>
    %dma_start3A_64 = arith.constant 0 : i32
    %dma_start3A_65 = arith.constant 0 : i32
    %dma_start3A_66 = tpu.memref_slice %arg4[%dma_start3A, %dma_start3A_64, %dma_start3A_65] : memref<8x16x128xf32, #tpu.memory_space<vmem>> -> memref<1x16x128xf32, #tpu.memory_space<vmem>>
    %dma_start3A_67 = tpu.memref_squeeze %dma_start3A_66 : memref<1x16x128xf32, #tpu.memory_space<vmem>> -> memref<16x128xf32, #tpu.memory_space<vmem>>
    %dma_start3A_68 = arith.constant 0 : i32
    %dma_start3A_69 = tpu.memref_slice %arg2[%dma_start3A_68, %mul3A_54] : memref<16x1000000xf32, #tpu.memory_space<hbm>> -> memref<16x128xf32, #tpu.memory_space<hbm>>
    tpu.enqueue_dma source(%dma_start3A_69 : memref<16x128xf32, #tpu.memory_space<hbm>>) target(%dma_start3A_67 : memref<16x128xf32, #tpu.memory_space<vmem>>) target_semaphore(%dma_start3A_63 : memref<!tpu.dma_semaphore, #tpu.memory_space<semaphore_mem>>)
    %add3A_70 = arith.constant 32 : i32
    %add3A_71 = arith.addi %add3A, %add3A_70 : i32
    %mul3A_72 = arith.constant 128 : i32
    %mul3A_73 = arith.muli %mul3A_72, %add3A_71 : i32
    %dma_start3A_74 = arith.constant 1 : i32
    %dma_start3A_75 = arith.constant 1 : i32
    %dma_start3A_76 = arith.constant 0 : i32
    %dma_start3A_77 = arith.constant 0 : i32
    %dma_start3A_78 = tpu.memref_slice %arg4[%dma_start3A_74, %dma_start3A_76, %dma_start3A_77] : memref<8x16x128xf32, #tpu.memory_space<vmem>> -> memref<1x16x128xf32, #tpu.memory_space<vmem>>
    %dma_start3A_79 = tpu.memref_squeeze %dma_start3A_78 : memref<1x16x128xf32, #tpu.memory_space<vmem>> -> memref<16x128xf32, #tpu.memory_space<vmem>>
    %dma_start3A_80 = arith.constant 0 : i32
    %dma_start3A_81 = tpu.memref_slice %arg2[%dma_start3A_80, %mul3A_73] : memref<16x1000000xf32, #tpu.memory_space<hbm>> -> memref<16x128xf32, #tpu.memory_space<hbm>>
    %dma_start3A_82 = tpu.memref_slice %arg6[%dma_start3A_75] : memref<8x!tpu.dma_semaphore, #tpu.memory_space<semaphore_mem>> -> memref<1x!tpu.dma_semaphore, #tpu.memory_space<semaphore_mem>>
    %dma_start3A_83 = tpu.memref_squeeze %dma_start3A_82 : memref<1x!tpu.dma_semaphore, #tpu.memory_space<semaphore_mem>> -> memref<!tpu.dma_semaphore, #tpu.memory_space<semaphore_mem>>
    %dma_start3A_84 = arith.constant 0 : i32
    %dma_start3A_85 = arith.constant 0 : i32
    %dma_start3A_86 = tpu.memref_slice %arg4[%dma_start3A_74, %dma_start3A_84, %dma_start3A_85] : memref<8x16x128xf32, #tpu.memory_space<vmem>> -> memref<1x16x128xf32, #tpu.memory_space<vmem>>
    %dma_start3A_87 = tpu.memref_squeeze %dma_start3A_86 : memref<1x16x128xf32, #tpu.memory_space<vmem>> -> memref<16x128xf32, #tpu.memory_space<vmem>>
    %dma_start3A_88 = arith.constant 0 : i32
    %dma_start3A_89 = tpu.memref_slice %arg2[%dma_start3A_88, %mul3A_73] : memref<16x1000000xf32, #tpu.memory_space<hbm>> -> memref<16x128xf32, #tpu.memory_space<hbm>>
    tpu.enqueue_dma source(%dma_start3A_89 : memref<16x128xf32, #tpu.memory_space<hbm>>) target(%dma_start3A_87 : memref<16x128xf32, #tpu.memory_space<vmem>>) target_semaphore(%dma_start3A_83 : memref<!tpu.dma_semaphore, #tpu.memory_space<semaphore_mem>>)
    %add3A_90 = arith.constant 64 : i32
    %add3A_91 = arith.addi %add3A, %add3A_90 : i32
    %mul3A_92 = arith.constant 128 : i32
    %mul3A_93 = arith.muli %mul3A_92, %add3A_91 : i32
    %dma_start3A_94 = arith.constant 2 : i32
    %dma_start3A_95 = arith.constant 2 : i32
    %dma_start3A_96 = arith.constant 0 : i32
    %dma_start3A_97 = arith.constant 0 : i32
    %dma_start3A_98 = tpu.memref_slice %arg4[%dma_start3A_94, %dma_start3A_96, %dma_start3A_97] : memref<8x16x128xf32, #tpu.memory_space<vmem>> -> memref<1x16x128xf32, #tpu.memory_space<vmem>>
    %dma_start3A_99 = tpu.memref_squeeze %dma_start3A_98 : memref<1x16x128xf32, #tpu.memory_space<vmem>> -> memref<16x128xf32, #tpu.memory_space<vmem>>
    %dma_start3A_100 = arith.constant 0 : i32
    %dma_start3A_101 = tpu.memref_slice %arg2[%dma_start3A_100, %mul3A_93] : memref<16x1000000xf32, #tpu.memory_space<hbm>> -> memref<16x128xf32, #tpu.memory_space<hbm>>
    %dma_start3A_102 = tpu.memref_slice %arg6[%dma_start3A_95] : memref<8x!tpu.dma_semaphore, #tpu.memory_space<semaphore_mem>> -> memref<1x!tpu.dma_semaphore, #tpu.memory_space<semaphore_mem>>
    %dma_start3A_103 = tpu.memref_squeeze %dma_start3A_102 : memref<1x!tpu.dma_semaphore, #tpu.memory_space<semaphore_mem>> -> memref<!tpu.dma_semaphore, #tpu.memory_space<semaphore_mem>>
    %dma_start3A_104 = arith.constant 0 : i32
    %dma_start3A_105 = arith.constant 0 : i32
    %dma_start3A_106 = tpu.memref_slice %arg4[%dma_start3A_94, %dma_start3A_104, %dma_start3A_105] : memref<8x16x128xf32, #tpu.memory_space<vmem>> -> memref<1x16x128xf32, #tpu.memory_space<vmem>>
    %dma_start3A_107 = tpu.memref_squeeze %dma_start3A_106 : memref<1x16x128xf32, #tpu.memory_space<vmem>> -> memref<16x128xf32, #tpu.memory_space<vmem>>
    %dma_start3A_108 = arith.constant 0 : i32
    %dma_start3A_109 = tpu.memref_slice %arg2[%dma_start3A_108, %mul3A_93] : memref<16x1000000xf32, #tpu.memory_space<hbm>> -> memref<16x128xf32, #tpu.memory_space<hbm>>
    tpu.enqueue_dma source(%dma_start3A_109 : memref<16x128xf32, #tpu.memory_space<hbm>>) target(%dma_start3A_107 : memref<16x128xf32, #tpu.memory_space<vmem>>) target_semaphore(%dma_start3A_103 : memref<!tpu.dma_semaphore, #tpu.memory_space<semaphore_mem>>)
    %add3A_110 = arith.constant 96 : i32
    %add3A_111 = arith.addi %add3A, %add3A_110 : i32
    %mul3A_112 = arith.constant 128 : i32
    %mul3A_113 = arith.muli %mul3A_112, %add3A_111 : i32
    %dma_start3A_114 = arith.constant 3 : i32
    %dma_start3A_115 = arith.constant 3 : i32
    %dma_start3A_116 = arith.constant 0 : i32
    %dma_start3A_117 = arith.constant 0 : i32
    %dma_start3A_118 = tpu.memref_slice %arg4[%dma_start3A_114, %dma_start3A_116, %dma_start3A_117] : memref<8x16x128xf32, #tpu.memory_space<vmem>> -> memref<1x16x128xf32, #tpu.memory_space<vmem>>
    %dma_start3A_119 = tpu.memref_squeeze %dma_start3A_118 : memref<1x16x128xf32, #tpu.memory_space<vmem>> -> memref<16x128xf32, #tpu.memory_space<vmem>>
    %dma_start3A_120 = arith.constant 0 : i32
    %dma_start3A_121 = tpu.memref_slice %arg2[%dma_start3A_120, %mul3A_113] : memref<16x1000000xf32, #tpu.memory_space<hbm>> -> memref<16x128xf32, #tpu.memory_space<hbm>>
    %dma_start3A_122 = tpu.memref_slice %arg6[%dma_start3A_115] : memref<8x!tpu.dma_semaphore, #tpu.memory_space<semaphore_mem>> -> memref<1x!tpu.dma_semaphore, #tpu.memory_space<semaphore_mem>>
    %dma_start3A_123 = tpu.memref_squeeze %dma_start3A_122 : memref<1x!tpu.dma_semaphore, #tpu.memory_space<semaphore_mem>> -> memref<!tpu.dma_semaphore, #tpu.memory_space<semaphore_mem>>
    %dma_start3A_124 = arith.constant 0 : i32
    %dma_start3A_125 = arith.constant 0 : i32
    %dma_start3A_126 = tpu.memref_slice %arg4[%dma_start3A_114, %dma_start3A_124, %dma_start3A_125] : memref<8x16x128xf32, #tpu.memory_space<vmem>> -> memref<1x16x128xf32, #tpu.memory_space<vmem>>
    %dma_start3A_127 = tpu.memref_squeeze %dma_start3A_126 : memref<1x16x128xf32, #tpu.memory_space<vmem>> -> memref<16x128xf32, #tpu.memory_space<vmem>>
    %dma_start3A_128 = arith.constant 0 : i32
    %dma_start3A_129 = tpu.memref_slice %arg2[%dma_start3A_128, %mul3A_113] : memref<16x1000000xf32, #tpu.memory_space<hbm>> -> memref<16x128xf32, #tpu.memory_space<hbm>>
    tpu.enqueue_dma source(%dma_start3A_129 : memref<16x128xf32, #tpu.memory_space<hbm>>) target(%dma_start3A_127 : memref<16x128xf32, #tpu.memory_space<vmem>>) target_semaphore(%dma_start3A_123 : memref<!tpu.dma_semaphore, #tpu.memory_space<semaphore_mem>>)
    %add3A_130 = arith.constant 128 : i32
    %add3A_131 = arith.addi %add3A, %add3A_130 : i32
    %mul3A_132 = arith.constant 128 : i32
    %mul3A_133 = arith.muli %mul3A_132, %add3A_131 : i32
    %dma_start3A_134 = arith.constant 4 : i32
    %dma_start3A_135 = arith.constant 4 : i32
    %dma_start3A_136 = arith.constant 0 : i32
    %dma_start3A_137 = arith.constant 0 : i32
    %dma_start3A_138 = tpu.memref_slice %arg4[%dma_start3A_134, %dma_start3A_136, %dma_start3A_137] : memref<8x16x128xf32, #tpu.memory_space<vmem>> -> memref<1x16x128xf32, #tpu.memory_space<vmem>>
    %dma_start3A_139 = tpu.memref_squeeze %dma_start3A_138 : memref<1x16x128xf32, #tpu.memory_space<vmem>> -> memref<16x128xf32, #tpu.memory_space<vmem>>
    %dma_start3A_140 = arith.constant 0 : i32
    %dma_start3A_141 = tpu.memref_slice %arg2[%dma_start3A_140, %mul3A_133] : memref<16x1000000xf32, #tpu.memory_space<hbm>> -> memref<16x128xf32, #tpu.memory_space<hbm>>
    %dma_start3A_142 = tpu.memref_slice %arg6[%dma_start3A_135] : memref<8x!tpu.dma_semaphore, #tpu.memory_space<semaphore_mem>> -> memref<1x!tpu.dma_semaphore, #tpu.memory_space<semaphore_mem>>
    %dma_start3A_143 = tpu.memref_squeeze %dma_start3A_142 : memref<1x!tpu.dma_semaphore, #tpu.memory_space<semaphore_mem>> -> memref<!tpu.dma_semaphore, #tpu.memory_space<semaphore_mem>>
    %dma_start3A_144 = arith.constant 0 : i32
    %dma_start3A_145 = arith.constant 0 : i32
    %dma_start3A_146 = tpu.memref_slice %arg4[%dma_start3A_134, %dma_start3A_144, %dma_start3A_145] : memref<8x16x128xf32, #tpu.memory_space<vmem>> -> memref<1x16x128xf32, #tpu.memory_space<vmem>>
    %dma_start3A_147 = tpu.memref_squeeze %dma_start3A_146 : memref<1x16x128xf32, #tpu.memory_space<vmem>> -> memref<16x128xf32, #tpu.memory_space<vmem>>
    %dma_start3A_148 = arith.constant 0 : i32
    %dma_start3A_149 = tpu.memref_slice %arg2[%dma_start3A_148, %mul3A_133] : memref<16x1000000xf32, #tpu.memory_space<hbm>> -> memref<16x128xf32, #tpu.memory_space<hbm>>
    tpu.enqueue_dma source(%dma_start3A_149 : memref<16x128xf32, #tpu.memory_space<hbm>>) target(%dma_start3A_147 : memref<16x128xf32, #tpu.memory_space<vmem>>) target_semaphore(%dma_start3A_143 : memref<!tpu.dma_semaphore, #tpu.memory_space<semaphore_mem>>)
    %add3A_150 = arith.constant 160 : i32
    %add3A_151 = arith.addi %add3A, %add3A_150 : i32
    %mul3A_152 = arith.constant 128 : i32
    %mul3A_153 = arith.muli %mul3A_152, %add3A_151 : i32
    %dma_start3A_154 = arith.constant 5 : i32
    %dma_start3A_155 = arith.constant 5 : i32
    %dma_start3A_156 = arith.constant 0 : i32
    %dma_start3A_157 = arith.constant 0 : i32
    %dma_start3A_158 = tpu.memref_slice %arg4[%dma_start3A_154, %dma_start3A_156, %dma_start3A_157] : memref<8x16x128xf32, #tpu.memory_space<vmem>> -> memref<1x16x128xf32, #tpu.memory_space<vmem>>
    %dma_start3A_159 = tpu.memref_squeeze %dma_start3A_158 : memref<1x16x128xf32, #tpu.memory_space<vmem>> -> memref<16x128xf32, #tpu.memory_space<vmem>>
    %dma_start3A_160 = arith.constant 0 : i32
    %dma_start3A_161 = tpu.memref_slice %arg2[%dma_start3A_160, %mul3A_153] : memref<16x1000000xf32, #tpu.memory_space<hbm>> -> memref<16x128xf32, #tpu.memory_space<hbm>>
    %dma_start3A_162 = tpu.memref_slice %arg6[%dma_start3A_155] : memref<8x!tpu.dma_semaphore, #tpu.memory_space<semaphore_mem>> -> memref<1x!tpu.dma_semaphore, #tpu.memory_space<semaphore_mem>>
    %dma_start3A_163 = tpu.memref_squeeze %dma_start3A_162 : memref<1x!tpu.dma_semaphore, #tpu.memory_space<semaphore_mem>> -> memref<!tpu.dma_semaphore, #tpu.memory_space<semaphore_mem>>
    %dma_start3A_164 = arith.constant 0 : i32
    %dma_start3A_165 = arith.constant 0 : i32
    %dma_start3A_166 = tpu.memref_slice %arg4[%dma_start3A_154, %dma_start3A_164, %dma_start3A_165] : memref<8x16x128xf32, #tpu.memory_space<vmem>> -> memref<1x16x128xf32, #tpu.memory_space<vmem>>
    %dma_start3A_167 = tpu.memref_squeeze %dma_start3A_166 : memref<1x16x128xf32, #tpu.memory_space<vmem>> -> memref<16x128xf32, #tpu.memory_space<vmem>>
    %dma_start3A_168 = arith.constant 0 : i32
    %dma_start3A_169 = tpu.memref_slice %arg2[%dma_start3A_168, %mul3A_153] : memref<16x1000000xf32, #tpu.memory_space<hbm>> -> memref<16x128xf32, #tpu.memory_space<hbm>>
    tpu.enqueue_dma source(%dma_start3A_169 : memref<16x128xf32, #tpu.memory_space<hbm>>) target(%dma_start3A_167 : memref<16x128xf32, #tpu.memory_space<vmem>>) target_semaphore(%dma_start3A_163 : memref<!tpu.dma_semaphore, #tpu.memory_space<semaphore_mem>>)
    %add3A_170 = arith.constant 192 : i32
    %add3A_171 = arith.addi %add3A, %add3A_170 : i32
    %mul3A_172 = arith.constant 128 : i32
    %mul3A_173 = arith.muli %mul3A_172, %add3A_171 : i32
    %dma_start3A_174 = arith.constant 6 : i32
    %dma_start3A_175 = arith.constant 6 : i32
    %dma_start3A_176 = arith.constant 0 : i32
    %dma_start3A_177 = arith.constant 0 : i32
    %dma_start3A_178 = tpu.memref_slice %arg4[%dma_start3A_174, %dma_start3A_176, %dma_start3A_177] : memref<8x16x128xf32, #tpu.memory_space<vmem>> -> memref<1x16x128xf32, #tpu.memory_space<vmem>>
    %dma_start3A_179 = tpu.memref_squeeze %dma_start3A_178 : memref<1x16x128xf32, #tpu.memory_space<vmem>> -> memref<16x128xf32, #tpu.memory_space<vmem>>
    %dma_start3A_180 = arith.constant 0 : i32
    %dma_start3A_181 = tpu.memref_slice %arg2[%dma_start3A_180, %mul3A_173] : memref<16x1000000xf32, #tpu.memory_space<hbm>> -> memref<16x128xf32, #tpu.memory_space<hbm>>
    %dma_start3A_182 = tpu.memref_slice %arg6[%dma_start3A_175] : memref<8x!tpu.dma_semaphore, #tpu.memory_space<semaphore_mem>> -> memref<1x!tpu.dma_semaphore, #tpu.memory_space<semaphore_mem>>
    %dma_start3A_183 = tpu.memref_squeeze %dma_start3A_182 : memref<1x!tpu.dma_semaphore, #tpu.memory_space<semaphore_mem>> -> memref<!tpu.dma_semaphore, #tpu.memory_space<semaphore_mem>>
    %dma_start3A_184 = arith.constant 0 : i32
    %dma_start3A_185 = arith.constant 0 : i32
    %dma_start3A_186 = tpu.memref_slice %arg4[%dma_start3A_174, %dma_start3A_184, %dma_start3A_185] : memref<8x16x128xf32, #tpu.memory_space<vmem>> -> memref<1x16x128xf32, #tpu.memory_space<vmem>>
    %dma_start3A_187 = tpu.memref_squeeze %dma_start3A_186 : memref<1x16x128xf32, #tpu.memory_space<vmem>> -> memref<16x128xf32, #tpu.memory_space<vmem>>
    %dma_start3A_188 = arith.constant 0 : i32
    %dma_start3A_189 = tpu.memref_slice %arg2[%dma_start3A_188, %mul3A_173] : memref<16x1000000xf32, #tpu.memory_space<hbm>> -> memref<16x128xf32, #tpu.memory_space<hbm>>
    tpu.enqueue_dma source(%dma_start3A_189 : memref<16x128xf32, #tpu.memory_space<hbm>>) target(%dma_start3A_187 : memref<16x128xf32, #tpu.memory_space<vmem>>) target_semaphore(%dma_start3A_183 : memref<!tpu.dma_semaphore, #tpu.memory_space<semaphore_mem>>)
    %add3A_190 = arith.constant 224 : i32
    %add3A_191 = arith.addi %add3A, %add3A_190 : i32
    %mul3A_192 = arith.constant 128 : i32
    %mul3A_193 = arith.muli %mul3A_192, %add3A_191 : i32
    %dma_start3A_194 = arith.constant 7 : i32
    %dma_start3A_195 = arith.constant 7 : i32
    %dma_start3A_196 = arith.constant 0 : i32
    %dma_start3A_197 = arith.constant 0 : i32
    %dma_start3A_198 = tpu.memref_slice %arg4[%dma_start3A_194, %dma_start3A_196, %dma_start3A_197] : memref<8x16x128xf32, #tpu.memory_space<vmem>> -> memref<1x16x128xf32, #tpu.memory_space<vmem>>
    %dma_start3A_199 = tpu.memref_squeeze %dma_start3A_198 : memref<1x16x128xf32, #tpu.memory_space<vmem>> -> memref<16x128xf32, #tpu.memory_space<vmem>>
    %dma_start3A_200 = arith.constant 0 : i32
    %dma_start3A_201 = tpu.memref_slice %arg2[%dma_start3A_200, %mul3A_193] : memref<16x1000000xf32, #tpu.memory_space<hbm>> -> memref<16x128xf32, #tpu.memory_space<hbm>>
    %dma_start3A_202 = tpu.memref_slice %arg6[%dma_start3A_195] : memref<8x!tpu.dma_semaphore, #tpu.memory_space<semaphore_mem>> -> memref<1x!tpu.dma_semaphore, #tpu.memory_space<semaphore_mem>>
    %dma_start3A_203 = tpu.memref_squeeze %dma_start3A_202 : memref<1x!tpu.dma_semaphore, #tpu.memory_space<semaphore_mem>> -> memref<!tpu.dma_semaphore, #tpu.memory_space<semaphore_mem>>
    %dma_start3A_204 = arith.constant 0 : i32
    %dma_start3A_205 = arith.constant 0 : i32
    %dma_start3A_206 = tpu.memref_slice %arg4[%dma_start3A_194, %dma_start3A_204, %dma_start3A_205] : memref<8x16x128xf32, #tpu.memory_space<vmem>> -> memref<1x16x128xf32, #tpu.memory_space<vmem>>
    %dma_start3A_207 = tpu.memref_squeeze %dma_start3A_206 : memref<1x16x128xf32, #tpu.memory_space<vmem>> -> memref<16x128xf32, #tpu.memory_space<vmem>>
    %dma_start3A_208 = arith.constant 0 : i32
    %dma_start3A_209 = tpu.memref_slice %arg2[%dma_start3A_208, %mul3A_193] : memref<16x1000000xf32, #tpu.memory_space<hbm>> -> memref<16x128xf32, #tpu.memory_space<hbm>>
    tpu.enqueue_dma source(%dma_start3A_209 : memref<16x128xf32, #tpu.memory_space<hbm>>) target(%dma_start3A_207 : memref<16x128xf32, #tpu.memory_space<vmem>>) target_semaphore(%dma_start3A_203 : memref<!tpu.dma_semaphore, #tpu.memory_space<semaphore_mem>>)
    %scan3A = arith.constant 0 : i32
    %scan3A_210 = arith.constant 0 : i32
    %scan3A_211 = arith.constant 245 : i32
    %scan3A_212 = arith.addi %scan3A_210, %scan3A_211 : i32
    %scan3A_213 = arith.constant 1 : i32
    scf.for %scan3A_408 = %scan3A_210 to %scan3A_212 step %scan3A_213  : i32 {
      %rem3A_409 = arith.constant 8 : i32
      %rem3A_410 = arith.remsi %scan3A_408, %rem3A_409 : i32
      %mul3A_411 = arith.constant 32 : i32
      %mul3A_412 = arith.muli %mul3A_411, %scan3A_408 : i32
      %add3A_413 = arith.addi %add3A, %mul3A_412 : i32
      %lt3A_414 = arith.constant 7813 : i32
      %lt3A_415 = arith.cmpi slt, %add3A_413, %lt3A_414 : i32
      %convert_element_type3A = arith.extui %lt3A_415 : i1 to i32
      %cond3A = arith.constant 0 : i32
      %cond3A_416 = arith.cmpi ne, %convert_element_type3A, %cond3A : i32
      scf.if %cond3A_416 {
        %mul3A_417 = arith.constant 128 : i32
        %mul3A_418 = arith.muli %mul3A_417, %add3A_413 : i32
        %dma_wait3A_419 = arith.constant 0 : i32
        %dma_wait3A_420 = arith.constant 0 : i32
        %dma_wait3A_421 = tpu.memref_slice %arg4[%rem3A_410, %dma_wait3A_419, %dma_wait3A_420] : memref<8x16x128xf32, #tpu.memory_space<vmem>> -> memref<1x16x128xf32, #tpu.memory_space<vmem>>
        %dma_wait3A_422 = tpu.memref_squeeze %dma_wait3A_421 : memref<1x16x128xf32, #tpu.memory_space<vmem>> -> memref<16x128xf32, #tpu.memory_space<vmem>>
        %dma_wait3A_423 = arith.constant 0 : i32
        %dma_wait3A_424 = tpu.memref_slice %arg2[%dma_wait3A_423, %mul3A_418] : memref<16x1000000xf32, #tpu.memory_space<hbm>> -> memref<16x128xf32, #tpu.memory_space<hbm>>
        %dma_wait3A_425 = tpu.memref_slice %arg6[%rem3A_410] : memref<8x!tpu.dma_semaphore, #tpu.memory_space<semaphore_mem>> -> memref<1x!tpu.dma_semaphore, #tpu.memory_space<semaphore_mem>>
        %dma_wait3A_426 = tpu.memref_squeeze %dma_wait3A_425 : memref<1x!tpu.dma_semaphore, #tpu.memory_space<semaphore_mem>> -> memref<!tpu.dma_semaphore, #tpu.memory_space<semaphore_mem>>
        %dma_wait3A_427 = arith.constant 0 : i32
        %dma_wait3A_428 = arith.constant 0 : i32
        %dma_wait3A_429 = tpu.memref_slice %arg4[%rem3A_410, %dma_wait3A_427, %dma_wait3A_428] : memref<8x16x128xf32, #tpu.memory_space<vmem>> -> memref<1x16x128xf32, #tpu.memory_space<vmem>>
        %dma_wait3A_430 = tpu.memref_squeeze %dma_wait3A_429 : memref<1x16x128xf32, #tpu.memory_space<vmem>> -> memref<16x128xf32, #tpu.memory_space<vmem>>
        %dma_wait3A_431 = arith.constant 0 : i32
        %dma_wait3A_432 = tpu.memref_slice %arg2[%dma_wait3A_431, %mul3A_418] : memref<16x1000000xf32, #tpu.memory_space<hbm>> -> memref<16x128xf32, #tpu.memory_space<hbm>>
        tpu.wait_dma2 semaphore(%dma_wait3A_426 : memref<!tpu.dma_semaphore, #tpu.memory_space<semaphore_mem>>) src(%dma_wait3A_432 : memref<16x128xf32, #tpu.memory_space<hbm>>) dst(%dma_wait3A_430 : memref<16x128xf32, #tpu.memory_space<vmem>>)
        %ge3A = arith.constant 8 : i32
        %ge3A_433 = arith.cmpi sge, %scan3A_408, %ge3A : i32
        %convert_element_type3A_434 = arith.extui %ge3A_433 : i1 to i32
        %cond3A_435 = arith.constant 0 : i32
        %cond3A_436 = arith.cmpi ne, %convert_element_type3A_434, %cond3A_435 : i32
        scf.if %cond3A_436 {
          %sub3A_1481 = arith.constant 256 : i32
          %sub3A_1482 = arith.subi %add3A_413, %sub3A_1481 : i32
          %mul3A_1483 = arith.constant 2048 : i32
          %mul3A_1484 = arith.muli %mul3A_1483, %rem3A_410 : i32
          %mul3A_1485 = arith.constant 2048 : i32
          %mul3A_1486 = arith.muli %mul3A_1485, %sub3A_1482 : i32
          %dma_wait3A_1487 = tpu.memref_slice %arg5[%mul3A_1484] : memref<16384xf32, #tpu.memory_space<vmem>> -> memref<2048xf32, #tpu.memory_space<vmem>>
          %dma_wait3A_1488 = tpu.memref_slice %arg3[%mul3A_1486] : memref<16001024xf32, #tpu.memory_space<hbm>> -> memref<2048xf32, #tpu.memory_space<hbm>>
          %dma_wait3A_1489 = tpu.memref_slice %arg7[%rem3A_410] : memref<8x!tpu.dma_semaphore, #tpu.memory_space<semaphore_mem>> -> memref<1x!tpu.dma_semaphore, #tpu.memory_space<semaphore_mem>>
          %dma_wait3A_1490 = tpu.memref_squeeze %dma_wait3A_1489 : memref<1x!tpu.dma_semaphore, #tpu.memory_space<semaphore_mem>> -> memref<!tpu.dma_semaphore, #tpu.memory_space<semaphore_mem>>
          %dma_wait3A_1491 = tpu.memref_slice %arg3[%mul3A_1486] : memref<16001024xf32, #tpu.memory_space<hbm>> -> memref<2048xf32, #tpu.memory_space<hbm>>
          %dma_wait3A_1492 = tpu.memref_slice %arg5[%mul3A_1484] : memref<16384xf32, #tpu.memory_space<vmem>> -> memref<2048xf32, #tpu.memory_space<vmem>>
          tpu.wait_dma2 semaphore(%dma_wait3A_1490 : memref<!tpu.dma_semaphore, #tpu.memory_space<semaphore_mem>>) src(%dma_wait3A_1492 : memref<2048xf32, #tpu.memory_space<vmem>>) dst(%dma_wait3A_1491 : memref<2048xf32, #tpu.memory_space<hbm>>)
        } else {
        }
        %mul3A_437 = arith.constant 2048 : i32
        %mul3A_438 = arith.muli %mul3A_437, %rem3A_410 : i32
        %add3A_439 = vector.broadcast %mul3A_438 : i32 to vector<16xi32>
        %add3A_440 = arith.addi %add3A_50, %add3A_439 : vector<16xi32>
        %get3A = arith.constant 0 : i32
        %get3A_441 = arith.index_cast %rem3A_410 : i32 to index
        %get3A_442 = arith.index_cast %get3A : i32 to index
        %get3A_443 = arith.constant 0 : index
        %get3A_444 = tpu.vector_load %arg4[%get3A_441, %get3A_442, %get3A_443] {strides = array<i32>} : memref<8x16x128xf32, #tpu.memory_space<vmem>>, vector<16xf32>,
        %add3A_445 = arith.constant 0 : i32
        %add3A_446 = vector.broadcast %add3A_445 : i32 to vector<16xi32>
        %add3A_447 = arith.addi %add3A_440, %add3A_446 : vector<16xi32>
        tpu.vector_store_idx %arg5[%add3A_447], %get3A_444 : memref<16384xf32, #tpu.memory_space<vmem>>[vector<16xi32>], vector<16xf32>,
        %get3A_448 = arith.constant 0 : i32
        %get3A_449 = arith.index_cast %rem3A_410 : i32 to index
        %get3A_450 = arith.index_cast %get3A_448 : i32 to index
        %get3A_451 = arith.constant 16 : index
        %get3A_452 = tpu.vector_load %arg4[%get3A_449, %get3A_450, %get3A_451] {strides = array<i32>} : memref<8x16x128xf32, #tpu.memory_space<vmem>>, vector<16xf32>,
        %add3A_453 = arith.constant 256 : i32
        %add3A_454 = vector.broadcast %add3A_453 : i32 to vector<16xi32>
        %add3A_455 = arith.addi %add3A_440, %add3A_454 : vector<16xi32>
        tpu.vector_store_idx %arg5[%add3A_455], %get3A_452 : memref<16384xf32, #tpu.memory_space<vmem>>[vector<16xi32>], vector<16xf32>,
        %get3A_456 = arith.constant 0 : i32
        %get3A_457 = arith.index_cast %rem3A_410 : i32 to index
        %get3A_458 = arith.index_cast %get3A_456 : i32 to index
        %get3A_459 = arith.constant 32 : index
        %get3A_460 = tpu.vector_load %arg4[%get3A_457, %get3A_458, %get3A_459] {strides = array<i32>} : memref<8x16x128xf32, #tpu.memory_space<vmem>>, vector<16xf32>,
        %add3A_461 = arith.constant 512 : i32
        %add3A_462 = vector.broadcast %add3A_461 : i32 to vector<16xi32>
        %add3A_463 = arith.addi %add3A_440, %add3A_462 : vector<16xi32>
        tpu.vector_store_idx %arg5[%add3A_463], %get3A_460 : memref<16384xf32, #tpu.memory_space<vmem>>[vector<16xi32>], vector<16xf32>,
        %get3A_464 = arith.constant 0 : i32
        %get3A_465 = arith.index_cast %rem3A_410 : i32 to index
        %get3A_466 = arith.index_cast %get3A_464 : i32 to index
        %get3A_467 = arith.constant 48 : index
        %get3A_468 = tpu.vector_load %arg4[%get3A_465, %get3A_466, %get3A_467] {strides = array<i32>} : memref<8x16x128xf32, #tpu.memory_space<vmem>>, vector<16xf32>,
        %add3A_469 = arith.constant 768 : i32
        %add3A_470 = vector.broadcast %add3A_469 : i32 to vector<16xi32>
        %add3A_471 = arith.addi %add3A_440, %add3A_470 : vector<16xi32>
        tpu.vector_store_idx %arg5[%add3A_471], %get3A_468 : memref<16384xf32, #tpu.memory_space<vmem>>[vector<16xi32>], vector<16xf32>,
        %get3A_472 = arith.constant 0 : i32
        %get3A_473 = arith.index_cast %rem3A_410 : i32 to index
        %get3A_474 = arith.index_cast %get3A_472 : i32 to index
        %get3A_475 = arith.constant 64 : index
        %get3A_476 = tpu.vector_load %arg4[%get3A_473, %get3A_474, %get3A_475] {strides = array<i32>} : memref<8x16x128xf32, #tpu.memory_space<vmem>>, vector<16xf32>,
        %add3A_477 = arith.constant 1024 : i32
        %add3A_478 = vector.broadcast %add3A_477 : i32 to vector<16xi32>
        %add3A_479 = arith.addi %add3A_440, %add3A_478 : vector<16xi32>
        tpu.vector_store_idx %arg5[%add3A_479], %get3A_476 : memref<16384xf32, #tpu.memory_space<vmem>>[vector<16xi32>], vector<16xf32>,
        %get3A_480 = arith.constant 0 : i32
        %get3A_481 = arith.index_cast %rem3A_410 : i32 to index
        %get3A_482 = arith.index_cast %get3A_480 : i32 to index
        %get3A_483 = arith.constant 80 : index
        %get3A_484 = tpu.vector_load %arg4[%get3A_481, %get3A_482, %get3A_483] {strides = array<i32>} : memref<8x16x128xf32, #tpu.memory_space<vmem>>, vector<16xf32>,
        %add3A_485 = arith.constant 1280 : i32
        %add3A_486 = vector.broadcast %add3A_485 : i32 to vector<16xi32>
        %add3A_487 = arith.addi %add3A_440, %add3A_486 : vector<16xi32>
        tpu.vector_store_idx %arg5[%add3A_487], %get3A_484 : memref<16384xf32, #tpu.memory_space<vmem>>[vector<16xi32>], vector<16xf32>,
        %get3A_488 = arith.constant 0 : i32
        %get3A_489 = arith.index_cast %rem3A_410 : i32 to index
        %get3A_490 = arith.index_cast %get3A_488 : i32 to index
        %get3A_491 = arith.constant 96 : index
        %get3A_492 = tpu.vector_load %arg4[%get3A_489, %get3A_490, %get3A_491] {strides = array<i32>} : memref<8x16x128xf32, #tpu.memory_space<vmem>>, vector<16xf32>,
        %add3A_493 = arith.constant 1536 : i32
        %add3A_494 = vector.broadcast %add3A_493 : i32 to vector<16xi32>
        %add3A_495 = arith.addi %add3A_440, %add3A_494 : vector<16xi32>
        tpu.vector_store_idx %arg5[%add3A_495], %get3A_492 : memref<16384xf32, #tpu.memory_space<vmem>>[vector<16xi32>], vector<16xf32>,
        %get3A_496 = arith.constant 0 : i32
        %get3A_497 = arith.index_cast %rem3A_410 : i32 to index
        %get3A_498 = arith.index_cast %get3A_496 : i32 to index
        %get3A_499 = arith.constant 112 : index
        %get3A_500 = tpu.vector_load %arg4[%get3A_497, %get3A_498, %get3A_499] {strides = array<i32>} : memref<8x16x128xf32, #tpu.memory_space<vmem>>, vector<16xf32>,
        %add3A_501 = arith.constant 1792 : i32
        %add3A_502 = vector.broadcast %add3A_501 : i32 to vector<16xi32>
        %add3A_503 = arith.addi %add3A_440, %add3A_502 : vector<16xi32>
        tpu.vector_store_idx %arg5[%add3A_503], %get3A_500 : memref<16384xf32, #tpu.memory_space<vmem>>[vector<16xi32>], vector<16xf32>,
        %get3A_504 = arith.constant 1 : i32
        %get3A_505 = arith.index_cast %rem3A_410 : i32 to index
        %get3A_506 = arith.index_cast %get3A_504 : i32 to index
        %get3A_507 = arith.constant 0 : index
        %get3A_508 = tpu.vector_load %arg4[%get3A_505, %get3A_506, %get3A_507] {strides = array<i32>} : memref<8x16x128xf32, #tpu.memory_space<vmem>>, vector<16xf32>,
        %add3A_509 = arith.constant 1 : i32
        %add3A_510 = vector.broadcast %add3A_509 : i32 to vector<16xi32>
        %add3A_511 = arith.addi %add3A_440, %add3A_510 : vector<16xi32>
        tpu.vector_store_idx %arg5[%add3A_511], %get3A_508 : memref<16384xf32, #tpu.memory_space<vmem>>[vector<16xi32>], vector<16xf32>,
        %get3A_512 = arith.constant 1 : i32
        %get3A_513 = arith.index_cast %rem3A_410 : i32 to index
        %get3A_514 = arith.index_cast %get3A_512 : i32 to index
        %get3A_515 = arith.constant 16 : index
        %get3A_516 = tpu.vector_load %arg4[%get3A_513, %get3A_514, %get3A_515] {strides = array<i32>} : memref<8x16x128xf32, #tpu.memory_space<vmem>>, vector<16xf32>,
        %add3A_517 = arith.constant 257 : i32
        %add3A_518 = vector.broadcast %add3A_517 : i32 to vector<16xi32>
        %add3A_519 = arith.addi %add3A_440, %add3A_518 : vector<16xi32>
        tpu.vector_store_idx %arg5[%add3A_519], %get3A_516 : memref<16384xf32, #tpu.memory_space<vmem>>[vector<16xi32>], vector<16xf32>,
        %get3A_520 = arith.constant 1 : i32
        %get3A_521 = arith.index_cast %rem3A_410 : i32 to index
        %get3A_522 = arith.index_cast %get3A_520 : i32 to index
        %get3A_523 = arith.constant 32 : index
        %get3A_524 = tpu.vector_load %arg4[%get3A_521, %get3A_522, %get3A_523] {strides = array<i32>} : memref<8x16x128xf32, #tpu.memory_space<vmem>>, vector<16xf32>,
        %add3A_525 = arith.constant 513 : i32
        %add3A_526 = vector.broadcast %add3A_525 : i32 to vector<16xi32>
        %add3A_527 = arith.addi %add3A_440, %add3A_526 : vector<16xi32>
        tpu.vector_store_idx %arg5[%add3A_527], %get3A_524 : memref<16384xf32, #tpu.memory_space<vmem>>[vector<16xi32>], vector<16xf32>,
        %get3A_528 = arith.constant 1 : i32
        %get3A_529 = arith.index_cast %rem3A_410 : i32 to index
        %get3A_530 = arith.index_cast %get3A_528 : i32 to index
        %get3A_531 = arith.constant 48 : index
        %get3A_532 = tpu.vector_load %arg4[%get3A_529, %get3A_530, %get3A_531] {strides = array<i32>} : memref<8x16x128xf32, #tpu.memory_space<vmem>>, vector<16xf32>,
        %add3A_533 = arith.constant 769 : i32
        %add3A_534 = vector.broadcast %add3A_533 : i32 to vector<16xi32>
        %add3A_535 = arith.addi %add3A_440, %add3A_534 : vector<16xi32>
        tpu.vector_store_idx %arg5[%add3A_535], %get3A_532 : memref<16384xf32, #tpu.memory_space<vmem>>[vector<16xi32>], vector<16xf32>,
        %get3A_536 = arith.constant 1 : i32
        %get3A_537 = arith.index_cast %rem3A_410 : i32 to index
        %get3A_538 = arith.index_cast %get3A_536 : i32 to index
        %get3A_539 = arith.constant 64 : index
        %get3A_540 = tpu.vector_load %arg4[%get3A_537, %get3A_538, %get3A_539] {strides = array<i32>} : memref<8x16x128xf32, #tpu.memory_space<vmem>>, vector<16xf32>,
        %add3A_541 = arith.constant 1025 : i32
        %add3A_542 = vector.broadcast %add3A_541 : i32 to vector<16xi32>
        %add3A_543 = arith.addi %add3A_440, %add3A_542 : vector<16xi32>
        tpu.vector_store_idx %arg5[%add3A_543], %get3A_540 : memref<16384xf32, #tpu.memory_space<vmem>>[vector<16xi32>], vector<16xf32>,
        %get3A_544 = arith.constant 1 : i32
        %get3A_545 = arith.index_cast %rem3A_410 : i32 to index
        %get3A_546 = arith.index_cast %get3A_544 : i32 to index
        %get3A_547 = arith.constant 80 : index
        %get3A_548 = tpu.vector_load %arg4[%get3A_545, %get3A_546, %get3A_547] {strides = array<i32>} : memref<8x16x128xf32, #tpu.memory_space<vmem>>, vector<16xf32>,
        %add3A_549 = arith.constant 1281 : i32
        %add3A_550 = vector.broadcast %add3A_549 : i32 to vector<16xi32>
        %add3A_551 = arith.addi %add3A_440, %add3A_550 : vector<16xi32>
        tpu.vector_store_idx %arg5[%add3A_551], %get3A_548 : memref<16384xf32, #tpu.memory_space<vmem>>[vector<16xi32>], vector<16xf32>,
        %get3A_552 = arith.constant 1 : i32
        %get3A_553 = arith.index_cast %rem3A_410 : i32 to index
        %get3A_554 = arith.index_cast %get3A_552 : i32 to index
        %get3A_555 = arith.constant 96 : index
        %get3A_556 = tpu.vector_load %arg4[%get3A_553, %get3A_554, %get3A_555] {strides = array<i32>} : memref<8x16x128xf32, #tpu.memory_space<vmem>>, vector<16xf32>,
        %add3A_557 = arith.constant 1537 : i32
        %add3A_558 = vector.broadcast %add3A_557 : i32 to vector<16xi32>
        %add3A_559 = arith.addi %add3A_440, %add3A_558 : vector<16xi32>
        tpu.vector_store_idx %arg5[%add3A_559], %get3A_556 : memref<16384xf32, #tpu.memory_space<vmem>>[vector<16xi32>], vector<16xf32>,
        %get3A_560 = arith.constant 1 : i32
        %get3A_561 = arith.index_cast %rem3A_410 : i32 to index
        %get3A_562 = arith.index_cast %get3A_560 : i32 to index
        %get3A_563 = arith.constant 112 : index
        %get3A_564 = tpu.vector_load %arg4[%get3A_561, %get3A_562, %get3A_563] {strides = array<i32>} : memref<8x16x128xf32, #tpu.memory_space<vmem>>, vector<16xf32>,
        %add3A_565 = arith.constant 1793 : i32
        %add3A_566 = vector.broadcast %add3A_565 : i32 to vector<16xi32>
        %add3A_567 = arith.addi %add3A_440, %add3A_566 : vector<16xi32>
        tpu.vector_store_idx %arg5[%add3A_567], %get3A_564 : memref<16384xf32, #tpu.memory_space<vmem>>[vector<16xi32>], vector<16xf32>,
        %get3A_568 = arith.constant 2 : i32
        %get3A_569 = arith.index_cast %rem3A_410 : i32 to index
        %get3A_570 = arith.index_cast %get3A_568 : i32 to index
        %get3A_571 = arith.constant 0 : index
        %get3A_572 = tpu.vector_load %arg4[%get3A_569, %get3A_570, %get3A_571] {strides = array<i32>} : memref<8x16x128xf32, #tpu.memory_space<vmem>>, vector<16xf32>,
        %add3A_573 = arith.constant 2 : i32
        %add3A_574 = vector.broadcast %add3A_573 : i32 to vector<16xi32>
        %add3A_575 = arith.addi %add3A_440, %add3A_574 : vector<16xi32>
        tpu.vector_store_idx %arg5[%add3A_575], %get3A_572 : memref<16384xf32, #tpu.memory_space<vmem>>[vector<16xi32>], vector<16xf32>,
        %get3A_576 = arith.constant 2 : i32
        %get3A_577 = arith.index_cast %rem3A_410 : i32 to index
        %get3A_578 = arith.index_cast %get3A_576 : i32 to index
        %get3A_579 = arith.constant 16 : index
        %get3A_580 = tpu.vector_load %arg4[%get3A_577, %get3A_578, %get3A_579] {strides = array<i32>} : memref<8x16x128xf32, #tpu.memory_space<vmem>>, vector<16xf32>,
        %add3A_581 = arith.constant 258 : i32
        %add3A_582 = vector.broadcast %add3A_581 : i32 to vector<16xi32>
        %add3A_583 = arith.addi %add3A_440, %add3A_582 : vector<16xi32>
        tpu.vector_store_idx %arg5[%add3A_583], %get3A_580 : memref<16384xf32, #tpu.memory_space<vmem>>[vector<16xi32>], vector<16xf32>,
        %get3A_584 = arith.constant 2 : i32
        %get3A_585 = arith.index_cast %rem3A_410 : i32 to index
        %get3A_586 = arith.index_cast %get3A_584 : i32 to index
        %get3A_587 = arith.constant 32 : index
        %get3A_588 = tpu.vector_load %arg4[%get3A_585, %get3A_586, %get3A_587] {strides = array<i32>} : memref<8x16x128xf32, #tpu.memory_space<vmem>>, vector<16xf32>,
        %add3A_589 = arith.constant 514 : i32
        %add3A_590 = vector.broadcast %add3A_589 : i32 to vector<16xi32>
        %add3A_591 = arith.addi %add3A_440, %add3A_590 : vector<16xi32>
        tpu.vector_store_idx %arg5[%add3A_591], %get3A_588 : memref<16384xf32, #tpu.memory_space<vmem>>[vector<16xi32>], vector<16xf32>,
        %get3A_592 = arith.constant 2 : i32
        %get3A_593 = arith.index_cast %rem3A_410 : i32 to index
        %get3A_594 = arith.index_cast %get3A_592 : i32 to index
        %get3A_595 = arith.constant 48 : index
        %get3A_596 = tpu.vector_load %arg4[%get3A_593, %get3A_594, %get3A_595] {strides = array<i32>} : memref<8x16x128xf32, #tpu.memory_space<vmem>>, vector<16xf32>,
        %add3A_597 = arith.constant 770 : i32
        %add3A_598 = vector.broadcast %add3A_597 : i32 to vector<16xi32>
        %add3A_599 = arith.addi %add3A_440, %add3A_598 : vector<16xi32>
        tpu.vector_store_idx %arg5[%add3A_599], %get3A_596 : memref<16384xf32, #tpu.memory_space<vmem>>[vector<16xi32>], vector<16xf32>,
        %get3A_600 = arith.constant 2 : i32
        %get3A_601 = arith.index_cast %rem3A_410 : i32 to index
        %get3A_602 = arith.index_cast %get3A_600 : i32 to index
        %get3A_603 = arith.constant 64 : index
        %get3A_604 = tpu.vector_load %arg4[%get3A_601, %get3A_602, %get3A_603] {strides = array<i32>} : memref<8x16x128xf32, #tpu.memory_space<vmem>>, vector<16xf32>,
        %add3A_605 = arith.constant 1026 : i32
        %add3A_606 = vector.broadcast %add3A_605 : i32 to vector<16xi32>
        %add3A_607 = arith.addi %add3A_440, %add3A_606 : vector<16xi32>
        tpu.vector_store_idx %arg5[%add3A_607], %get3A_604 : memref<16384xf32, #tpu.memory_space<vmem>>[vector<16xi32>], vector<16xf32>,
        %get3A_608 = arith.constant 2 : i32
        %get3A_609 = arith.index_cast %rem3A_410 : i32 to index
        %get3A_610 = arith.index_cast %get3A_608 : i32 to index
        %get3A_611 = arith.constant 80 : index
        %get3A_612 = tpu.vector_load %arg4[%get3A_609, %get3A_610, %get3A_611] {strides = array<i32>} : memref<8x16x128xf32, #tpu.memory_space<vmem>>, vector<16xf32>,
        %add3A_613 = arith.constant 1282 : i32
        %add3A_614 = vector.broadcast %add3A_613 : i32 to vector<16xi32>
        %add3A_615 = arith.addi %add3A_440, %add3A_614 : vector<16xi32>
        tpu.vector_store_idx %arg5[%add3A_615], %get3A_612 : memref<16384xf32, #tpu.memory_space<vmem>>[vector<16xi32>], vector<16xf32>,
        %get3A_616 = arith.constant 2 : i32
        %get3A_617 = arith.index_cast %rem3A_410 : i32 to index
        %get3A_618 = arith.index_cast %get3A_616 : i32 to index
        %get3A_619 = arith.constant 96 : index
        %get3A_620 = tpu.vector_load %arg4[%get3A_617, %get3A_618, %get3A_619] {strides = array<i32>} : memref<8x16x128xf32, #tpu.memory_space<vmem>>, vector<16xf32>,
        %add3A_621 = arith.constant 1538 : i32
        %add3A_622 = vector.broadcast %add3A_621 : i32 to vector<16xi32>
        %add3A_623 = arith.addi %add3A_440, %add3A_622 : vector<16xi32>
        tpu.vector_store_idx %arg5[%add3A_623], %get3A_620 : memref<16384xf32, #tpu.memory_space<vmem>>[vector<16xi32>], vector<16xf32>,
        %get3A_624 = arith.constant 2 : i32
        %get3A_625 = arith.index_cast %rem3A_410 : i32 to index
        %get3A_626 = arith.index_cast %get3A_624 : i32 to index
        %get3A_627 = arith.constant 112 : index
        %get3A_628 = tpu.vector_load %arg4[%get3A_625, %get3A_626, %get3A_627] {strides = array<i32>} : memref<8x16x128xf32, #tpu.memory_space<vmem>>, vector<16xf32>,
        %add3A_629 = arith.constant 1794 : i32
        %add3A_630 = vector.broadcast %add3A_629 : i32 to vector<16xi32>
        %add3A_631 = arith.addi %add3A_440, %add3A_630 : vector<16xi32>
        tpu.vector_store_idx %arg5[%add3A_631], %get3A_628 : memref<16384xf32, #tpu.memory_space<vmem>>[vector<16xi32>], vector<16xf32>,
        %get3A_632 = arith.constant 3 : i32
        %get3A_633 = arith.index_cast %rem3A_410 : i32 to index
        %get3A_634 = arith.index_cast %get3A_632 : i32 to index
        %get3A_635 = arith.constant 0 : index
        %get3A_636 = tpu.vector_load %arg4[%get3A_633, %get3A_634, %get3A_635] {strides = array<i32>} : memref<8x16x128xf32, #tpu.memory_space<vmem>>, vector<16xf32>,
        %add3A_637 = arith.constant 3 : i32
        %add3A_638 = vector.broadcast %add3A_637 : i32 to vector<16xi32>
        %add3A_639 = arith.addi %add3A_440, %add3A_638 : vector<16xi32>
        tpu.vector_store_idx %arg5[%add3A_639], %get3A_636 : memref<16384xf32, #tpu.memory_space<vmem>>[vector<16xi32>], vector<16xf32>,
        %get3A_640 = arith.constant 3 : i32
        %get3A_641 = arith.index_cast %rem3A_410 : i32 to index
        %get3A_642 = arith.index_cast %get3A_640 : i32 to index
        %get3A_643 = arith.constant 16 : index
        %get3A_644 = tpu.vector_load %arg4[%get3A_641, %get3A_642, %get3A_643] {strides = array<i32>} : memref<8x16x128xf32, #tpu.memory_space<vmem>>, vector<16xf32>,
        %add3A_645 = arith.constant 259 : i32
        %add3A_646 = vector.broadcast %add3A_645 : i32 to vector<16xi32>
        %add3A_647 = arith.addi %add3A_440, %add3A_646 : vector<16xi32>
        tpu.vector_store_idx %arg5[%add3A_647], %get3A_644 : memref<16384xf32, #tpu.memory_space<vmem>>[vector<16xi32>], vector<16xf32>,
        %get3A_648 = arith.constant 3 : i32
        %get3A_649 = arith.index_cast %rem3A_410 : i32 to index
        %get3A_650 = arith.index_cast %get3A_648 : i32 to index
        %get3A_651 = arith.constant 32 : index
        %get3A_652 = tpu.vector_load %arg4[%get3A_649, %get3A_650, %get3A_651] {strides = array<i32>} : memref<8x16x128xf32, #tpu.memory_space<vmem>>, vector<16xf32>,
        %add3A_653 = arith.constant 515 : i32
        %add3A_654 = vector.broadcast %add3A_653 : i32 to vector<16xi32>
        %add3A_655 = arith.addi %add3A_440, %add3A_654 : vector<16xi32>
        tpu.vector_store_idx %arg5[%add3A_655], %get3A_652 : memref<16384xf32, #tpu.memory_space<vmem>>[vector<16xi32>], vector<16xf32>,
        %get3A_656 = arith.constant 3 : i32
        %get3A_657 = arith.index_cast %rem3A_410 : i32 to index
        %get3A_658 = arith.index_cast %get3A_656 : i32 to index
        %get3A_659 = arith.constant 48 : index
        %get3A_660 = tpu.vector_load %arg4[%get3A_657, %get3A_658, %get3A_659] {strides = array<i32>} : memref<8x16x128xf32, #tpu.memory_space<vmem>>, vector<16xf32>,
        %add3A_661 = arith.constant 771 : i32
        %add3A_662 = vector.broadcast %add3A_661 : i32 to vector<16xi32>
        %add3A_663 = arith.addi %add3A_440, %add3A_662 : vector<16xi32>
        tpu.vector_store_idx %arg5[%add3A_663], %get3A_660 : memref<16384xf32, #tpu.memory_space<vmem>>[vector<16xi32>], vector<16xf32>,
        %get3A_664 = arith.constant 3 : i32
        %get3A_665 = arith.index_cast %rem3A_410 : i32 to index
        %get3A_666 = arith.index_cast %get3A_664 : i32 to index
        %get3A_667 = arith.constant 64 : index
        %get3A_668 = tpu.vector_load %arg4[%get3A_665, %get3A_666, %get3A_667] {strides = array<i32>} : memref<8x16x128xf32, #tpu.memory_space<vmem>>, vector<16xf32>,
        %add3A_669 = arith.constant 1027 : i32
        %add3A_670 = vector.broadcast %add3A_669 : i32 to vector<16xi32>
        %add3A_671 = arith.addi %add3A_440, %add3A_670 : vector<16xi32>
        tpu.vector_store_idx %arg5[%add3A_671], %get3A_668 : memref<16384xf32, #tpu.memory_space<vmem>>[vector<16xi32>], vector<16xf32>,
        %get3A_672 = arith.constant 3 : i32
        %get3A_673 = arith.index_cast %rem3A_410 : i32 to index
        %get3A_674 = arith.index_cast %get3A_672 : i32 to index
        %get3A_675 = arith.constant 80 : index
        %get3A_676 = tpu.vector_load %arg4[%get3A_673, %get3A_674, %get3A_675] {strides = array<i32>} : memref<8x16x128xf32, #tpu.memory_space<vmem>>, vector<16xf32>,
        %add3A_677 = arith.constant 1283 : i32
        %add3A_678 = vector.broadcast %add3A_677 : i32 to vector<16xi32>
        %add3A_679 = arith.addi %add3A_440, %add3A_678 : vector<16xi32>
        tpu.vector_store_idx %arg5[%add3A_679], %get3A_676 : memref<16384xf32, #tpu.memory_space<vmem>>[vector<16xi32>], vector<16xf32>,
        %get3A_680 = arith.constant 3 : i32
        %get3A_681 = arith.index_cast %rem3A_410 : i32 to index
        %get3A_682 = arith.index_cast %get3A_680 : i32 to index
        %get3A_683 = arith.constant 96 : index
        %get3A_684 = tpu.vector_load %arg4[%get3A_681, %get3A_682, %get3A_683] {strides = array<i32>} : memref<8x16x128xf32, #tpu.memory_space<vmem>>, vector<16xf32>,
        %add3A_685 = arith.constant 1539 : i32
        %add3A_686 = vector.broadcast %add3A_685 : i32 to vector<16xi32>
        %add3A_687 = arith.addi %add3A_440, %add3A_686 : vector<16xi32>
        tpu.vector_store_idx %arg5[%add3A_687], %get3A_684 : memref<16384xf32, #tpu.memory_space<vmem>>[vector<16xi32>], vector<16xf32>,
        %get3A_688 = arith.constant 3 : i32
        %get3A_689 = arith.index_cast %rem3A_410 : i32 to index
        %get3A_690 = arith.index_cast %get3A_688 : i32 to index
        %get3A_691 = arith.constant 112 : index
        %get3A_692 = tpu.vector_load %arg4[%get3A_689, %get3A_690, %get3A_691] {strides = array<i32>} : memref<8x16x128xf32, #tpu.memory_space<vmem>>, vector<16xf32>,
        %add3A_693 = arith.constant 1795 : i32
        %add3A_694 = vector.broadcast %add3A_693 : i32 to vector<16xi32>
        %add3A_695 = arith.addi %add3A_440, %add3A_694 : vector<16xi32>
        tpu.vector_store_idx %arg5[%add3A_695], %get3A_692 : memref<16384xf32, #tpu.memory_space<vmem>>[vector<16xi32>], vector<16xf32>,
        %get3A_696 = arith.constant 4 : i32
        %get3A_697 = arith.index_cast %rem3A_410 : i32 to index
        %get3A_698 = arith.index_cast %get3A_696 : i32 to index
        %get3A_699 = arith.constant 0 : index
        %get3A_700 = tpu.vector_load %arg4[%get3A_697, %get3A_698, %get3A_699] {strides = array<i32>} : memref<8x16x128xf32, #tpu.memory_space<vmem>>, vector<16xf32>,
        %add3A_701 = arith.constant 4 : i32
        %add3A_702 = vector.broadcast %add3A_701 : i32 to vector<16xi32>
        %add3A_703 = arith.addi %add3A_440, %add3A_702 : vector<16xi32>
        tpu.vector_store_idx %arg5[%add3A_703], %get3A_700 : memref<16384xf32, #tpu.memory_space<vmem>>[vector<16xi32>], vector<16xf32>,
        %get3A_704 = arith.constant 4 : i32
        %get3A_705 = arith.index_cast %rem3A_410 : i32 to index
        %get3A_706 = arith.index_cast %get3A_704 : i32 to index
        %get3A_707 = arith.constant 16 : index
        %get3A_708 = tpu.vector_load %arg4[%get3A_705, %get3A_706, %get3A_707] {strides = array<i32>} : memref<8x16x128xf32, #tpu.memory_space<vmem>>, vector<16xf32>,
        %add3A_709 = arith.constant 260 : i32
        %add3A_710 = vector.broadcast %add3A_709 : i32 to vector<16xi32>
        %add3A_711 = arith.addi %add3A_440, %add3A_710 : vector<16xi32>
        tpu.vector_store_idx %arg5[%add3A_711], %get3A_708 : memref<16384xf32, #tpu.memory_space<vmem>>[vector<16xi32>], vector<16xf32>,
        %get3A_712 = arith.constant 4 : i32
        %get3A_713 = arith.index_cast %rem3A_410 : i32 to index
        %get3A_714 = arith.index_cast %get3A_712 : i32 to index
        %get3A_715 = arith.constant 32 : index
        %get3A_716 = tpu.vector_load %arg4[%get3A_713, %get3A_714, %get3A_715] {strides = array<i32>} : memref<8x16x128xf32, #tpu.memory_space<vmem>>, vector<16xf32>,
        %add3A_717 = arith.constant 516 : i32
        %add3A_718 = vector.broadcast %add3A_717 : i32 to vector<16xi32>
        %add3A_719 = arith.addi %add3A_440, %add3A_718 : vector<16xi32>
        tpu.vector_store_idx %arg5[%add3A_719], %get3A_716 : memref<16384xf32, #tpu.memory_space<vmem>>[vector<16xi32>], vector<16xf32>,
        %get3A_720 = arith.constant 4 : i32
        %get3A_721 = arith.index_cast %rem3A_410 : i32 to index
        %get3A_722 = arith.index_cast %get3A_720 : i32 to index
        %get3A_723 = arith.constant 48 : index
        %get3A_724 = tpu.vector_load %arg4[%get3A_721, %get3A_722, %get3A_723] {strides = array<i32>} : memref<8x16x128xf32, #tpu.memory_space<vmem>>, vector<16xf32>,
        %add3A_725 = arith.constant 772 : i32
        %add3A_726 = vector.broadcast %add3A_725 : i32 to vector<16xi32>
        %add3A_727 = arith.addi %add3A_440, %add3A_726 : vector<16xi32>
        tpu.vector_store_idx %arg5[%add3A_727], %get3A_724 : memref<16384xf32, #tpu.memory_space<vmem>>[vector<16xi32>], vector<16xf32>,
        %get3A_728 = arith.constant 4 : i32
        %get3A_729 = arith.index_cast %rem3A_410 : i32 to index
        %get3A_730 = arith.index_cast %get3A_728 : i32 to index
        %get3A_731 = arith.constant 64 : index
        %get3A_732 = tpu.vector_load %arg4[%get3A_729, %get3A_730, %get3A_731] {strides = array<i32>} : memref<8x16x128xf32, #tpu.memory_space<vmem>>, vector<16xf32>,
        %add3A_733 = arith.constant 1028 : i32
        %add3A_734 = vector.broadcast %add3A_733 : i32 to vector<16xi32>
        %add3A_735 = arith.addi %add3A_440, %add3A_734 : vector<16xi32>
        tpu.vector_store_idx %arg5[%add3A_735], %get3A_732 : memref<16384xf32, #tpu.memory_space<vmem>>[vector<16xi32>], vector<16xf32>,
        %get3A_736 = arith.constant 4 : i32
        %get3A_737 = arith.index_cast %rem3A_410 : i32 to index
        %get3A_738 = arith.index_cast %get3A_736 : i32 to index
        %get3A_739 = arith.constant 80 : index
        %get3A_740 = tpu.vector_load %arg4[%get3A_737, %get3A_738, %get3A_739] {strides = array<i32>} : memref<8x16x128xf32, #tpu.memory_space<vmem>>, vector<16xf32>,
        %add3A_741 = arith.constant 1284 : i32
        %add3A_742 = vector.broadcast %add3A_741 : i32 to vector<16xi32>
        %add3A_743 = arith.addi %add3A_440, %add3A_742 : vector<16xi32>
        tpu.vector_store_idx %arg5[%add3A_743], %get3A_740 : memref<16384xf32, #tpu.memory_space<vmem>>[vector<16xi32>], vector<16xf32>,
        %get3A_744 = arith.constant 4 : i32
        %get3A_745 = arith.index_cast %rem3A_410 : i32 to index
        %get3A_746 = arith.index_cast %get3A_744 : i32 to index
        %get3A_747 = arith.constant 96 : index
        %get3A_748 = tpu.vector_load %arg4[%get3A_745, %get3A_746, %get3A_747] {strides = array<i32>} : memref<8x16x128xf32, #tpu.memory_space<vmem>>, vector<16xf32>,
        %add3A_749 = arith.constant 1540 : i32
        %add3A_750 = vector.broadcast %add3A_749 : i32 to vector<16xi32>
        %add3A_751 = arith.addi %add3A_440, %add3A_750 : vector<16xi32>
        tpu.vector_store_idx %arg5[%add3A_751], %get3A_748 : memref<16384xf32, #tpu.memory_space<vmem>>[vector<16xi32>], vector<16xf32>,
        %get3A_752 = arith.constant 4 : i32
        %get3A_753 = arith.index_cast %rem3A_410 : i32 to index
        %get3A_754 = arith.index_cast %get3A_752 : i32 to index
        %get3A_755 = arith.constant 112 : index
        %get3A_756 = tpu.vector_load %arg4[%get3A_753, %get3A_754, %get3A_755] {strides = array<i32>} : memref<8x16x128xf32, #tpu.memory_space<vmem>>, vector<16xf32>,
        %add3A_757 = arith.constant 1796 : i32
        %add3A_758 = vector.broadcast %add3A_757 : i32 to vector<16xi32>
        %add3A_759 = arith.addi %add3A_440, %add3A_758 : vector<16xi32>
        tpu.vector_store_idx %arg5[%add3A_759], %get3A_756 : memref<16384xf32, #tpu.memory_space<vmem>>[vector<16xi32>], vector<16xf32>,
        %get3A_760 = arith.constant 5 : i32
        %get3A_761 = arith.index_cast %rem3A_410 : i32 to index
        %get3A_762 = arith.index_cast %get3A_760 : i32 to index
        %get3A_763 = arith.constant 0 : index
        %get3A_764 = tpu.vector_load %arg4[%get3A_761, %get3A_762, %get3A_763] {strides = array<i32>} : memref<8x16x128xf32, #tpu.memory_space<vmem>>, vector<16xf32>,
        %add3A_765 = arith.constant 5 : i32
        %add3A_766 = vector.broadcast %add3A_765 : i32 to vector<16xi32>
        %add3A_767 = arith.addi %add3A_440, %add3A_766 : vector<16xi32>
        tpu.vector_store_idx %arg5[%add3A_767], %get3A_764 : memref<16384xf32, #tpu.memory_space<vmem>>[vector<16xi32>], vector<16xf32>,
        %get3A_768 = arith.constant 5 : i32
        %get3A_769 = arith.index_cast %rem3A_410 : i32 to index
        %get3A_770 = arith.index_cast %get3A_768 : i32 to index
        %get3A_771 = arith.constant 16 : index
        %get3A_772 = tpu.vector_load %arg4[%get3A_769, %get3A_770, %get3A_771] {strides = array<i32>} : memref<8x16x128xf32, #tpu.memory_space<vmem>>, vector<16xf32>,
        %add3A_773 = arith.constant 261 : i32
        %add3A_774 = vector.broadcast %add3A_773 : i32 to vector<16xi32>
        %add3A_775 = arith.addi %add3A_440, %add3A_774 : vector<16xi32>
        tpu.vector_store_idx %arg5[%add3A_775], %get3A_772 : memref<16384xf32, #tpu.memory_space<vmem>>[vector<16xi32>], vector<16xf32>,
        %get3A_776 = arith.constant 5 : i32
        %get3A_777 = arith.index_cast %rem3A_410 : i32 to index
        %get3A_778 = arith.index_cast %get3A_776 : i32 to index
        %get3A_779 = arith.constant 32 : index
        %get3A_780 = tpu.vector_load %arg4[%get3A_777, %get3A_778, %get3A_779] {strides = array<i32>} : memref<8x16x128xf32, #tpu.memory_space<vmem>>, vector<16xf32>,
        %add3A_781 = arith.constant 517 : i32
        %add3A_782 = vector.broadcast %add3A_781 : i32 to vector<16xi32>
        %add3A_783 = arith.addi %add3A_440, %add3A_782 : vector<16xi32>
        tpu.vector_store_idx %arg5[%add3A_783], %get3A_780 : memref<16384xf32, #tpu.memory_space<vmem>>[vector<16xi32>], vector<16xf32>,
        %get3A_784 = arith.constant 5 : i32
        %get3A_785 = arith.index_cast %rem3A_410 : i32 to index
        %get3A_786 = arith.index_cast %get3A_784 : i32 to index
        %get3A_787 = arith.constant 48 : index
        %get3A_788 = tpu.vector_load %arg4[%get3A_785, %get3A_786, %get3A_787] {strides = array<i32>} : memref<8x16x128xf32, #tpu.memory_space<vmem>>, vector<16xf32>,
        %add3A_789 = arith.constant 773 : i32
        %add3A_790 = vector.broadcast %add3A_789 : i32 to vector<16xi32>
        %add3A_791 = arith.addi %add3A_440, %add3A_790 : vector<16xi32>
        tpu.vector_store_idx %arg5[%add3A_791], %get3A_788 : memref<16384xf32, #tpu.memory_space<vmem>>[vector<16xi32>], vector<16xf32>,
        %get3A_792 = arith.constant 5 : i32
        %get3A_793 = arith.index_cast %rem3A_410 : i32 to index
        %get3A_794 = arith.index_cast %get3A_792 : i32 to index
        %get3A_795 = arith.constant 64 : index
        %get3A_796 = tpu.vector_load %arg4[%get3A_793, %get3A_794, %get3A_795] {strides = array<i32>} : memref<8x16x128xf32, #tpu.memory_space<vmem>>, vector<16xf32>,
        %add3A_797 = arith.constant 1029 : i32
        %add3A_798 = vector.broadcast %add3A_797 : i32 to vector<16xi32>
        %add3A_799 = arith.addi %add3A_440, %add3A_798 : vector<16xi32>
        tpu.vector_store_idx %arg5[%add3A_799], %get3A_796 : memref<16384xf32, #tpu.memory_space<vmem>>[vector<16xi32>], vector<16xf32>,
        %get3A_800 = arith.constant 5 : i32
        %get3A_801 = arith.index_cast %rem3A_410 : i32 to index
        %get3A_802 = arith.index_cast %get3A_800 : i32 to index
        %get3A_803 = arith.constant 80 : index
        %get3A_804 = tpu.vector_load %arg4[%get3A_801, %get3A_802, %get3A_803] {strides = array<i32>} : memref<8x16x128xf32, #tpu.memory_space<vmem>>, vector<16xf32>,
        %add3A_805 = arith.constant 1285 : i32
        %add3A_806 = vector.broadcast %add3A_805 : i32 to vector<16xi32>
        %add3A_807 = arith.addi %add3A_440, %add3A_806 : vector<16xi32>
        tpu.vector_store_idx %arg5[%add3A_807], %get3A_804 : memref<16384xf32, #tpu.memory_space<vmem>>[vector<16xi32>], vector<16xf32>,
        %get3A_808 = arith.constant 5 : i32
        %get3A_809 = arith.index_cast %rem3A_410 : i32 to index
        %get3A_810 = arith.index_cast %get3A_808 : i32 to index
        %get3A_811 = arith.constant 96 : index
        %get3A_812 = tpu.vector_load %arg4[%get3A_809, %get3A_810, %get3A_811] {strides = array<i32>} : memref<8x16x128xf32, #tpu.memory_space<vmem>>, vector<16xf32>,
        %add3A_813 = arith.constant 1541 : i32
        %add3A_814 = vector.broadcast %add3A_813 : i32 to vector<16xi32>
        %add3A_815 = arith.addi %add3A_440, %add3A_814 : vector<16xi32>
        tpu.vector_store_idx %arg5[%add3A_815], %get3A_812 : memref<16384xf32, #tpu.memory_space<vmem>>[vector<16xi32>], vector<16xf32>,
        %get3A_816 = arith.constant 5 : i32
        %get3A_817 = arith.index_cast %rem3A_410 : i32 to index
        %get3A_818 = arith.index_cast %get3A_816 : i32 to index
        %get3A_819 = arith.constant 112 : index
        %get3A_820 = tpu.vector_load %arg4[%get3A_817, %get3A_818, %get3A_819] {strides = array<i32>} : memref<8x16x128xf32, #tpu.memory_space<vmem>>, vector<16xf32>,
        %add3A_821 = arith.constant 1797 : i32
        %add3A_822 = vector.broadcast %add3A_821 : i32 to vector<16xi32>
        %add3A_823 = arith.addi %add3A_440, %add3A_822 : vector<16xi32>
        tpu.vector_store_idx %arg5[%add3A_823], %get3A_820 : memref<16384xf32, #tpu.memory_space<vmem>>[vector<16xi32>], vector<16xf32>,
        %get3A_824 = arith.constant 6 : i32
        %get3A_825 = arith.index_cast %rem3A_410 : i32 to index
        %get3A_826 = arith.index_cast %get3A_824 : i32 to index
        %get3A_827 = arith.constant 0 : index
        %get3A_828 = tpu.vector_load %arg4[%get3A_825, %get3A_826, %get3A_827] {strides = array<i32>} : memref<8x16x128xf32, #tpu.memory_space<vmem>>, vector<16xf32>,
        %add3A_829 = arith.constant 6 : i32
        %add3A_830 = vector.broadcast %add3A_829 : i32 to vector<16xi32>
        %add3A_831 = arith.addi %add3A_440, %add3A_830 : vector<16xi32>
        tpu.vector_store_idx %arg5[%add3A_831], %get3A_828 : memref<16384xf32, #tpu.memory_space<vmem>>[vector<16xi32>], vector<16xf32>,
        %get3A_832 = arith.constant 6 : i32
        %get3A_833 = arith.index_cast %rem3A_410 : i32 to index
        %get3A_834 = arith.index_cast %get3A_832 : i32 to index
        %get3A_835 = arith.constant 16 : index
        %get3A_836 = tpu.vector_load %arg4[%get3A_833, %get3A_834, %get3A_835] {strides = array<i32>} : memref<8x16x128xf32, #tpu.memory_space<vmem>>, vector<16xf32>,
        %add3A_837 = arith.constant 262 : i32
        %add3A_838 = vector.broadcast %add3A_837 : i32 to vector<16xi32>
        %add3A_839 = arith.addi %add3A_440, %add3A_838 : vector<16xi32>
        tpu.vector_store_idx %arg5[%add3A_839], %get3A_836 : memref<16384xf32, #tpu.memory_space<vmem>>[vector<16xi32>], vector<16xf32>,
        %get3A_840 = arith.constant 6 : i32
        %get3A_841 = arith.index_cast %rem3A_410 : i32 to index
        %get3A_842 = arith.index_cast %get3A_840 : i32 to index
        %get3A_843 = arith.constant 32 : index
        %get3A_844 = tpu.vector_load %arg4[%get3A_841, %get3A_842, %get3A_843] {strides = array<i32>} : memref<8x16x128xf32, #tpu.memory_space<vmem>>, vector<16xf32>,
        %add3A_845 = arith.constant 518 : i32
        %add3A_846 = vector.broadcast %add3A_845 : i32 to vector<16xi32>
        %add3A_847 = arith.addi %add3A_440, %add3A_846 : vector<16xi32>
        tpu.vector_store_idx %arg5[%add3A_847], %get3A_844 : memref<16384xf32, #tpu.memory_space<vmem>>[vector<16xi32>], vector<16xf32>,
        %get3A_848 = arith.constant 6 : i32
        %get3A_849 = arith.index_cast %rem3A_410 : i32 to index
        %get3A_850 = arith.index_cast %get3A_848 : i32 to index
        %get3A_851 = arith.constant 48 : index
        %get3A_852 = tpu.vector_load %arg4[%get3A_849, %get3A_850, %get3A_851] {strides = array<i32>} : memref<8x16x128xf32, #tpu.memory_space<vmem>>, vector<16xf32>,
        %add3A_853 = arith.constant 774 : i32
        %add3A_854 = vector.broadcast %add3A_853 : i32 to vector<16xi32>
        %add3A_855 = arith.addi %add3A_440, %add3A_854 : vector<16xi32>
        tpu.vector_store_idx %arg5[%add3A_855], %get3A_852 : memref<16384xf32, #tpu.memory_space<vmem>>[vector<16xi32>], vector<16xf32>,
        %get3A_856 = arith.constant 6 : i32
        %get3A_857 = arith.index_cast %rem3A_410 : i32 to index
        %get3A_858 = arith.index_cast %get3A_856 : i32 to index
        %get3A_859 = arith.constant 64 : index
        %get3A_860 = tpu.vector_load %arg4[%get3A_857, %get3A_858, %get3A_859] {strides = array<i32>} : memref<8x16x128xf32, #tpu.memory_space<vmem>>, vector<16xf32>,
        %add3A_861 = arith.constant 1030 : i32
        %add3A_862 = vector.broadcast %add3A_861 : i32 to vector<16xi32>
        %add3A_863 = arith.addi %add3A_440, %add3A_862 : vector<16xi32>
        tpu.vector_store_idx %arg5[%add3A_863], %get3A_860 : memref<16384xf32, #tpu.memory_space<vmem>>[vector<16xi32>], vector<16xf32>,
        %get3A_864 = arith.constant 6 : i32
        %get3A_865 = arith.index_cast %rem3A_410 : i32 to index
        %get3A_866 = arith.index_cast %get3A_864 : i32 to index
        %get3A_867 = arith.constant 80 : index
        %get3A_868 = tpu.vector_load %arg4[%get3A_865, %get3A_866, %get3A_867] {strides = array<i32>} : memref<8x16x128xf32, #tpu.memory_space<vmem>>, vector<16xf32>,
        %add3A_869 = arith.constant 1286 : i32
        %add3A_870 = vector.broadcast %add3A_869 : i32 to vector<16xi32>
        %add3A_871 = arith.addi %add3A_440, %add3A_870 : vector<16xi32>
        tpu.vector_store_idx %arg5[%add3A_871], %get3A_868 : memref<16384xf32, #tpu.memory_space<vmem>>[vector<16xi32>], vector<16xf32>,
        %get3A_872 = arith.constant 6 : i32
        %get3A_873 = arith.index_cast %rem3A_410 : i32 to index
        %get3A_874 = arith.index_cast %get3A_872 : i32 to index
        %get3A_875 = arith.constant 96 : index
        %get3A_876 = tpu.vector_load %arg4[%get3A_873, %get3A_874, %get3A_875] {strides = array<i32>} : memref<8x16x128xf32, #tpu.memory_space<vmem>>, vector<16xf32>,
        %add3A_877 = arith.constant 1542 : i32
        %add3A_878 = vector.broadcast %add3A_877 : i32 to vector<16xi32>
        %add3A_879 = arith.addi %add3A_440, %add3A_878 : vector<16xi32>
        tpu.vector_store_idx %arg5[%add3A_879], %get3A_876 : memref<16384xf32, #tpu.memory_space<vmem>>[vector<16xi32>], vector<16xf32>,
        %get3A_880 = arith.constant 6 : i32
        %get3A_881 = arith.index_cast %rem3A_410 : i32 to index
        %get3A_882 = arith.index_cast %get3A_880 : i32 to index
        %get3A_883 = arith.constant 112 : index
        %get3A_884 = tpu.vector_load %arg4[%get3A_881, %get3A_882, %get3A_883] {strides = array<i32>} : memref<8x16x128xf32, #tpu.memory_space<vmem>>, vector<16xf32>,
        %add3A_885 = arith.constant 1798 : i32
        %add3A_886 = vector.broadcast %add3A_885 : i32 to vector<16xi32>
        %add3A_887 = arith.addi %add3A_440, %add3A_886 : vector<16xi32>
        tpu.vector_store_idx %arg5[%add3A_887], %get3A_884 : memref<16384xf32, #tpu.memory_space<vmem>>[vector<16xi32>], vector<16xf32>,
        %get3A_888 = arith.constant 7 : i32
        %get3A_889 = arith.index_cast %rem3A_410 : i32 to index
        %get3A_890 = arith.index_cast %get3A_888 : i32 to index
        %get3A_891 = arith.constant 0 : index
        %get3A_892 = tpu.vector_load %arg4[%get3A_889, %get3A_890, %get3A_891] {strides = array<i32>} : memref<8x16x128xf32, #tpu.memory_space<vmem>>, vector<16xf32>,
        %add3A_893 = arith.constant 7 : i32
        %add3A_894 = vector.broadcast %add3A_893 : i32 to vector<16xi32>
        %add3A_895 = arith.addi %add3A_440, %add3A_894 : vector<16xi32>
        tpu.vector_store_idx %arg5[%add3A_895], %get3A_892 : memref<16384xf32, #tpu.memory_space<vmem>>[vector<16xi32>], vector<16xf32>,
        %get3A_896 = arith.constant 7 : i32
        %get3A_897 = arith.index_cast %rem3A_410 : i32 to index
        %get3A_898 = arith.index_cast %get3A_896 : i32 to index
        %get3A_899 = arith.constant 16 : index
        %get3A_900 = tpu.vector_load %arg4[%get3A_897, %get3A_898, %get3A_899] {strides = array<i32>} : memref<8x16x128xf32, #tpu.memory_space<vmem>>, vector<16xf32>,
        %add3A_901 = arith.constant 263 : i32
        %add3A_902 = vector.broadcast %add3A_901 : i32 to vector<16xi32>
        %add3A_903 = arith.addi %add3A_440, %add3A_902 : vector<16xi32>
        tpu.vector_store_idx %arg5[%add3A_903], %get3A_900 : memref<16384xf32, #tpu.memory_space<vmem>>[vector<16xi32>], vector<16xf32>,
        %get3A_904 = arith.constant 7 : i32
        %get3A_905 = arith.index_cast %rem3A_410 : i32 to index
        %get3A_906 = arith.index_cast %get3A_904 : i32 to index
        %get3A_907 = arith.constant 32 : index
        %get3A_908 = tpu.vector_load %arg4[%get3A_905, %get3A_906, %get3A_907] {strides = array<i32>} : memref<8x16x128xf32, #tpu.memory_space<vmem>>, vector<16xf32>,
        %add3A_909 = arith.constant 519 : i32
        %add3A_910 = vector.broadcast %add3A_909 : i32 to vector<16xi32>
        %add3A_911 = arith.addi %add3A_440, %add3A_910 : vector<16xi32>
        tpu.vector_store_idx %arg5[%add3A_911], %get3A_908 : memref<16384xf32, #tpu.memory_space<vmem>>[vector<16xi32>], vector<16xf32>,
        %get3A_912 = arith.constant 7 : i32
        %get3A_913 = arith.index_cast %rem3A_410 : i32 to index
        %get3A_914 = arith.index_cast %get3A_912 : i32 to index
        %get3A_915 = arith.constant 48 : index
        %get3A_916 = tpu.vector_load %arg4[%get3A_913, %get3A_914, %get3A_915] {strides = array<i32>} : memref<8x16x128xf32, #tpu.memory_space<vmem>>, vector<16xf32>,
        %add3A_917 = arith.constant 775 : i32
        %add3A_918 = vector.broadcast %add3A_917 : i32 to vector<16xi32>
        %add3A_919 = arith.addi %add3A_440, %add3A_918 : vector<16xi32>
        tpu.vector_store_idx %arg5[%add3A_919], %get3A_916 : memref<16384xf32, #tpu.memory_space<vmem>>[vector<16xi32>], vector<16xf32>,
        %get3A_920 = arith.constant 7 : i32
        %get3A_921 = arith.index_cast %rem3A_410 : i32 to index
        %get3A_922 = arith.index_cast %get3A_920 : i32 to index
        %get3A_923 = arith.constant 64 : index
        %get3A_924 = tpu.vector_load %arg4[%get3A_921, %get3A_922, %get3A_923] {strides = array<i32>} : memref<8x16x128xf32, #tpu.memory_space<vmem>>, vector<16xf32>,
        %add3A_925 = arith.constant 1031 : i32
        %add3A_926 = vector.broadcast %add3A_925 : i32 to vector<16xi32>
        %add3A_927 = arith.addi %add3A_440, %add3A_926 : vector<16xi32>
        tpu.vector_store_idx %arg5[%add3A_927], %get3A_924 : memref<16384xf32, #tpu.memory_space<vmem>>[vector<16xi32>], vector<16xf32>,
        %get3A_928 = arith.constant 7 : i32
        %get3A_929 = arith.index_cast %rem3A_410 : i32 to index
        %get3A_930 = arith.index_cast %get3A_928 : i32 to index
        %get3A_931 = arith.constant 80 : index
        %get3A_932 = tpu.vector_load %arg4[%get3A_929, %get3A_930, %get3A_931] {strides = array<i32>} : memref<8x16x128xf32, #tpu.memory_space<vmem>>, vector<16xf32>,
        %add3A_933 = arith.constant 1287 : i32
        %add3A_934 = vector.broadcast %add3A_933 : i32 to vector<16xi32>
        %add3A_935 = arith.addi %add3A_440, %add3A_934 : vector<16xi32>
        tpu.vector_store_idx %arg5[%add3A_935], %get3A_932 : memref<16384xf32, #tpu.memory_space<vmem>>[vector<16xi32>], vector<16xf32>,
        %get3A_936 = arith.constant 7 : i32
        %get3A_937 = arith.index_cast %rem3A_410 : i32 to index
        %get3A_938 = arith.index_cast %get3A_936 : i32 to index
        %get3A_939 = arith.constant 96 : index
        %get3A_940 = tpu.vector_load %arg4[%get3A_937, %get3A_938, %get3A_939] {strides = array<i32>} : memref<8x16x128xf32, #tpu.memory_space<vmem>>, vector<16xf32>,
        %add3A_941 = arith.constant 1543 : i32
        %add3A_942 = vector.broadcast %add3A_941 : i32 to vector<16xi32>
        %add3A_943 = arith.addi %add3A_440, %add3A_942 : vector<16xi32>
        tpu.vector_store_idx %arg5[%add3A_943], %get3A_940 : memref<16384xf32, #tpu.memory_space<vmem>>[vector<16xi32>], vector<16xf32>,
        %get3A_944 = arith.constant 7 : i32
        %get3A_945 = arith.index_cast %rem3A_410 : i32 to index
        %get3A_946 = arith.index_cast %get3A_944 : i32 to index
        %get3A_947 = arith.constant 112 : index
        %get3A_948 = tpu.vector_load %arg4[%get3A_945, %get3A_946, %get3A_947] {strides = array<i32>} : memref<8x16x128xf32, #tpu.memory_space<vmem>>, vector<16xf32>,
        %add3A_949 = arith.constant 1799 : i32
        %add3A_950 = vector.broadcast %add3A_949 : i32 to vector<16xi32>
        %add3A_951 = arith.addi %add3A_440, %add3A_950 : vector<16xi32>
        tpu.vector_store_idx %arg5[%add3A_951], %get3A_948 : memref<16384xf32, #tpu.memory_space<vmem>>[vector<16xi32>], vector<16xf32>,
        %get3A_952 = arith.constant 8 : i32
        %get3A_953 = arith.index_cast %rem3A_410 : i32 to index
        %get3A_954 = arith.index_cast %get3A_952 : i32 to index
        %get3A_955 = arith.constant 0 : index
        %get3A_956 = tpu.vector_load %arg4[%get3A_953, %get3A_954, %get3A_955] {strides = array<i32>} : memref<8x16x128xf32, #tpu.memory_space<vmem>>, vector<16xf32>,
        %add3A_957 = arith.constant 8 : i32
        %add3A_958 = vector.broadcast %add3A_957 : i32 to vector<16xi32>
        %add3A_959 = arith.addi %add3A_440, %add3A_958 : vector<16xi32>
        tpu.vector_store_idx %arg5[%add3A_959], %get3A_956 : memref<16384xf32, #tpu.memory_space<vmem>>[vector<16xi32>], vector<16xf32>,
        %get3A_960 = arith.constant 8 : i32
        %get3A_961 = arith.index_cast %rem3A_410 : i32 to index
        %get3A_962 = arith.index_cast %get3A_960 : i32 to index
        %get3A_963 = arith.constant 16 : index
        %get3A_964 = tpu.vector_load %arg4[%get3A_961, %get3A_962, %get3A_963] {strides = array<i32>} : memref<8x16x128xf32, #tpu.memory_space<vmem>>, vector<16xf32>,
        %add3A_965 = arith.constant 264 : i32
        %add3A_966 = vector.broadcast %add3A_965 : i32 to vector<16xi32>
        %add3A_967 = arith.addi %add3A_440, %add3A_966 : vector<16xi32>
        tpu.vector_store_idx %arg5[%add3A_967], %get3A_964 : memref<16384xf32, #tpu.memory_space<vmem>>[vector<16xi32>], vector<16xf32>,
        %get3A_968 = arith.constant 8 : i32
        %get3A_969 = arith.index_cast %rem3A_410 : i32 to index
        %get3A_970 = arith.index_cast %get3A_968 : i32 to index
        %get3A_971 = arith.constant 32 : index
        %get3A_972 = tpu.vector_load %arg4[%get3A_969, %get3A_970, %get3A_971] {strides = array<i32>} : memref<8x16x128xf32, #tpu.memory_space<vmem>>, vector<16xf32>,
        %add3A_973 = arith.constant 520 : i32
        %add3A_974 = vector.broadcast %add3A_973 : i32 to vector<16xi32>
        %add3A_975 = arith.addi %add3A_440, %add3A_974 : vector<16xi32>
        tpu.vector_store_idx %arg5[%add3A_975], %get3A_972 : memref<16384xf32, #tpu.memory_space<vmem>>[vector<16xi32>], vector<16xf32>,
        %get3A_976 = arith.constant 8 : i32
        %get3A_977 = arith.index_cast %rem3A_410 : i32 to index
        %get3A_978 = arith.index_cast %get3A_976 : i32 to index
        %get3A_979 = arith.constant 48 : index
        %get3A_980 = tpu.vector_load %arg4[%get3A_977, %get3A_978, %get3A_979] {strides = array<i32>} : memref<8x16x128xf32, #tpu.memory_space<vmem>>, vector<16xf32>,
        %add3A_981 = arith.constant 776 : i32
        %add3A_982 = vector.broadcast %add3A_981 : i32 to vector<16xi32>
        %add3A_983 = arith.addi %add3A_440, %add3A_982 : vector<16xi32>
        tpu.vector_store_idx %arg5[%add3A_983], %get3A_980 : memref<16384xf32, #tpu.memory_space<vmem>>[vector<16xi32>], vector<16xf32>,
        %get3A_984 = arith.constant 8 : i32
        %get3A_985 = arith.index_cast %rem3A_410 : i32 to index
        %get3A_986 = arith.index_cast %get3A_984 : i32 to index
        %get3A_987 = arith.constant 64 : index
        %get3A_988 = tpu.vector_load %arg4[%get3A_985, %get3A_986, %get3A_987] {strides = array<i32>} : memref<8x16x128xf32, #tpu.memory_space<vmem>>, vector<16xf32>,
        %add3A_989 = arith.constant 1032 : i32
        %add3A_990 = vector.broadcast %add3A_989 : i32 to vector<16xi32>
        %add3A_991 = arith.addi %add3A_440, %add3A_990 : vector<16xi32>
        tpu.vector_store_idx %arg5[%add3A_991], %get3A_988 : memref<16384xf32, #tpu.memory_space<vmem>>[vector<16xi32>], vector<16xf32>,
        %get3A_992 = arith.constant 8 : i32
        %get3A_993 = arith.index_cast %rem3A_410 : i32 to index
        %get3A_994 = arith.index_cast %get3A_992 : i32 to index
        %get3A_995 = arith.constant 80 : index
        %get3A_996 = tpu.vector_load %arg4[%get3A_993, %get3A_994, %get3A_995] {strides = array<i32>} : memref<8x16x128xf32, #tpu.memory_space<vmem>>, vector<16xf32>,
        %add3A_997 = arith.constant 1288 : i32
        %add3A_998 = vector.broadcast %add3A_997 : i32 to vector<16xi32>
        %add3A_999 = arith.addi %add3A_440, %add3A_998 : vector<16xi32>
        tpu.vector_store_idx %arg5[%add3A_999], %get3A_996 : memref<16384xf32, #tpu.memory_space<vmem>>[vector<16xi32>], vector<16xf32>,
        %get3A_1000 = arith.constant 8 : i32
        %get3A_1001 = arith.index_cast %rem3A_410 : i32 to index
        %get3A_1002 = arith.index_cast %get3A_1000 : i32 to index
        %get3A_1003 = arith.constant 96 : index
        %get3A_1004 = tpu.vector_load %arg4[%get3A_1001, %get3A_1002, %get3A_1003] {strides = array<i32>} : memref<8x16x128xf32, #tpu.memory_space<vmem>>, vector<16xf32>,
        %add3A_1005 = arith.constant 1544 : i32
        %add3A_1006 = vector.broadcast %add3A_1005 : i32 to vector<16xi32>
        %add3A_1007 = arith.addi %add3A_440, %add3A_1006 : vector<16xi32>
        tpu.vector_store_idx %arg5[%add3A_1007], %get3A_1004 : memref<16384xf32, #tpu.memory_space<vmem>>[vector<16xi32>], vector<16xf32>,
        %get3A_1008 = arith.constant 8 : i32
        %get3A_1009 = arith.index_cast %rem3A_410 : i32 to index
        %get3A_1010 = arith.index_cast %get3A_1008 : i32 to index
        %get3A_1011 = arith.constant 112 : index
        %get3A_1012 = tpu.vector_load %arg4[%get3A_1009, %get3A_1010, %get3A_1011] {strides = array<i32>} : memref<8x16x128xf32, #tpu.memory_space<vmem>>, vector<16xf32>,
        %add3A_1013 = arith.constant 1800 : i32
        %add3A_1014 = vector.broadcast %add3A_1013 : i32 to vector<16xi32>
        %add3A_1015 = arith.addi %add3A_440, %add3A_1014 : vector<16xi32>
        tpu.vector_store_idx %arg5[%add3A_1015], %get3A_1012 : memref<16384xf32, #tpu.memory_space<vmem>>[vector<16xi32>], vector<16xf32>,
        %get3A_1016 = arith.constant 9 : i32
        %get3A_1017 = arith.index_cast %rem3A_410 : i32 to index
        %get3A_1018 = arith.index_cast %get3A_1016 : i32 to index
        %get3A_1019 = arith.constant 0 : index
        %get3A_1020 = tpu.vector_load %arg4[%get3A_1017, %get3A_1018, %get3A_1019] {strides = array<i32>} : memref<8x16x128xf32, #tpu.memory_space<vmem>>, vector<16xf32>,
        %add3A_1021 = arith.constant 9 : i32
        %add3A_1022 = vector.broadcast %add3A_1021 : i32 to vector<16xi32>
        %add3A_1023 = arith.addi %add3A_440, %add3A_1022 : vector<16xi32>
        tpu.vector_store_idx %arg5[%add3A_1023], %get3A_1020 : memref<16384xf32, #tpu.memory_space<vmem>>[vector<16xi32>], vector<16xf32>,
        %get3A_1024 = arith.constant 9 : i32
        %get3A_1025 = arith.index_cast %rem3A_410 : i32 to index
        %get3A_1026 = arith.index_cast %get3A_1024 : i32 to index
        %get3A_1027 = arith.constant 16 : index
        %get3A_1028 = tpu.vector_load %arg4[%get3A_1025, %get3A_1026, %get3A_1027] {strides = array<i32>} : memref<8x16x128xf32, #tpu.memory_space<vmem>>, vector<16xf32>,
        %add3A_1029 = arith.constant 265 : i32
        %add3A_1030 = vector.broadcast %add3A_1029 : i32 to vector<16xi32>
        %add3A_1031 = arith.addi %add3A_440, %add3A_1030 : vector<16xi32>
        tpu.vector_store_idx %arg5[%add3A_1031], %get3A_1028 : memref<16384xf32, #tpu.memory_space<vmem>>[vector<16xi32>], vector<16xf32>,
        %get3A_1032 = arith.constant 9 : i32
        %get3A_1033 = arith.index_cast %rem3A_410 : i32 to index
        %get3A_1034 = arith.index_cast %get3A_1032 : i32 to index
        %get3A_1035 = arith.constant 32 : index
        %get3A_1036 = tpu.vector_load %arg4[%get3A_1033, %get3A_1034, %get3A_1035] {strides = array<i32>} : memref<8x16x128xf32, #tpu.memory_space<vmem>>, vector<16xf32>,
        %add3A_1037 = arith.constant 521 : i32
        %add3A_1038 = vector.broadcast %add3A_1037 : i32 to vector<16xi32>
        %add3A_1039 = arith.addi %add3A_440, %add3A_1038 : vector<16xi32>
        tpu.vector_store_idx %arg5[%add3A_1039], %get3A_1036 : memref<16384xf32, #tpu.memory_space<vmem>>[vector<16xi32>], vector<16xf32>,
        %get3A_1040 = arith.constant 9 : i32
        %get3A_1041 = arith.index_cast %rem3A_410 : i32 to index
        %get3A_1042 = arith.index_cast %get3A_1040 : i32 to index
        %get3A_1043 = arith.constant 48 : index
        %get3A_1044 = tpu.vector_load %arg4[%get3A_1041, %get3A_1042, %get3A_1043] {strides = array<i32>} : memref<8x16x128xf32, #tpu.memory_space<vmem>>, vector<16xf32>,
        %add3A_1045 = arith.constant 777 : i32
        %add3A_1046 = vector.broadcast %add3A_1045 : i32 to vector<16xi32>
        %add3A_1047 = arith.addi %add3A_440, %add3A_1046 : vector<16xi32>
        tpu.vector_store_idx %arg5[%add3A_1047], %get3A_1044 : memref<16384xf32, #tpu.memory_space<vmem>>[vector<16xi32>], vector<16xf32>,
        %get3A_1048 = arith.constant 9 : i32
        %get3A_1049 = arith.index_cast %rem3A_410 : i32 to index
        %get3A_1050 = arith.index_cast %get3A_1048 : i32 to index
        %get3A_1051 = arith.constant 64 : index
        %get3A_1052 = tpu.vector_load %arg4[%get3A_1049, %get3A_1050, %get3A_1051] {strides = array<i32>} : memref<8x16x128xf32, #tpu.memory_space<vmem>>, vector<16xf32>,
        %add3A_1053 = arith.constant 1033 : i32
        %add3A_1054 = vector.broadcast %add3A_1053 : i32 to vector<16xi32>
        %add3A_1055 = arith.addi %add3A_440, %add3A_1054 : vector<16xi32>
        tpu.vector_store_idx %arg5[%add3A_1055], %get3A_1052 : memref<16384xf32, #tpu.memory_space<vmem>>[vector<16xi32>], vector<16xf32>,
        %get3A_1056 = arith.constant 9 : i32
        %get3A_1057 = arith.index_cast %rem3A_410 : i32 to index
        %get3A_1058 = arith.index_cast %get3A_1056 : i32 to index
        %get3A_1059 = arith.constant 80 : index
        %get3A_1060 = tpu.vector_load %arg4[%get3A_1057, %get3A_1058, %get3A_1059] {strides = array<i32>} : memref<8x16x128xf32, #tpu.memory_space<vmem>>, vector<16xf32>,
        %add3A_1061 = arith.constant 1289 : i32
        %add3A_1062 = vector.broadcast %add3A_1061 : i32 to vector<16xi32>
        %add3A_1063 = arith.addi %add3A_440, %add3A_1062 : vector<16xi32>
        tpu.vector_store_idx %arg5[%add3A_1063], %get3A_1060 : memref<16384xf32, #tpu.memory_space<vmem>>[vector<16xi32>], vector<16xf32>,
        %get3A_1064 = arith.constant 9 : i32
        %get3A_1065 = arith.index_cast %rem3A_410 : i32 to index
        %get3A_1066 = arith.index_cast %get3A_1064 : i32 to index
        %get3A_1067 = arith.constant 96 : index
        %get3A_1068 = tpu.vector_load %arg4[%get3A_1065, %get3A_1066, %get3A_1067] {strides = array<i32>} : memref<8x16x128xf32, #tpu.memory_space<vmem>>, vector<16xf32>,
        %add3A_1069 = arith.constant 1545 : i32
        %add3A_1070 = vector.broadcast %add3A_1069 : i32 to vector<16xi32>
        %add3A_1071 = arith.addi %add3A_440, %add3A_1070 : vector<16xi32>
        tpu.vector_store_idx %arg5[%add3A_1071], %get3A_1068 : memref<16384xf32, #tpu.memory_space<vmem>>[vector<16xi32>], vector<16xf32>,
        %get3A_1072 = arith.constant 9 : i32
        %get3A_1073 = arith.index_cast %rem3A_410 : i32 to index
        %get3A_1074 = arith.index_cast %get3A_1072 : i32 to index
        %get3A_1075 = arith.constant 112 : index
        %get3A_1076 = tpu.vector_load %arg4[%get3A_1073, %get3A_1074, %get3A_1075] {strides = array<i32>} : memref<8x16x128xf32, #tpu.memory_space<vmem>>, vector<16xf32>,
        %add3A_1077 = arith.constant 1801 : i32
        %add3A_1078 = vector.broadcast %add3A_1077 : i32 to vector<16xi32>
        %add3A_1079 = arith.addi %add3A_440, %add3A_1078 : vector<16xi32>
        tpu.vector_store_idx %arg5[%add3A_1079], %get3A_1076 : memref<16384xf32, #tpu.memory_space<vmem>>[vector<16xi32>], vector<16xf32>,
        %get3A_1080 = arith.constant 10 : i32
        %get3A_1081 = arith.index_cast %rem3A_410 : i32 to index
        %get3A_1082 = arith.index_cast %get3A_1080 : i32 to index
        %get3A_1083 = arith.constant 0 : index
        %get3A_1084 = tpu.vector_load %arg4[%get3A_1081, %get3A_1082, %get3A_1083] {strides = array<i32>} : memref<8x16x128xf32, #tpu.memory_space<vmem>>, vector<16xf32>,
        %add3A_1085 = arith.constant 10 : i32
        %add3A_1086 = vector.broadcast %add3A_1085 : i32 to vector<16xi32>
        %add3A_1087 = arith.addi %add3A_440, %add3A_1086 : vector<16xi32>
        tpu.vector_store_idx %arg5[%add3A_1087], %get3A_1084 : memref<16384xf32, #tpu.memory_space<vmem>>[vector<16xi32>], vector<16xf32>,
        %get3A_1088 = arith.constant 10 : i32
        %get3A_1089 = arith.index_cast %rem3A_410 : i32 to index
        %get3A_1090 = arith.index_cast %get3A_1088 : i32 to index
        %get3A_1091 = arith.constant 16 : index
        %get3A_1092 = tpu.vector_load %arg4[%get3A_1089, %get3A_1090, %get3A_1091] {strides = array<i32>} : memref<8x16x128xf32, #tpu.memory_space<vmem>>, vector<16xf32>,
        %add3A_1093 = arith.constant 266 : i32
        %add3A_1094 = vector.broadcast %add3A_1093 : i32 to vector<16xi32>
        %add3A_1095 = arith.addi %add3A_440, %add3A_1094 : vector<16xi32>
        tpu.vector_store_idx %arg5[%add3A_1095], %get3A_1092 : memref<16384xf32, #tpu.memory_space<vmem>>[vector<16xi32>], vector<16xf32>,
        %get3A_1096 = arith.constant 10 : i32
        %get3A_1097 = arith.index_cast %rem3A_410 : i32 to index
        %get3A_1098 = arith.index_cast %get3A_1096 : i32 to index
        %get3A_1099 = arith.constant 32 : index
        %get3A_1100 = tpu.vector_load %arg4[%get3A_1097, %get3A_1098, %get3A_1099] {strides = array<i32>} : memref<8x16x128xf32, #tpu.memory_space<vmem>>, vector<16xf32>,
        %add3A_1101 = arith.constant 522 : i32
        %add3A_1102 = vector.broadcast %add3A_1101 : i32 to vector<16xi32>
        %add3A_1103 = arith.addi %add3A_440, %add3A_1102 : vector<16xi32>
        tpu.vector_store_idx %arg5[%add3A_1103], %get3A_1100 : memref<16384xf32, #tpu.memory_space<vmem>>[vector<16xi32>], vector<16xf32>,
        %get3A_1104 = arith.constant 10 : i32
        %get3A_1105 = arith.index_cast %rem3A_410 : i32 to index
        %get3A_1106 = arith.index_cast %get3A_1104 : i32 to index
        %get3A_1107 = arith.constant 48 : index
        %get3A_1108 = tpu.vector_load %arg4[%get3A_1105, %get3A_1106, %get3A_1107] {strides = array<i32>} : memref<8x16x128xf32, #tpu.memory_space<vmem>>, vector<16xf32>,
        %add3A_1109 = arith.constant 778 : i32
        %add3A_1110 = vector.broadcast %add3A_1109 : i32 to vector<16xi32>
        %add3A_1111 = arith.addi %add3A_440, %add3A_1110 : vector<16xi32>
        tpu.vector_store_idx %arg5[%add3A_1111], %get3A_1108 : memref<16384xf32, #tpu.memory_space<vmem>>[vector<16xi32>], vector<16xf32>,
        %get3A_1112 = arith.constant 10 : i32
        %get3A_1113 = arith.index_cast %rem3A_410 : i32 to index
        %get3A_1114 = arith.index_cast %get3A_1112 : i32 to index
        %get3A_1115 = arith.constant 64 : index
        %get3A_1116 = tpu.vector_load %arg4[%get3A_1113, %get3A_1114, %get3A_1115] {strides = array<i32>} : memref<8x16x128xf32, #tpu.memory_space<vmem>>, vector<16xf32>,
        %add3A_1117 = arith.constant 1034 : i32
        %add3A_1118 = vector.broadcast %add3A_1117 : i32 to vector<16xi32>
        %add3A_1119 = arith.addi %add3A_440, %add3A_1118 : vector<16xi32>
        tpu.vector_store_idx %arg5[%add3A_1119], %get3A_1116 : memref<16384xf32, #tpu.memory_space<vmem>>[vector<16xi32>], vector<16xf32>,
        %get3A_1120 = arith.constant 10 : i32
        %get3A_1121 = arith.index_cast %rem3A_410 : i32 to index
        %get3A_1122 = arith.index_cast %get3A_1120 : i32 to index
        %get3A_1123 = arith.constant 80 : index
        %get3A_1124 = tpu.vector_load %arg4[%get3A_1121, %get3A_1122, %get3A_1123] {strides = array<i32>} : memref<8x16x128xf32, #tpu.memory_space<vmem>>, vector<16xf32>,
        %add3A_1125 = arith.constant 1290 : i32
        %add3A_1126 = vector.broadcast %add3A_1125 : i32 to vector<16xi32>
        %add3A_1127 = arith.addi %add3A_440, %add3A_1126 : vector<16xi32>
        tpu.vector_store_idx %arg5[%add3A_1127], %get3A_1124 : memref<16384xf32, #tpu.memory_space<vmem>>[vector<16xi32>], vector<16xf32>,
        %get3A_1128 = arith.constant 10 : i32
        %get3A_1129 = arith.index_cast %rem3A_410 : i32 to index
        %get3A_1130 = arith.index_cast %get3A_1128 : i32 to index
        %get3A_1131 = arith.constant 96 : index
        %get3A_1132 = tpu.vector_load %arg4[%get3A_1129, %get3A_1130, %get3A_1131] {strides = array<i32>} : memref<8x16x128xf32, #tpu.memory_space<vmem>>, vector<16xf32>,
        %add3A_1133 = arith.constant 1546 : i32
        %add3A_1134 = vector.broadcast %add3A_1133 : i32 to vector<16xi32>
        %add3A_1135 = arith.addi %add3A_440, %add3A_1134 : vector<16xi32>
        tpu.vector_store_idx %arg5[%add3A_1135], %get3A_1132 : memref<16384xf32, #tpu.memory_space<vmem>>[vector<16xi32>], vector<16xf32>,
        %get3A_1136 = arith.constant 10 : i32
        %get3A_1137 = arith.index_cast %rem3A_410 : i32 to index
        %get3A_1138 = arith.index_cast %get3A_1136 : i32 to index
        %get3A_1139 = arith.constant 112 : index
        %get3A_1140 = tpu.vector_load %arg4[%get3A_1137, %get3A_1138, %get3A_1139] {strides = array<i32>} : memref<8x16x128xf32, #tpu.memory_space<vmem>>, vector<16xf32>,
        %add3A_1141 = arith.constant 1802 : i32
        %add3A_1142 = vector.broadcast %add3A_1141 : i32 to vector<16xi32>
        %add3A_1143 = arith.addi %add3A_440, %add3A_1142 : vector<16xi32>
        tpu.vector_store_idx %arg5[%add3A_1143], %get3A_1140 : memref<16384xf32, #tpu.memory_space<vmem>>[vector<16xi32>], vector<16xf32>,
        %get3A_1144 = arith.constant 11 : i32
        %get3A_1145 = arith.index_cast %rem3A_410 : i32 to index
        %get3A_1146 = arith.index_cast %get3A_1144 : i32 to index
        %get3A_1147 = arith.constant 0 : index
        %get3A_1148 = tpu.vector_load %arg4[%get3A_1145, %get3A_1146, %get3A_1147] {strides = array<i32>} : memref<8x16x128xf32, #tpu.memory_space<vmem>>, vector<16xf32>,
        %add3A_1149 = arith.constant 11 : i32
        %add3A_1150 = vector.broadcast %add3A_1149 : i32 to vector<16xi32>
        %add3A_1151 = arith.addi %add3A_440, %add3A_1150 : vector<16xi32>
        tpu.vector_store_idx %arg5[%add3A_1151], %get3A_1148 : memref<16384xf32, #tpu.memory_space<vmem>>[vector<16xi32>], vector<16xf32>,
        %get3A_1152 = arith.constant 11 : i32
        %get3A_1153 = arith.index_cast %rem3A_410 : i32 to index
        %get3A_1154 = arith.index_cast %get3A_1152 : i32 to index
        %get3A_1155 = arith.constant 16 : index
        %get3A_1156 = tpu.vector_load %arg4[%get3A_1153, %get3A_1154, %get3A_1155] {strides = array<i32>} : memref<8x16x128xf32, #tpu.memory_space<vmem>>, vector<16xf32>,
        %add3A_1157 = arith.constant 267 : i32
        %add3A_1158 = vector.broadcast %add3A_1157 : i32 to vector<16xi32>
        %add3A_1159 = arith.addi %add3A_440, %add3A_1158 : vector<16xi32>
        tpu.vector_store_idx %arg5[%add3A_1159], %get3A_1156 : memref<16384xf32, #tpu.memory_space<vmem>>[vector<16xi32>], vector<16xf32>,
        %get3A_1160 = arith.constant 11 : i32
        %get3A_1161 = arith.index_cast %rem3A_410 : i32 to index
        %get3A_1162 = arith.index_cast %get3A_1160 : i32 to index
        %get3A_1163 = arith.constant 32 : index
        %get3A_1164 = tpu.vector_load %arg4[%get3A_1161, %get3A_1162, %get3A_1163] {strides = array<i32>} : memref<8x16x128xf32, #tpu.memory_space<vmem>>, vector<16xf32>,
        %add3A_1165 = arith.constant 523 : i32
        %add3A_1166 = vector.broadcast %add3A_1165 : i32 to vector<16xi32>
        %add3A_1167 = arith.addi %add3A_440, %add3A_1166 : vector<16xi32>
        tpu.vector_store_idx %arg5[%add3A_1167], %get3A_1164 : memref<16384xf32, #tpu.memory_space<vmem>>[vector<16xi32>], vector<16xf32>,
        %get3A_1168 = arith.constant 11 : i32
        %get3A_1169 = arith.index_cast %rem3A_410 : i32 to index
        %get3A_1170 = arith.index_cast %get3A_1168 : i32 to index
        %get3A_1171 = arith.constant 48 : index
        %get3A_1172 = tpu.vector_load %arg4[%get3A_1169, %get3A_1170, %get3A_1171] {strides = array<i32>} : memref<8x16x128xf32, #tpu.memory_space<vmem>>, vector<16xf32>,
        %add3A_1173 = arith.constant 779 : i32
        %add3A_1174 = vector.broadcast %add3A_1173 : i32 to vector<16xi32>
        %add3A_1175 = arith.addi %add3A_440, %add3A_1174 : vector<16xi32>
        tpu.vector_store_idx %arg5[%add3A_1175], %get3A_1172 : memref<16384xf32, #tpu.memory_space<vmem>>[vector<16xi32>], vector<16xf32>,
        %get3A_1176 = arith.constant 11 : i32
        %get3A_1177 = arith.index_cast %rem3A_410 : i32 to index
        %get3A_1178 = arith.index_cast %get3A_1176 : i32 to index
        %get3A_1179 = arith.constant 64 : index
        %get3A_1180 = tpu.vector_load %arg4[%get3A_1177, %get3A_1178, %get3A_1179] {strides = array<i32>} : memref<8x16x128xf32, #tpu.memory_space<vmem>>, vector<16xf32>,
        %add3A_1181 = arith.constant 1035 : i32
        %add3A_1182 = vector.broadcast %add3A_1181 : i32 to vector<16xi32>
        %add3A_1183 = arith.addi %add3A_440, %add3A_1182 : vector<16xi32>
        tpu.vector_store_idx %arg5[%add3A_1183], %get3A_1180 : memref<16384xf32, #tpu.memory_space<vmem>>[vector<16xi32>], vector<16xf32>,
        %get3A_1184 = arith.constant 11 : i32
        %get3A_1185 = arith.index_cast %rem3A_410 : i32 to index
        %get3A_1186 = arith.index_cast %get3A_1184 : i32 to index
        %get3A_1187 = arith.constant 80 : index
        %get3A_1188 = tpu.vector_load %arg4[%get3A_1185, %get3A_1186, %get3A_1187] {strides = array<i32>} : memref<8x16x128xf32, #tpu.memory_space<vmem>>, vector<16xf32>,
        %add3A_1189 = arith.constant 1291 : i32
        %add3A_1190 = vector.broadcast %add3A_1189 : i32 to vector<16xi32>
        %add3A_1191 = arith.addi %add3A_440, %add3A_1190 : vector<16xi32>
        tpu.vector_store_idx %arg5[%add3A_1191], %get3A_1188 : memref<16384xf32, #tpu.memory_space<vmem>>[vector<16xi32>], vector<16xf32>,
        %get3A_1192 = arith.constant 11 : i32
        %get3A_1193 = arith.index_cast %rem3A_410 : i32 to index
        %get3A_1194 = arith.index_cast %get3A_1192 : i32 to index
        %get3A_1195 = arith.constant 96 : index
        %get3A_1196 = tpu.vector_load %arg4[%get3A_1193, %get3A_1194, %get3A_1195] {strides = array<i32>} : memref<8x16x128xf32, #tpu.memory_space<vmem>>, vector<16xf32>,
        %add3A_1197 = arith.constant 1547 : i32
        %add3A_1198 = vector.broadcast %add3A_1197 : i32 to vector<16xi32>
        %add3A_1199 = arith.addi %add3A_440, %add3A_1198 : vector<16xi32>
        tpu.vector_store_idx %arg5[%add3A_1199], %get3A_1196 : memref<16384xf32, #tpu.memory_space<vmem>>[vector<16xi32>], vector<16xf32>,
        %get3A_1200 = arith.constant 11 : i32
        %get3A_1201 = arith.index_cast %rem3A_410 : i32 to index
        %get3A_1202 = arith.index_cast %get3A_1200 : i32 to index
        %get3A_1203 = arith.constant 112 : index
        %get3A_1204 = tpu.vector_load %arg4[%get3A_1201, %get3A_1202, %get3A_1203] {strides = array<i32>} : memref<8x16x128xf32, #tpu.memory_space<vmem>>, vector<16xf32>,
        %add3A_1205 = arith.constant 1803 : i32
        %add3A_1206 = vector.broadcast %add3A_1205 : i32 to vector<16xi32>
        %add3A_1207 = arith.addi %add3A_440, %add3A_1206 : vector<16xi32>
        tpu.vector_store_idx %arg5[%add3A_1207], %get3A_1204 : memref<16384xf32, #tpu.memory_space<vmem>>[vector<16xi32>], vector<16xf32>,
        %get3A_1208 = arith.constant 12 : i32
        %get3A_1209 = arith.index_cast %rem3A_410 : i32 to index
        %get3A_1210 = arith.index_cast %get3A_1208 : i32 to index
        %get3A_1211 = arith.constant 0 : index
        %get3A_1212 = tpu.vector_load %arg4[%get3A_1209, %get3A_1210, %get3A_1211] {strides = array<i32>} : memref<8x16x128xf32, #tpu.memory_space<vmem>>, vector<16xf32>,
        %add3A_1213 = arith.constant 12 : i32
        %add3A_1214 = vector.broadcast %add3A_1213 : i32 to vector<16xi32>
        %add3A_1215 = arith.addi %add3A_440, %add3A_1214 : vector<16xi32>
        tpu.vector_store_idx %arg5[%add3A_1215], %get3A_1212 : memref<16384xf32, #tpu.memory_space<vmem>>[vector<16xi32>], vector<16xf32>,
        %get3A_1216 = arith.constant 12 : i32
        %get3A_1217 = arith.index_cast %rem3A_410 : i32 to index
        %get3A_1218 = arith.index_cast %get3A_1216 : i32 to index
        %get3A_1219 = arith.constant 16 : index
        %get3A_1220 = tpu.vector_load %arg4[%get3A_1217, %get3A_1218, %get3A_1219] {strides = array<i32>} : memref<8x16x128xf32, #tpu.memory_space<vmem>>, vector<16xf32>,
        %add3A_1221 = arith.constant 268 : i32
        %add3A_1222 = vector.broadcast %add3A_1221 : i32 to vector<16xi32>
        %add3A_1223 = arith.addi %add3A_440, %add3A_1222 : vector<16xi32>
        tpu.vector_store_idx %arg5[%add3A_1223], %get3A_1220 : memref<16384xf32, #tpu.memory_space<vmem>>[vector<16xi32>], vector<16xf32>,
        %get3A_1224 = arith.constant 12 : i32
        %get3A_1225 = arith.index_cast %rem3A_410 : i32 to index
        %get3A_1226 = arith.index_cast %get3A_1224 : i32 to index
        %get3A_1227 = arith.constant 32 : index
        %get3A_1228 = tpu.vector_load %arg4[%get3A_1225, %get3A_1226, %get3A_1227] {strides = array<i32>} : memref<8x16x128xf32, #tpu.memory_space<vmem>>, vector<16xf32>,
        %add3A_1229 = arith.constant 524 : i32
        %add3A_1230 = vector.broadcast %add3A_1229 : i32 to vector<16xi32>
        %add3A_1231 = arith.addi %add3A_440, %add3A_1230 : vector<16xi32>
        tpu.vector_store_idx %arg5[%add3A_1231], %get3A_1228 : memref<16384xf32, #tpu.memory_space<vmem>>[vector<16xi32>], vector<16xf32>,
        %get3A_1232 = arith.constant 12 : i32
        %get3A_1233 = arith.index_cast %rem3A_410 : i32 to index
        %get3A_1234 = arith.index_cast %get3A_1232 : i32 to index
        %get3A_1235 = arith.constant 48 : index
        %get3A_1236 = tpu.vector_load %arg4[%get3A_1233, %get3A_1234, %get3A_1235] {strides = array<i32>} : memref<8x16x128xf32, #tpu.memory_space<vmem>>, vector<16xf32>,
        %add3A_1237 = arith.constant 780 : i32
        %add3A_1238 = vector.broadcast %add3A_1237 : i32 to vector<16xi32>
        %add3A_1239 = arith.addi %add3A_440, %add3A_1238 : vector<16xi32>
        tpu.vector_store_idx %arg5[%add3A_1239], %get3A_1236 : memref<16384xf32, #tpu.memory_space<vmem>>[vector<16xi32>], vector<16xf32>,
        %get3A_1240 = arith.constant 12 : i32
        %get3A_1241 = arith.index_cast %rem3A_410 : i32 to index
        %get3A_1242 = arith.index_cast %get3A_1240 : i32 to index
        %get3A_1243 = arith.constant 64 : index
        %get3A_1244 = tpu.vector_load %arg4[%get3A_1241, %get3A_1242, %get3A_1243] {strides = array<i32>} : memref<8x16x128xf32, #tpu.memory_space<vmem>>, vector<16xf32>,
        %add3A_1245 = arith.constant 1036 : i32
        %add3A_1246 = vector.broadcast %add3A_1245 : i32 to vector<16xi32>
        %add3A_1247 = arith.addi %add3A_440, %add3A_1246 : vector<16xi32>
        tpu.vector_store_idx %arg5[%add3A_1247], %get3A_1244 : memref<16384xf32, #tpu.memory_space<vmem>>[vector<16xi32>], vector<16xf32>,
        %get3A_1248 = arith.constant 12 : i32
        %get3A_1249 = arith.index_cast %rem3A_410 : i32 to index
        %get3A_1250 = arith.index_cast %get3A_1248 : i32 to index
        %get3A_1251 = arith.constant 80 : index
        %get3A_1252 = tpu.vector_load %arg4[%get3A_1249, %get3A_1250, %get3A_1251] {strides = array<i32>} : memref<8x16x128xf32, #tpu.memory_space<vmem>>, vector<16xf32>,
        %add3A_1253 = arith.constant 1292 : i32
        %add3A_1254 = vector.broadcast %add3A_1253 : i32 to vector<16xi32>
        %add3A_1255 = arith.addi %add3A_440, %add3A_1254 : vector<16xi32>
        tpu.vector_store_idx %arg5[%add3A_1255], %get3A_1252 : memref<16384xf32, #tpu.memory_space<vmem>>[vector<16xi32>], vector<16xf32>,
        %get3A_1256 = arith.constant 12 : i32
        %get3A_1257 = arith.index_cast %rem3A_410 : i32 to index
        %get3A_1258 = arith.index_cast %get3A_1256 : i32 to index
        %get3A_1259 = arith.constant 96 : index
        %get3A_1260 = tpu.vector_load %arg4[%get3A_1257, %get3A_1258, %get3A_1259] {strides = array<i32>} : memref<8x16x128xf32, #tpu.memory_space<vmem>>, vector<16xf32>,
        %add3A_1261 = arith.constant 1548 : i32
        %add3A_1262 = vector.broadcast %add3A_1261 : i32 to vector<16xi32>
        %add3A_1263 = arith.addi %add3A_440, %add3A_1262 : vector<16xi32>
        tpu.vector_store_idx %arg5[%add3A_1263], %get3A_1260 : memref<16384xf32, #tpu.memory_space<vmem>>[vector<16xi32>], vector<16xf32>,
        %get3A_1264 = arith.constant 12 : i32
        %get3A_1265 = arith.index_cast %rem3A_410 : i32 to index
        %get3A_1266 = arith.index_cast %get3A_1264 : i32 to index
        %get3A_1267 = arith.constant 112 : index
        %get3A_1268 = tpu.vector_load %arg4[%get3A_1265, %get3A_1266, %get3A_1267] {strides = array<i32>} : memref<8x16x128xf32, #tpu.memory_space<vmem>>, vector<16xf32>,
        %add3A_1269 = arith.constant 1804 : i32
        %add3A_1270 = vector.broadcast %add3A_1269 : i32 to vector<16xi32>
        %add3A_1271 = arith.addi %add3A_440, %add3A_1270 : vector<16xi32>
        tpu.vector_store_idx %arg5[%add3A_1271], %get3A_1268 : memref<16384xf32, #tpu.memory_space<vmem>>[vector<16xi32>], vector<16xf32>,
        %get3A_1272 = arith.constant 13 : i32
        %get3A_1273 = arith.index_cast %rem3A_410 : i32 to index
        %get3A_1274 = arith.index_cast %get3A_1272 : i32 to index
        %get3A_1275 = arith.constant 0 : index
        %get3A_1276 = tpu.vector_load %arg4[%get3A_1273, %get3A_1274, %get3A_1275] {strides = array<i32>} : memref<8x16x128xf32, #tpu.memory_space<vmem>>, vector<16xf32>,
        %add3A_1277 = arith.constant 13 : i32
        %add3A_1278 = vector.broadcast %add3A_1277 : i32 to vector<16xi32>
        %add3A_1279 = arith.addi %add3A_440, %add3A_1278 : vector<16xi32>
        tpu.vector_store_idx %arg5[%add3A_1279], %get3A_1276 : memref<16384xf32, #tpu.memory_space<vmem>>[vector<16xi32>], vector<16xf32>,
        %get3A_1280 = arith.constant 13 : i32
        %get3A_1281 = arith.index_cast %rem3A_410 : i32 to index
        %get3A_1282 = arith.index_cast %get3A_1280 : i32 to index
        %get3A_1283 = arith.constant 16 : index
        %get3A_1284 = tpu.vector_load %arg4[%get3A_1281, %get3A_1282, %get3A_1283] {strides = array<i32>} : memref<8x16x128xf32, #tpu.memory_space<vmem>>, vector<16xf32>,
        %add3A_1285 = arith.constant 269 : i32
        %add3A_1286 = vector.broadcast %add3A_1285 : i32 to vector<16xi32>
        %add3A_1287 = arith.addi %add3A_440, %add3A_1286 : vector<16xi32>
        tpu.vector_store_idx %arg5[%add3A_1287], %get3A_1284 : memref<16384xf32, #tpu.memory_space<vmem>>[vector<16xi32>], vector<16xf32>,
        %get3A_1288 = arith.constant 13 : i32
        %get3A_1289 = arith.index_cast %rem3A_410 : i32 to index
        %get3A_1290 = arith.index_cast %get3A_1288 : i32 to index
        %get3A_1291 = arith.constant 32 : index
        %get3A_1292 = tpu.vector_load %arg4[%get3A_1289, %get3A_1290, %get3A_1291] {strides = array<i32>} : memref<8x16x128xf32, #tpu.memory_space<vmem>>, vector<16xf32>,
        %add3A_1293 = arith.constant 525 : i32
        %add3A_1294 = vector.broadcast %add3A_1293 : i32 to vector<16xi32>
        %add3A_1295 = arith.addi %add3A_440, %add3A_1294 : vector<16xi32>
        tpu.vector_store_idx %arg5[%add3A_1295], %get3A_1292 : memref<16384xf32, #tpu.memory_space<vmem>>[vector<16xi32>], vector<16xf32>,
        %get3A_1296 = arith.constant 13 : i32
        %get3A_1297 = arith.index_cast %rem3A_410 : i32 to index
        %get3A_1298 = arith.index_cast %get3A_1296 : i32 to index
        %get3A_1299 = arith.constant 48 : index
        %get3A_1300 = tpu.vector_load %arg4[%get3A_1297, %get3A_1298, %get3A_1299] {strides = array<i32>} : memref<8x16x128xf32, #tpu.memory_space<vmem>>, vector<16xf32>,
        %add3A_1301 = arith.constant 781 : i32
        %add3A_1302 = vector.broadcast %add3A_1301 : i32 to vector<16xi32>
        %add3A_1303 = arith.addi %add3A_440, %add3A_1302 : vector<16xi32>
        tpu.vector_store_idx %arg5[%add3A_1303], %get3A_1300 : memref<16384xf32, #tpu.memory_space<vmem>>[vector<16xi32>], vector<16xf32>,
        %get3A_1304 = arith.constant 13 : i32
        %get3A_1305 = arith.index_cast %rem3A_410 : i32 to index
        %get3A_1306 = arith.index_cast %get3A_1304 : i32 to index
        %get3A_1307 = arith.constant 64 : index
        %get3A_1308 = tpu.vector_load %arg4[%get3A_1305, %get3A_1306, %get3A_1307] {strides = array<i32>} : memref<8x16x128xf32, #tpu.memory_space<vmem>>, vector<16xf32>,
        %add3A_1309 = arith.constant 1037 : i32
        %add3A_1310 = vector.broadcast %add3A_1309 : i32 to vector<16xi32>
        %add3A_1311 = arith.addi %add3A_440, %add3A_1310 : vector<16xi32>
        tpu.vector_store_idx %arg5[%add3A_1311], %get3A_1308 : memref<16384xf32, #tpu.memory_space<vmem>>[vector<16xi32>], vector<16xf32>,
        %get3A_1312 = arith.constant 13 : i32
        %get3A_1313 = arith.index_cast %rem3A_410 : i32 to index
        %get3A_1314 = arith.index_cast %get3A_1312 : i32 to index
        %get3A_1315 = arith.constant 80 : index
        %get3A_1316 = tpu.vector_load %arg4[%get3A_1313, %get3A_1314, %get3A_1315] {strides = array<i32>} : memref<8x16x128xf32, #tpu.memory_space<vmem>>, vector<16xf32>,
        %add3A_1317 = arith.constant 1293 : i32
        %add3A_1318 = vector.broadcast %add3A_1317 : i32 to vector<16xi32>
        %add3A_1319 = arith.addi %add3A_440, %add3A_1318 : vector<16xi32>
        tpu.vector_store_idx %arg5[%add3A_1319], %get3A_1316 : memref<16384xf32, #tpu.memory_space<vmem>>[vector<16xi32>], vector<16xf32>,
        %get3A_1320 = arith.constant 13 : i32
        %get3A_1321 = arith.index_cast %rem3A_410 : i32 to index
        %get3A_1322 = arith.index_cast %get3A_1320 : i32 to index
        %get3A_1323 = arith.constant 96 : index
        %get3A_1324 = tpu.vector_load %arg4[%get3A_1321, %get3A_1322, %get3A_1323] {strides = array<i32>} : memref<8x16x128xf32, #tpu.memory_space<vmem>>, vector<16xf32>,
        %add3A_1325 = arith.constant 1549 : i32
        %add3A_1326 = vector.broadcast %add3A_1325 : i32 to vector<16xi32>
        %add3A_1327 = arith.addi %add3A_440, %add3A_1326 : vector<16xi32>
        tpu.vector_store_idx %arg5[%add3A_1327], %get3A_1324 : memref<16384xf32, #tpu.memory_space<vmem>>[vector<16xi32>], vector<16xf32>,
        %get3A_1328 = arith.constant 13 : i32
        %get3A_1329 = arith.index_cast %rem3A_410 : i32 to index
        %get3A_1330 = arith.index_cast %get3A_1328 : i32 to index
        %get3A_1331 = arith.constant 112 : index
        %get3A_1332 = tpu.vector_load %arg4[%get3A_1329, %get3A_1330, %get3A_1331] {strides = array<i32>} : memref<8x16x128xf32, #tpu.memory_space<vmem>>, vector<16xf32>,
        %add3A_1333 = arith.constant 1805 : i32
        %add3A_1334 = vector.broadcast %add3A_1333 : i32 to vector<16xi32>
        %add3A_1335 = arith.addi %add3A_440, %add3A_1334 : vector<16xi32>
        tpu.vector_store_idx %arg5[%add3A_1335], %get3A_1332 : memref<16384xf32, #tpu.memory_space<vmem>>[vector<16xi32>], vector<16xf32>,
        %get3A_1336 = arith.constant 14 : i32
        %get3A_1337 = arith.index_cast %rem3A_410 : i32 to index
        %get3A_1338 = arith.index_cast %get3A_1336 : i32 to index
        %get3A_1339 = arith.constant 0 : index
        %get3A_1340 = tpu.vector_load %arg4[%get3A_1337, %get3A_1338, %get3A_1339] {strides = array<i32>} : memref<8x16x128xf32, #tpu.memory_space<vmem>>, vector<16xf32>,
        %add3A_1341 = arith.constant 14 : i32
        %add3A_1342 = vector.broadcast %add3A_1341 : i32 to vector<16xi32>
        %add3A_1343 = arith.addi %add3A_440, %add3A_1342 : vector<16xi32>
        tpu.vector_store_idx %arg5[%add3A_1343], %get3A_1340 : memref<16384xf32, #tpu.memory_space<vmem>>[vector<16xi32>], vector<16xf32>,
        %get3A_1344 = arith.constant 14 : i32
        %get3A_1345 = arith.index_cast %rem3A_410 : i32 to index
        %get3A_1346 = arith.index_cast %get3A_1344 : i32 to index
        %get3A_1347 = arith.constant 16 : index
        %get3A_1348 = tpu.vector_load %arg4[%get3A_1345, %get3A_1346, %get3A_1347] {strides = array<i32>} : memref<8x16x128xf32, #tpu.memory_space<vmem>>, vector<16xf32>,
        %add3A_1349 = arith.constant 270 : i32
        %add3A_1350 = vector.broadcast %add3A_1349 : i32 to vector<16xi32>
        %add3A_1351 = arith.addi %add3A_440, %add3A_1350 : vector<16xi32>
        tpu.vector_store_idx %arg5[%add3A_1351], %get3A_1348 : memref<16384xf32, #tpu.memory_space<vmem>>[vector<16xi32>], vector<16xf32>,
        %get3A_1352 = arith.constant 14 : i32
        %get3A_1353 = arith.index_cast %rem3A_410 : i32 to index
        %get3A_1354 = arith.index_cast %get3A_1352 : i32 to index
        %get3A_1355 = arith.constant 32 : index
        %get3A_1356 = tpu.vector_load %arg4[%get3A_1353, %get3A_1354, %get3A_1355] {strides = array<i32>} : memref<8x16x128xf32, #tpu.memory_space<vmem>>, vector<16xf32>,
        %add3A_1357 = arith.constant 526 : i32
        %add3A_1358 = vector.broadcast %add3A_1357 : i32 to vector<16xi32>
        %add3A_1359 = arith.addi %add3A_440, %add3A_1358 : vector<16xi32>
        tpu.vector_store_idx %arg5[%add3A_1359], %get3A_1356 : memref<16384xf32, #tpu.memory_space<vmem>>[vector<16xi32>], vector<16xf32>,
        %get3A_1360 = arith.constant 14 : i32
        %get3A_1361 = arith.index_cast %rem3A_410 : i32 to index
        %get3A_1362 = arith.index_cast %get3A_1360 : i32 to index
        %get3A_1363 = arith.constant 48 : index
        %get3A_1364 = tpu.vector_load %arg4[%get3A_1361, %get3A_1362, %get3A_1363] {strides = array<i32>} : memref<8x16x128xf32, #tpu.memory_space<vmem>>, vector<16xf32>,
        %add3A_1365 = arith.constant 782 : i32
        %add3A_1366 = vector.broadcast %add3A_1365 : i32 to vector<16xi32>
        %add3A_1367 = arith.addi %add3A_440, %add3A_1366 : vector<16xi32>
        tpu.vector_store_idx %arg5[%add3A_1367], %get3A_1364 : memref<16384xf32, #tpu.memory_space<vmem>>[vector<16xi32>], vector<16xf32>,
        %get3A_1368 = arith.constant 14 : i32
        %get3A_1369 = arith.index_cast %rem3A_410 : i32 to index
        %get3A_1370 = arith.index_cast %get3A_1368 : i32 to index
        %get3A_1371 = arith.constant 64 : index
        %get3A_1372 = tpu.vector_load %arg4[%get3A_1369, %get3A_1370, %get3A_1371] {strides = array<i32>} : memref<8x16x128xf32, #tpu.memory_space<vmem>>, vector<16xf32>,
        %add3A_1373 = arith.constant 1038 : i32
        %add3A_1374 = vector.broadcast %add3A_1373 : i32 to vector<16xi32>
        %add3A_1375 = arith.addi %add3A_440, %add3A_1374 : vector<16xi32>
        tpu.vector_store_idx %arg5[%add3A_1375], %get3A_1372 : memref<16384xf32, #tpu.memory_space<vmem>>[vector<16xi32>], vector<16xf32>,
        %get3A_1376 = arith.constant 14 : i32
        %get3A_1377 = arith.index_cast %rem3A_410 : i32 to index
        %get3A_1378 = arith.index_cast %get3A_1376 : i32 to index
        %get3A_1379 = arith.constant 80 : index
        %get3A_1380 = tpu.vector_load %arg4[%get3A_1377, %get3A_1378, %get3A_1379] {strides = array<i32>} : memref<8x16x128xf32, #tpu.memory_space<vmem>>, vector<16xf32>,
        %add3A_1381 = arith.constant 1294 : i32
        %add3A_1382 = vector.broadcast %add3A_1381 : i32 to vector<16xi32>
        %add3A_1383 = arith.addi %add3A_440, %add3A_1382 : vector<16xi32>
        tpu.vector_store_idx %arg5[%add3A_1383], %get3A_1380 : memref<16384xf32, #tpu.memory_space<vmem>>[vector<16xi32>], vector<16xf32>,
        %get3A_1384 = arith.constant 14 : i32
        %get3A_1385 = arith.index_cast %rem3A_410 : i32 to index
        %get3A_1386 = arith.index_cast %get3A_1384 : i32 to index
        %get3A_1387 = arith.constant 96 : index
        %get3A_1388 = tpu.vector_load %arg4[%get3A_1385, %get3A_1386, %get3A_1387] {strides = array<i32>} : memref<8x16x128xf32, #tpu.memory_space<vmem>>, vector<16xf32>,
        %add3A_1389 = arith.constant 1550 : i32
        %add3A_1390 = vector.broadcast %add3A_1389 : i32 to vector<16xi32>
        %add3A_1391 = arith.addi %add3A_440, %add3A_1390 : vector<16xi32>
        tpu.vector_store_idx %arg5[%add3A_1391], %get3A_1388 : memref<16384xf32, #tpu.memory_space<vmem>>[vector<16xi32>], vector<16xf32>,
        %get3A_1392 = arith.constant 14 : i32
        %get3A_1393 = arith.index_cast %rem3A_410 : i32 to index
        %get3A_1394 = arith.index_cast %get3A_1392 : i32 to index
        %get3A_1395 = arith.constant 112 : index
        %get3A_1396 = tpu.vector_load %arg4[%get3A_1393, %get3A_1394, %get3A_1395] {strides = array<i32>} : memref<8x16x128xf32, #tpu.memory_space<vmem>>, vector<16xf32>,
        %add3A_1397 = arith.constant 1806 : i32
        %add3A_1398 = vector.broadcast %add3A_1397 : i32 to vector<16xi32>
        %add3A_1399 = arith.addi %add3A_440, %add3A_1398 : vector<16xi32>
        tpu.vector_store_idx %arg5[%add3A_1399], %get3A_1396 : memref<16384xf32, #tpu.memory_space<vmem>>[vector<16xi32>], vector<16xf32>,
        %get3A_1400 = arith.constant 15 : i32
        %get3A_1401 = arith.index_cast %rem3A_410 : i32 to index
        %get3A_1402 = arith.index_cast %get3A_1400 : i32 to index
        %get3A_1403 = arith.constant 0 : index
        %get3A_1404 = tpu.vector_load %arg4[%get3A_1401, %get3A_1402, %get3A_1403] {strides = array<i32>} : memref<8x16x128xf32, #tpu.memory_space<vmem>>, vector<16xf32>,
        %add3A_1405 = arith.constant 15 : i32
        %add3A_1406 = vector.broadcast %add3A_1405 : i32 to vector<16xi32>
        %add3A_1407 = arith.addi %add3A_440, %add3A_1406 : vector<16xi32>
        tpu.vector_store_idx %arg5[%add3A_1407], %get3A_1404 : memref<16384xf32, #tpu.memory_space<vmem>>[vector<16xi32>], vector<16xf32>,
        %get3A_1408 = arith.constant 15 : i32
        %get3A_1409 = arith.index_cast %rem3A_410 : i32 to index
        %get3A_1410 = arith.index_cast %get3A_1408 : i32 to index
        %get3A_1411 = arith.constant 16 : index
        %get3A_1412 = tpu.vector_load %arg4[%get3A_1409, %get3A_1410, %get3A_1411] {strides = array<i32>} : memref<8x16x128xf32, #tpu.memory_space<vmem>>, vector<16xf32>,
        %add3A_1413 = arith.constant 271 : i32
        %add3A_1414 = vector.broadcast %add3A_1413 : i32 to vector<16xi32>
        %add3A_1415 = arith.addi %add3A_440, %add3A_1414 : vector<16xi32>
        tpu.vector_store_idx %arg5[%add3A_1415], %get3A_1412 : memref<16384xf32, #tpu.memory_space<vmem>>[vector<16xi32>], vector<16xf32>,
        %get3A_1416 = arith.constant 15 : i32
        %get3A_1417 = arith.index_cast %rem3A_410 : i32 to index
        %get3A_1418 = arith.index_cast %get3A_1416 : i32 to index
        %get3A_1419 = arith.constant 32 : index
        %get3A_1420 = tpu.vector_load %arg4[%get3A_1417, %get3A_1418, %get3A_1419] {strides = array<i32>} : memref<8x16x128xf32, #tpu.memory_space<vmem>>, vector<16xf32>,
        %add3A_1421 = arith.constant 527 : i32
        %add3A_1422 = vector.broadcast %add3A_1421 : i32 to vector<16xi32>
        %add3A_1423 = arith.addi %add3A_440, %add3A_1422 : vector<16xi32>
        tpu.vector_store_idx %arg5[%add3A_1423], %get3A_1420 : memref<16384xf32, #tpu.memory_space<vmem>>[vector<16xi32>], vector<16xf32>,
        %get3A_1424 = arith.constant 15 : i32
        %get3A_1425 = arith.index_cast %rem3A_410 : i32 to index
        %get3A_1426 = arith.index_cast %get3A_1424 : i32 to index
        %get3A_1427 = arith.constant 48 : index
        %get3A_1428 = tpu.vector_load %arg4[%get3A_1425, %get3A_1426, %get3A_1427] {strides = array<i32>} : memref<8x16x128xf32, #tpu.memory_space<vmem>>, vector<16xf32>,
        %add3A_1429 = arith.constant 783 : i32
        %add3A_1430 = vector.broadcast %add3A_1429 : i32 to vector<16xi32>
        %add3A_1431 = arith.addi %add3A_440, %add3A_1430 : vector<16xi32>
        tpu.vector_store_idx %arg5[%add3A_1431], %get3A_1428 : memref<16384xf32, #tpu.memory_space<vmem>>[vector<16xi32>], vector<16xf32>,
        %get3A_1432 = arith.constant 15 : i32
        %get3A_1433 = arith.index_cast %rem3A_410 : i32 to index
        %get3A_1434 = arith.index_cast %get3A_1432 : i32 to index
        %get3A_1435 = arith.constant 64 : index
        %get3A_1436 = tpu.vector_load %arg4[%get3A_1433, %get3A_1434, %get3A_1435] {strides = array<i32>} : memref<8x16x128xf32, #tpu.memory_space<vmem>>, vector<16xf32>,
        %add3A_1437 = arith.constant 1039 : i32
        %add3A_1438 = vector.broadcast %add3A_1437 : i32 to vector<16xi32>
        %add3A_1439 = arith.addi %add3A_440, %add3A_1438 : vector<16xi32>
        tpu.vector_store_idx %arg5[%add3A_1439], %get3A_1436 : memref<16384xf32, #tpu.memory_space<vmem>>[vector<16xi32>], vector<16xf32>,
        %get3A_1440 = arith.constant 15 : i32
        %get3A_1441 = arith.index_cast %rem3A_410 : i32 to index
        %get3A_1442 = arith.index_cast %get3A_1440 : i32 to index
        %get3A_1443 = arith.constant 80 : index
        %get3A_1444 = tpu.vector_load %arg4[%get3A_1441, %get3A_1442, %get3A_1443] {strides = array<i32>} : memref<8x16x128xf32, #tpu.memory_space<vmem>>, vector<16xf32>,
        %add3A_1445 = arith.constant 1295 : i32
        %add3A_1446 = vector.broadcast %add3A_1445 : i32 to vector<16xi32>
        %add3A_1447 = arith.addi %add3A_440, %add3A_1446 : vector<16xi32>
        tpu.vector_store_idx %arg5[%add3A_1447], %get3A_1444 : memref<16384xf32, #tpu.memory_space<vmem>>[vector<16xi32>], vector<16xf32>,
        %get3A_1448 = arith.constant 15 : i32
        %get3A_1449 = arith.index_cast %rem3A_410 : i32 to index
        %get3A_1450 = arith.index_cast %get3A_1448 : i32 to index
        %get3A_1451 = arith.constant 96 : index
        %get3A_1452 = tpu.vector_load %arg4[%get3A_1449, %get3A_1450, %get3A_1451] {strides = array<i32>} : memref<8x16x128xf32, #tpu.memory_space<vmem>>, vector<16xf32>,
        %add3A_1453 = arith.constant 1551 : i32
        %add3A_1454 = vector.broadcast %add3A_1453 : i32 to vector<16xi32>
        %add3A_1455 = arith.addi %add3A_440, %add3A_1454 : vector<16xi32>
        tpu.vector_store_idx %arg5[%add3A_1455], %get3A_1452 : memref<16384xf32, #tpu.memory_space<vmem>>[vector<16xi32>], vector<16xf32>,
        %get3A_1456 = arith.constant 15 : i32
        %get3A_1457 = arith.index_cast %rem3A_410 : i32 to index
        %get3A_1458 = arith.index_cast %get3A_1456 : i32 to index
        %get3A_1459 = arith.constant 112 : index
        %get3A_1460 = tpu.vector_load %arg4[%get3A_1457, %get3A_1458, %get3A_1459] {strides = array<i32>} : memref<8x16x128xf32, #tpu.memory_space<vmem>>, vector<16xf32>,
        %add3A_1461 = arith.constant 1807 : i32
        %add3A_1462 = vector.broadcast %add3A_1461 : i32 to vector<16xi32>
        %add3A_1463 = arith.addi %add3A_440, %add3A_1462 : vector<16xi32>
        tpu.vector_store_idx %arg5[%add3A_1463], %get3A_1460 : memref<16384xf32, #tpu.memory_space<vmem>>[vector<16xi32>], vector<16xf32>,
        %mul3A_1464 = arith.constant 2048 : i32
        %mul3A_1465 = arith.muli %mul3A_1464, %rem3A_410 : i32
        %mul3A_1466 = arith.constant 2048 : i32
        %mul3A_1467 = arith.muli %mul3A_1466, %add3A_413 : i32
        %dma_start3A_1468 = tpu.memref_slice %arg5[%mul3A_1465] : memref<16384xf32, #tpu.memory_space<vmem>> -> memref<2048xf32, #tpu.memory_space<vmem>>
        %dma_start3A_1469 = tpu.memref_slice %arg3[%mul3A_1467] : memref<16001024xf32, #tpu.memory_space<hbm>> -> memref<2048xf32, #tpu.memory_space<hbm>>
        %dma_start3A_1470 = tpu.memref_slice %arg7[%rem3A_410] : memref<8x!tpu.dma_semaphore, #tpu.memory_space<semaphore_mem>> -> memref<1x!tpu.dma_semaphore, #tpu.memory_space<semaphore_mem>>
        %dma_start3A_1471 = tpu.memref_squeeze %dma_start3A_1470 : memref<1x!tpu.dma_semaphore, #tpu.memory_space<semaphore_mem>> -> memref<!tpu.dma_semaphore, #tpu.memory_space<semaphore_mem>>
        %dma_start3A_1472 = tpu.memref_slice %arg3[%mul3A_1467] : memref<16001024xf32, #tpu.memory_space<hbm>> -> memref<2048xf32, #tpu.memory_space<hbm>>
        %dma_start3A_1473 = tpu.memref_slice %arg5[%mul3A_1465] : memref<16384xf32, #tpu.memory_space<vmem>> -> memref<2048xf32, #tpu.memory_space<vmem>>
        tpu.enqueue_dma source(%dma_start3A_1473 : memref<2048xf32, #tpu.memory_space<vmem>>) target(%dma_start3A_1472 : memref<2048xf32, #tpu.memory_space<hbm>>) target_semaphore(%dma_start3A_1471 : memref<!tpu.dma_semaphore, #tpu.memory_space<semaphore_mem>>)
        %add3A_1474 = arith.constant 256 : i32
        %add3A_1475 = arith.addi %add3A_413, %add3A_1474 : i32
        %lt3A_1476 = arith.constant 7813 : i32
        %lt3A_1477 = arith.cmpi slt, %add3A_1475, %lt3A_1476 : i32
        %convert_element_type3A_1478 = arith.extui %lt3A_1477 : i1 to i32
        %cond3A_1479 = arith.constant 0 : i32
        %cond3A_1480 = arith.cmpi ne, %convert_element_type3A_1478, %cond3A_1479 : i32
        scf.if %cond3A_1480 {
          %add3A_1481 = arith.constant 256 : i32
          %add3A_1482 = arith.addi %add3A_413, %add3A_1481 : i32
          %mul3A_1483 = arith.constant 128 : i32
          %mul3A_1484 = arith.muli %mul3A_1483, %add3A_1482 : i32
          %dma_start3A_1485 = arith.constant 0 : i32
          %dma_start3A_1486 = arith.constant 0 : i32
          %dma_start3A_1487 = tpu.memref_slice %arg4[%rem3A_410, %dma_start3A_1485, %dma_start3A_1486] : memref<8x16x128xf32, #tpu.memory_space<vmem>> -> memref<1x16x128xf32, #tpu.memory_space<vmem>>
          %dma_start3A_1488 = tpu.memref_squeeze %dma_start3A_1487 : memref<1x16x128xf32, #tpu.memory_space<vmem>> -> memref<16x128xf32, #tpu.memory_space<vmem>>
          %dma_start3A_1489 = arith.constant 0 : i32
          %dma_start3A_1490 = tpu.memref_slice %arg2[%dma_start3A_1489, %mul3A_1484] : memref<16x1000000xf32, #tpu.memory_space<hbm>> -> memref<16x128xf32, #tpu.memory_space<hbm>>
          %dma_start3A_1491 = tpu.memref_slice %arg6[%rem3A_410] : memref<8x!tpu.dma_semaphore, #tpu.memory_space<semaphore_mem>> -> memref<1x!tpu.dma_semaphore, #tpu.memory_space<semaphore_mem>>
          %dma_start3A_1492 = tpu.memref_squeeze %dma_start3A_1491 : memref<1x!tpu.dma_semaphore, #tpu.memory_space<semaphore_mem>> -> memref<!tpu.dma_semaphore, #tpu.memory_space<semaphore_mem>>
          %dma_start3A_1493 = arith.constant 0 : i32
          %dma_start3A_1494 = arith.constant 0 : i32
          %dma_start3A_1495 = tpu.memref_slice %arg4[%rem3A_410, %dma_start3A_1493, %dma_start3A_1494] : memref<8x16x128xf32, #tpu.memory_space<vmem>> -> memref<1x16x128xf32, #tpu.memory_space<vmem>>
          %dma_start3A_1496 = tpu.memref_squeeze %dma_start3A_1495 : memref<1x16x128xf32, #tpu.memory_space<vmem>> -> memref<16x128xf32, #tpu.memory_space<vmem>>
          %dma_start3A_1497 = arith.constant 0 : i32
          %dma_start3A_1498 = tpu.memref_slice %arg2[%dma_start3A_1497, %mul3A_1484] : memref<16x1000000xf32, #tpu.memory_space<hbm>> -> memref<16x128xf32, #tpu.memory_space<hbm>>
          tpu.enqueue_dma source(%dma_start3A_1498 : memref<16x128xf32, #tpu.memory_space<hbm>>) target(%dma_start3A_1496 : memref<16x128xf32, #tpu.memory_space<vmem>>) target_semaphore(%dma_start3A_1492 : memref<!tpu.dma_semaphore, #tpu.memory_space<semaphore_mem>>)
        } else {
        }
      } else {
      }
    }
    %scan3A_214 = arith.constant 245 : i32
    %sub3A_215 = arith.constant 7812 : i32
    %sub3A_216 = arith.subi %sub3A_215, %add3A : i32
    %jit3A_217 = arith.constant 32 : i32
    %div3A_218 = arith.divsi %sub3A_216, %jit3A_217 : i32
    %sign3A_219 = arith.constant 0 : i32
    %sign3A_220 = arith.cmpi sgt, %sub3A_216, %sign3A_219 : i32
    %sign3A_221 = arith.extui %sign3A_220 : i1 to i32
    %sign3A_222 = arith.constant 0 : i32
    %sign3A_223 = arith.cmpi slt, %sub3A_216, %sign3A_222 : i32
    %sign3A_224 = arith.extui %sign3A_223 : i1 to i32
    %sign3A_225 = arith.subi %sign3A_221, %sign3A_224 : i32
    %sign3A_226 = arith.constant 0 : i32
    %sign3A_227 = arith.cmpi sgt, %jit3A_217, %sign3A_226 : i32
    %sign3A_228 = arith.extui %sign3A_227 : i1 to i32
    %sign3A_229 = arith.constant 0 : i32
    %sign3A_230 = arith.cmpi slt, %jit3A_217, %sign3A_229 : i32
    %sign3A_231 = arith.extui %sign3A_230 : i1 to i32
    %sign3A_232 = arith.subi %sign3A_228, %sign3A_231 : i32
    %ne3A_233 = arith.cmpi ne, %sign3A_225, %sign3A_232 : i32
    %rem3A_234 = arith.remsi %sub3A_216, %jit3A_217 : i32
    %ne3A_235 = arith.constant 0 : i32
    %ne3A_236 = arith.cmpi ne, %rem3A_234, %ne3A_235 : i32
    %and3A_237 = arith.andi %ne3A_233, %ne3A_236 : i1
    %sub3A_238 = arith.constant 1 : i32
    %sub3A_239 = arith.subi %div3A_218, %sub3A_238 : i32
    %select_n3A_240 = arith.select %and3A_237, %sub3A_239, %div3A_218 : i32
    %sub3A_241 = arith.constant 0 : i32
    %sub3A_242 = arith.subi %select_n3A_240, %sub3A_241 : i32
    %add3A_243 = arith.constant 8 : i32
    %add3A_244 = arith.addi %sub3A_242, %add3A_243 : i32
    %rem3A_245 = arith.constant 8 : i32
    %rem3A_246 = arith.remsi %add3A_244, %rem3A_245 : i32
    %sub3A_247 = arith.subi %select_n3A_240, %rem3A_246 : i32
    %mul3A_248 = arith.constant 32 : i32
    %mul3A_249 = arith.muli %mul3A_248, %sub3A_247 : i32
    %add3A_250 = arith.addi %add3A, %mul3A_249 : i32
    %mul3A_251 = arith.constant 2048 : i32
    %mul3A_252 = arith.muli %mul3A_251, %add3A_250 : i32
    %dma_wait3A = arith.constant 0 : i32
    %dma_wait3A_253 = arith.constant 0 : i32
    %dma_wait3A_254 = tpu.memref_slice %arg5[%dma_wait3A_253] : memref<16384xf32, #tpu.memory_space<vmem>> -> memref<2048xf32, #tpu.memory_space<vmem>>
    %dma_wait3A_255 = tpu.memref_slice %arg3[%mul3A_252] : memref<16001024xf32, #tpu.memory_space<hbm>> -> memref<2048xf32, #tpu.memory_space<hbm>>
    %dma_wait3A_256 = tpu.memref_slice %arg7[%dma_wait3A] : memref<8x!tpu.dma_semaphore, #tpu.memory_space<semaphore_mem>> -> memref<1x!tpu.dma_semaphore, #tpu.memory_space<semaphore_mem>>
    %dma_wait3A_257 = tpu.memref_squeeze %dma_wait3A_256 : memref<1x!tpu.dma_semaphore, #tpu.memory_space<semaphore_mem>> -> memref<!tpu.dma_semaphore, #tpu.memory_space<semaphore_mem>>
    %dma_wait3A_258 = tpu.memref_slice %arg3[%mul3A_252] : memref<16001024xf32, #tpu.memory_space<hbm>> -> memref<2048xf32, #tpu.memory_space<hbm>>
    %dma_wait3A_259 = arith.constant 0 : i32
    %dma_wait3A_260 = tpu.memref_slice %arg5[%dma_wait3A_259] : memref<16384xf32, #tpu.memory_space<vmem>> -> memref<2048xf32, #tpu.memory_space<vmem>>
    tpu.wait_dma2 semaphore(%dma_wait3A_257 : memref<!tpu.dma_semaphore, #tpu.memory_space<semaphore_mem>>) src(%dma_wait3A_260 : memref<2048xf32, #tpu.memory_space<vmem>>) dst(%dma_wait3A_258 : memref<2048xf32, #tpu.memory_space<hbm>>)
    %sub3A_261 = arith.constant 1 : i32
    %sub3A_262 = arith.subi %select_n3A_240, %sub3A_261 : i32
    %add3A_263 = arith.constant 8 : i32
    %add3A_264 = arith.addi %sub3A_262, %add3A_263 : i32
    %rem3A_265 = arith.constant 8 : i32
    %rem3A_266 = arith.remsi %add3A_264, %rem3A_265 : i32
    %sub3A_267 = arith.subi %select_n3A_240, %rem3A_266 : i32
    %mul3A_268 = arith.constant 32 : i32
    %mul3A_269 = arith.muli %mul3A_268, %sub3A_267 : i32
    %add3A_270 = arith.addi %add3A, %mul3A_269 : i32
    %mul3A_271 = arith.constant 2048 : i32
    %mul3A_272 = arith.muli %mul3A_271, %add3A_270 : i32
    %dma_wait3A_273 = arith.constant 1 : i32
    %dma_wait3A_274 = arith.constant 2048 : i32
    %dma_wait3A_275 = tpu.memref_slice %arg5[%dma_wait3A_274] : memref<16384xf32, #tpu.memory_space<vmem>> -> memref<2048xf32, #tpu.memory_space<vmem>>
    %dma_wait3A_276 = tpu.memref_slice %arg3[%mul3A_272] : memref<16001024xf32, #tpu.memory_space<hbm>> -> memref<2048xf32, #tpu.memory_space<hbm>>
    %dma_wait3A_277 = tpu.memref_slice %arg7[%dma_wait3A_273] : memref<8x!tpu.dma_semaphore, #tpu.memory_space<semaphore_mem>> -> memref<1x!tpu.dma_semaphore, #tpu.memory_space<semaphore_mem>>
    %dma_wait3A_278 = tpu.memref_squeeze %dma_wait3A_277 : memref<1x!tpu.dma_semaphore, #tpu.memory_space<semaphore_mem>> -> memref<!tpu.dma_semaphore, #tpu.memory_space<semaphore_mem>>
    %dma_wait3A_279 = tpu.memref_slice %arg3[%mul3A_272] : memref<16001024xf32, #tpu.memory_space<hbm>> -> memref<2048xf32, #tpu.memory_space<hbm>>
    %dma_wait3A_280 = arith.constant 2048 : i32
    %dma_wait3A_281 = tpu.memref_slice %arg5[%dma_wait3A_280] : memref<16384xf32, #tpu.memory_space<vmem>> -> memref<2048xf32, #tpu.memory_space<vmem>>
    tpu.wait_dma2 semaphore(%dma_wait3A_278 : memref<!tpu.dma_semaphore, #tpu.memory_space<semaphore_mem>>) src(%dma_wait3A_281 : memref<2048xf32, #tpu.memory_space<vmem>>) dst(%dma_wait3A_279 : memref<2048xf32, #tpu.memory_space<hbm>>)
    %sub3A_282 = arith.constant 2 : i32
    %sub3A_283 = arith.subi %select_n3A_240, %sub3A_282 : i32
    %add3A_284 = arith.constant 8 : i32
    %add3A_285 = arith.addi %sub3A_283, %add3A_284 : i32
    %rem3A_286 = arith.constant 8 : i32
    %rem3A_287 = arith.remsi %add3A_285, %rem3A_286 : i32
    %sub3A_288 = arith.subi %select_n3A_240, %rem3A_287 : i32
    %mul3A_289 = arith.constant 32 : i32
    %mul3A_290 = arith.muli %mul3A_289, %sub3A_288 : i32
    %add3A_291 = arith.addi %add3A, %mul3A_290 : i32
    %mul3A_292 = arith.constant 2048 : i32
    %mul3A_293 = arith.muli %mul3A_292, %add3A_291 : i32
    %dma_wait3A_294 = arith.constant 2 : i32
    %dma_wait3A_295 = arith.constant 4096 : i32
    %dma_wait3A_296 = tpu.memref_slice %arg5[%dma_wait3A_295] : memref<16384xf32, #tpu.memory_space<vmem>> -> memref<2048xf32, #tpu.memory_space<vmem>>
    %dma_wait3A_297 = tpu.memref_slice %arg3[%mul3A_293] : memref<16001024xf32, #tpu.memory_space<hbm>> -> memref<2048xf32, #tpu.memory_space<hbm>>
    %dma_wait3A_298 = tpu.memref_slice %arg7[%dma_wait3A_294] : memref<8x!tpu.dma_semaphore, #tpu.memory_space<semaphore_mem>> -> memref<1x!tpu.dma_semaphore, #tpu.memory_space<semaphore_mem>>
    %dma_wait3A_299 = tpu.memref_squeeze %dma_wait3A_298 : memref<1x!tpu.dma_semaphore, #tpu.memory_space<semaphore_mem>> -> memref<!tpu.dma_semaphore, #tpu.memory_space<semaphore_mem>>
    %dma_wait3A_300 = tpu.memref_slice %arg3[%mul3A_293] : memref<16001024xf32, #tpu.memory_space<hbm>> -> memref<2048xf32, #tpu.memory_space<hbm>>
    %dma_wait3A_301 = arith.constant 4096 : i32
    %dma_wait3A_302 = tpu.memref_slice %arg5[%dma_wait3A_301] : memref<16384xf32, #tpu.memory_space<vmem>> -> memref<2048xf32, #tpu.memory_space<vmem>>
    tpu.wait_dma2 semaphore(%dma_wait3A_299 : memref<!tpu.dma_semaphore, #tpu.memory_space<semaphore_mem>>) src(%dma_wait3A_302 : memref<2048xf32, #tpu.memory_space<vmem>>) dst(%dma_wait3A_300 : memref<2048xf32, #tpu.memory_space<hbm>>)
    %sub3A_303 = arith.constant 3 : i32
    %sub3A_304 = arith.subi %select_n3A_240, %sub3A_303 : i32
    %add3A_305 = arith.constant 8 : i32
    %add3A_306 = arith.addi %sub3A_304, %add3A_305 : i32
    %rem3A_307 = arith.constant 8 : i32
    %rem3A_308 = arith.remsi %add3A_306, %rem3A_307 : i32
    %sub3A_309 = arith.subi %select_n3A_240, %rem3A_308 : i32
    %mul3A_310 = arith.constant 32 : i32
    %mul3A_311 = arith.muli %mul3A_310, %sub3A_309 : i32
    %add3A_312 = arith.addi %add3A, %mul3A_311 : i32
    %mul3A_313 = arith.constant 2048 : i32
    %mul3A_314 = arith.muli %mul3A_313, %add3A_312 : i32
    %dma_wait3A_315 = arith.constant 3 : i32
    %dma_wait3A_316 = arith.constant 6144 : i32
    %dma_wait3A_317 = tpu.memref_slice %arg5[%dma_wait3A_316] : memref<16384xf32, #tpu.memory_space<vmem>> -> memref<2048xf32, #tpu.memory_space<vmem>>
    %dma_wait3A_318 = tpu.memref_slice %arg3[%mul3A_314] : memref<16001024xf32, #tpu.memory_space<hbm>> -> memref<2048xf32, #tpu.memory_space<hbm>>
    %dma_wait3A_319 = tpu.memref_slice %arg7[%dma_wait3A_315] : memref<8x!tpu.dma_semaphore, #tpu.memory_space<semaphore_mem>> -> memref<1x!tpu.dma_semaphore, #tpu.memory_space<semaphore_mem>>
    %dma_wait3A_320 = tpu.memref_squeeze %dma_wait3A_319 : memref<1x!tpu.dma_semaphore, #tpu.memory_space<semaphore_mem>> -> memref<!tpu.dma_semaphore, #tpu.memory_space<semaphore_mem>>
    %dma_wait3A_321 = tpu.memref_slice %arg3[%mul3A_314] : memref<16001024xf32, #tpu.memory_space<hbm>> -> memref<2048xf32, #tpu.memory_space<hbm>>
    %dma_wait3A_322 = arith.constant 6144 : i32
    %dma_wait3A_323 = tpu.memref_slice %arg5[%dma_wait3A_322] : memref<16384xf32, #tpu.memory_space<vmem>> -> memref<2048xf32, #tpu.memory_space<vmem>>
    tpu.wait_dma2 semaphore(%dma_wait3A_320 : memref<!tpu.dma_semaphore, #tpu.memory_space<semaphore_mem>>) src(%dma_wait3A_323 : memref<2048xf32, #tpu.memory_space<vmem>>) dst(%dma_wait3A_321 : memref<2048xf32, #tpu.memory_space<hbm>>)
    %sub3A_324 = arith.constant 4 : i32
    %sub3A_325 = arith.subi %select_n3A_240, %sub3A_324 : i32
    %add3A_326 = arith.constant 8 : i32
    %add3A_327 = arith.addi %sub3A_325, %add3A_326 : i32
    %rem3A_328 = arith.constant 8 : i32
    %rem3A_329 = arith.remsi %add3A_327, %rem3A_328 : i32
    %sub3A_330 = arith.subi %select_n3A_240, %rem3A_329 : i32
    %mul3A_331 = arith.constant 32 : i32
    %mul3A_332 = arith.muli %mul3A_331, %sub3A_330 : i32
    %add3A_333 = arith.addi %add3A, %mul3A_332 : i32
    %mul3A_334 = arith.constant 2048 : i32
    %mul3A_335 = arith.muli %mul3A_334, %add3A_333 : i32
    %dma_wait3A_336 = arith.constant 4 : i32
    %dma_wait3A_337 = arith.constant 8192 : i32
    %dma_wait3A_338 = tpu.memref_slice %arg5[%dma_wait3A_337] : memref<16384xf32, #tpu.memory_space<vmem>> -> memref<2048xf32, #tpu.memory_space<vmem>>
    %dma_wait3A_339 = tpu.memref_slice %arg3[%mul3A_335] : memref<16001024xf32, #tpu.memory_space<hbm>> -> memref<2048xf32, #tpu.memory_space<hbm>>
    %dma_wait3A_340 = tpu.memref_slice %arg7[%dma_wait3A_336] : memref<8x!tpu.dma_semaphore, #tpu.memory_space<semaphore_mem>> -> memref<1x!tpu.dma_semaphore, #tpu.memory_space<semaphore_mem>>
    %dma_wait3A_341 = tpu.memref_squeeze %dma_wait3A_340 : memref<1x!tpu.dma_semaphore, #tpu.memory_space<semaphore_mem>> -> memref<!tpu.dma_semaphore, #tpu.memory_space<semaphore_mem>>
    %dma_wait3A_342 = tpu.memref_slice %arg3[%mul3A_335] : memref<16001024xf32, #tpu.memory_space<hbm>> -> memref<2048xf32, #tpu.memory_space<hbm>>
    %dma_wait3A_343 = arith.constant 8192 : i32
    %dma_wait3A_344 = tpu.memref_slice %arg5[%dma_wait3A_343] : memref<16384xf32, #tpu.memory_space<vmem>> -> memref<2048xf32, #tpu.memory_space<vmem>>
    tpu.wait_dma2 semaphore(%dma_wait3A_341 : memref<!tpu.dma_semaphore, #tpu.memory_space<semaphore_mem>>) src(%dma_wait3A_344 : memref<2048xf32, #tpu.memory_space<vmem>>) dst(%dma_wait3A_342 : memref<2048xf32, #tpu.memory_space<hbm>>)
    %sub3A_345 = arith.constant 5 : i32
    %sub3A_346 = arith.subi %select_n3A_240, %sub3A_345 : i32
    %add3A_347 = arith.constant 8 : i32
    %add3A_348 = arith.addi %sub3A_346, %add3A_347 : i32
    %rem3A_349 = arith.constant 8 : i32
    %rem3A_350 = arith.remsi %add3A_348, %rem3A_349 : i32
    %sub3A_351 = arith.subi %select_n3A_240, %rem3A_350 : i32
    %mul3A_352 = arith.constant 32 : i32
    %mul3A_353 = arith.muli %mul3A_352, %sub3A_351 : i32
    %add3A_354 = arith.addi %add3A, %mul3A_353 : i32
    %mul3A_355 = arith.constant 2048 : i32
    %mul3A_356 = arith.muli %mul3A_355, %add3A_354 : i32
    %dma_wait3A_357 = arith.constant 5 : i32
    %dma_wait3A_358 = arith.constant 10240 : i32
    %dma_wait3A_359 = tpu.memref_slice %arg5[%dma_wait3A_358] : memref<16384xf32, #tpu.memory_space<vmem>> -> memref<2048xf32, #tpu.memory_space<vmem>>
    %dma_wait3A_360 = tpu.memref_slice %arg3[%mul3A_356] : memref<16001024xf32, #tpu.memory_space<hbm>> -> memref<2048xf32, #tpu.memory_space<hbm>>
    %dma_wait3A_361 = tpu.memref_slice %arg7[%dma_wait3A_357] : memref<8x!tpu.dma_semaphore, #tpu.memory_space<semaphore_mem>> -> memref<1x!tpu.dma_semaphore, #tpu.memory_space<semaphore_mem>>
    %dma_wait3A_362 = tpu.memref_squeeze %dma_wait3A_361 : memref<1x!tpu.dma_semaphore, #tpu.memory_space<semaphore_mem>> -> memref<!tpu.dma_semaphore, #tpu.memory_space<semaphore_mem>>
    %dma_wait3A_363 = tpu.memref_slice %arg3[%mul3A_356] : memref<16001024xf32, #tpu.memory_space<hbm>> -> memref<2048xf32, #tpu.memory_space<hbm>>
    %dma_wait3A_364 = arith.constant 10240 : i32
    %dma_wait3A_365 = tpu.memref_slice %arg5[%dma_wait3A_364] : memref<16384xf32, #tpu.memory_space<vmem>> -> memref<2048xf32, #tpu.memory_space<vmem>>
    tpu.wait_dma2 semaphore(%dma_wait3A_362 : memref<!tpu.dma_semaphore, #tpu.memory_space<semaphore_mem>>) src(%dma_wait3A_365 : memref<2048xf32, #tpu.memory_space<vmem>>) dst(%dma_wait3A_363 : memref<2048xf32, #tpu.memory_space<hbm>>)
    %sub3A_366 = arith.constant 6 : i32
    %sub3A_367 = arith.subi %select_n3A_240, %sub3A_366 : i32
    %add3A_368 = arith.constant 8 : i32
    %add3A_369 = arith.addi %sub3A_367, %add3A_368 : i32
    %rem3A_370 = arith.constant 8 : i32
    %rem3A_371 = arith.remsi %add3A_369, %rem3A_370 : i32
    %sub3A_372 = arith.subi %select_n3A_240, %rem3A_371 : i32
    %mul3A_373 = arith.constant 32 : i32
    %mul3A_374 = arith.muli %mul3A_373, %sub3A_372 : i32
    %add3A_375 = arith.addi %add3A, %mul3A_374 : i32
    %mul3A_376 = arith.constant 2048 : i32
    %mul3A_377 = arith.muli %mul3A_376, %add3A_375 : i32
    %dma_wait3A_378 = arith.constant 6 : i32
    %dma_wait3A_379 = arith.constant 12288 : i32
    %dma_wait3A_380 = tpu.memref_slice %arg5[%dma_wait3A_379] : memref<16384xf32, #tpu.memory_space<vmem>> -> memref<2048xf32, #tpu.memory_space<vmem>>
    %dma_wait3A_381 = tpu.memref_slice %arg3[%mul3A_377] : memref<16001024xf32, #tpu.memory_space<hbm>> -> memref<2048xf32, #tpu.memory_space<hbm>>
    %dma_wait3A_382 = tpu.memref_slice %arg7[%dma_wait3A_378] : memref<8x!tpu.dma_semaphore, #tpu.memory_space<semaphore_mem>> -> memref<1x!tpu.dma_semaphore, #tpu.memory_space<semaphore_mem>>
    %dma_wait3A_383 = tpu.memref_squeeze %dma_wait3A_382 : memref<1x!tpu.dma_semaphore, #tpu.memory_space<semaphore_mem>> -> memref<!tpu.dma_semaphore, #tpu.memory_space<semaphore_mem>>
    %dma_wait3A_384 = tpu.memref_slice %arg3[%mul3A_377] : memref<16001024xf32, #tpu.memory_space<hbm>> -> memref<2048xf32, #tpu.memory_space<hbm>>
    %dma_wait3A_385 = arith.constant 12288 : i32
    %dma_wait3A_386 = tpu.memref_slice %arg5[%dma_wait3A_385] : memref<16384xf32, #tpu.memory_space<vmem>> -> memref<2048xf32, #tpu.memory_space<vmem>>
    tpu.wait_dma2 semaphore(%dma_wait3A_383 : memref<!tpu.dma_semaphore, #tpu.memory_space<semaphore_mem>>) src(%dma_wait3A_386 : memref<2048xf32, #tpu.memory_space<vmem>>) dst(%dma_wait3A_384 : memref<2048xf32, #tpu.memory_space<hbm>>)
    %sub3A_387 = arith.constant 7 : i32
    %sub3A_388 = arith.subi %select_n3A_240, %sub3A_387 : i32
    %add3A_389 = arith.constant 8 : i32
    %add3A_390 = arith.addi %sub3A_388, %add3A_389 : i32
    %rem3A_391 = arith.constant 8 : i32
    %rem3A_392 = arith.remsi %add3A_390, %rem3A_391 : i32
    %sub3A_393 = arith.subi %select_n3A_240, %rem3A_392 : i32
    %mul3A_394 = arith.constant 32 : i32
    %mul3A_395 = arith.muli %mul3A_394, %sub3A_393 : i32
    %add3A_396 = arith.addi %add3A, %mul3A_395 : i32
    %mul3A_397 = arith.constant 2048 : i32
    %mul3A_398 = arith.muli %mul3A_397, %add3A_396 : i32
    %dma_wait3A_399 = arith.constant 7 : i32
    %dma_wait3A_400 = arith.constant 14336 : i32
    %dma_wait3A_401 = tpu.memref_slice %arg5[%dma_wait3A_400] : memref<16384xf32, #tpu.memory_space<vmem>> -> memref<2048xf32, #tpu.memory_space<vmem>>
    %dma_wait3A_402 = tpu.memref_slice %arg3[%mul3A_398] : memref<16001024xf32, #tpu.memory_space<hbm>> -> memref<2048xf32, #tpu.memory_space<hbm>>
    %dma_wait3A_403 = tpu.memref_slice %arg7[%dma_wait3A_399] : memref<8x!tpu.dma_semaphore, #tpu.memory_space<semaphore_mem>> -> memref<1x!tpu.dma_semaphore, #tpu.memory_space<semaphore_mem>>
    %dma_wait3A_404 = tpu.memref_squeeze %dma_wait3A_403 : memref<1x!tpu.dma_semaphore, #tpu.memory_space<semaphore_mem>> -> memref<!tpu.dma_semaphore, #tpu.memory_space<semaphore_mem>>
    %dma_wait3A_405 = tpu.memref_slice %arg3[%mul3A_398] : memref<16001024xf32, #tpu.memory_space<hbm>> -> memref<2048xf32, #tpu.memory_space<hbm>>
    %dma_wait3A_406 = arith.constant 14336 : i32
    %dma_wait3A_407 = tpu.memref_slice %arg5[%dma_wait3A_406] : memref<16384xf32, #tpu.memory_space<vmem>> -> memref<2048xf32, #tpu.memory_space<vmem>>
    tpu.wait_dma2 semaphore(%dma_wait3A_404 : memref<!tpu.dma_semaphore, #tpu.memory_space<semaphore_mem>>) src(%dma_wait3A_407 : memref<2048xf32, #tpu.memory_space<vmem>>) dst(%dma_wait3A_405 : memref<2048xf32, #tpu.memory_space<hbm>>)
    return
  }
}

#map = affine_map<(d0, d1) -> (0, 0, 0)>
#map1 = affine_map<(d0, d1) -> (0, 0)>
module attributes {stable_mosaic.version = 14 : i64} {
  func.func @gather_kernel(%arg0: i32, %arg1: i32, %arg2: memref<32x25x128xi32, #tpu.memory_space<hbm>>, %arg3: memref<1000064x16xf32, #tpu.memory_space<hbm>>, %arg4: memref<32x3200x16xf32, #tpu.memory_space<hbm>>, %arg5: memref<25x128xi32, #tpu.memory_space<vmem>>, %arg6: memref<3200x16xf32, #tpu.memory_space<vmem>>, %arg7: memref<!tpu.dma_semaphore, #tpu.memory_space<semaphore_mem>>) attributes {dimension_semantics = [#tpu.dimension_semantics<core_parallel>, #tpu.dimension_semantics<subcore_parallel>], iteration_bounds = array<i64: 2, 16>, scalar_prefetch = 0 : i64, scratch_operands = 3 : i64, tpu.core_type = #tpu.core_type<sc_vector_subcore>, window_params = [{transform_indices = #map}, {transform_indices = #map1}, {transform_indices = #map}]} {
    %mul3A = arith.constant 2 : i32
    %mul3A_0 = arith.muli %arg1, %mul3A : i32
    %add3A = arith.addi %mul3A_0, %arg0 : i32
    "tpu.region"() ({
      %run_scoped3A = tpu.sem_alloc : memref<!tpu.dma_semaphore, #tpu.memory_space<semaphore_mem>>
      %dma_start3A = arith.constant 0 : i32
      %dma_start3A_12 = arith.constant 0 : i32
      %dma_start3A_13 = tpu.memref_slice %arg2[%add3A, %dma_start3A, %dma_start3A_12] : memref<32x25x128xi32, #tpu.memory_space<hbm>> -> memref<1x25x128xi32, #tpu.memory_space<hbm>>
      %dma_start3A_14 = tpu.memref_squeeze %dma_start3A_13 : memref<1x25x128xi32, #tpu.memory_space<hbm>> -> memref<25x128xi32, #tpu.memory_space<hbm>>
      %dma_start3A_15 = arith.constant 0 : i32
      %dma_start3A_16 = arith.constant 0 : i32
      %dma_start3A_17 = tpu.memref_slice %arg2[%add3A, %dma_start3A_15, %dma_start3A_16] : memref<32x25x128xi32, #tpu.memory_space<hbm>> -> memref<1x25x128xi32, #tpu.memory_space<hbm>>
      %dma_start3A_18 = tpu.memref_squeeze %dma_start3A_17 : memref<1x25x128xi32, #tpu.memory_space<hbm>> -> memref<25x128xi32, #tpu.memory_space<hbm>>
      tpu.enqueue_dma source(%dma_start3A_18 : memref<25x128xi32, #tpu.memory_space<hbm>>) target(%arg5 : memref<25x128xi32, #tpu.memory_space<vmem>>) target_semaphore(%run_scoped3A : memref<!tpu.dma_semaphore, #tpu.memory_space<semaphore_mem>>)
      %dma_wait3A = arith.constant 0 : i32
      %dma_wait3A_19 = arith.constant 0 : i32
      %dma_wait3A_20 = tpu.memref_slice %arg2[%add3A, %dma_wait3A, %dma_wait3A_19] : memref<32x25x128xi32, #tpu.memory_space<hbm>> -> memref<1x25x128xi32, #tpu.memory_space<hbm>>
      %dma_wait3A_21 = tpu.memref_squeeze %dma_wait3A_20 : memref<1x25x128xi32, #tpu.memory_space<hbm>> -> memref<25x128xi32, #tpu.memory_space<hbm>>
      %dma_wait3A_22 = arith.constant 0 : i32
      %dma_wait3A_23 = arith.constant 0 : i32
      %dma_wait3A_24 = tpu.memref_slice %arg2[%add3A, %dma_wait3A_22, %dma_wait3A_23] : memref<32x25x128xi32, #tpu.memory_space<hbm>> -> memref<1x25x128xi32, #tpu.memory_space<hbm>>
      %dma_wait3A_25 = tpu.memref_squeeze %dma_wait3A_24 : memref<1x25x128xi32, #tpu.memory_space<hbm>> -> memref<25x128xi32, #tpu.memory_space<hbm>>
      tpu.wait_dma2 semaphore(%run_scoped3A : memref<!tpu.dma_semaphore, #tpu.memory_space<semaphore_mem>>) src(%dma_wait3A_25 : memref<25x128xi32, #tpu.memory_space<hbm>>) dst(%arg5 : memref<25x128xi32, #tpu.memory_space<vmem>>)
      tpu.yield
    }) : () -> ()
    %scan3A = arith.constant 0 : i32
    %scan3A_1 = arith.constant 0 : i32
    %scan3A_2 = arith.constant 25 : i32
    %scan3A_3 = arith.addi %scan3A_1, %scan3A_2 : i32
    %scan3A_4 = arith.constant 1 : i32
    scf.for %scan3A_12 = %scan3A_1 to %scan3A_3 step %scan3A_4  : i32 {
      %mul3A_13 = arith.constant 128 : i32
      %mul3A_14 = arith.muli %scan3A_12, %mul3A_13 : i32
      %dma_start3A = arith.constant 0 : i32
      %dma_start3A_15 = tpu.memref_slice %arg6[%mul3A_14, %dma_start3A] : memref<3200x16xf32, #tpu.memory_space<vmem>> -> memref<128x16xf32, #tpu.memory_space<vmem>>
      %dma_start3A_16 = arith.constant 0 : i32
      %dma_start3A_17 = tpu.memref_slice %arg5[%scan3A_12, %dma_start3A_16] : memref<25x128xi32, #tpu.memory_space<vmem>> -> memref<1x128xi32, #tpu.memory_space<vmem>>
      %dma_start3A_18 = tpu.memref_squeeze %dma_start3A_17 : memref<1x128xi32, #tpu.memory_space<vmem>> -> memref<128xi32, #tpu.memory_space<vmem>>
      %dma_start3A_19 = arith.constant 0 : i32
      %dma_start3A_20 = arith.constant 0 : i32
      %dma_start3A_21 = tpu.memref_slice %arg3[%dma_start3A_19, %dma_start3A_20] : memref<1000064x16xf32, #tpu.memory_space<hbm>> -> memref<1000064x16xf32, #tpu.memory_space<hbm>>
      tpu.enqueue_indirect_dma source(%dma_start3A_21 : memref<1000064x16xf32, #tpu.memory_space<hbm>>) target(%dma_start3A_15 : memref<128x16xf32, #tpu.memory_space<vmem>>) offsets(%dma_start3A_18 : memref<128xi32, #tpu.memory_space<vmem>>) semaphore(%arg7 : memref<!tpu.dma_semaphore, #tpu.memory_space<semaphore_mem>>)
    }
    %scan3A_5 = arith.constant 25 : i32
    %scan3A_6 = arith.constant 0 : i32
    %scan3A_7 = arith.constant 0 : i32
    %scan3A_8 = arith.constant 25 : i32
    %scan3A_9 = arith.addi %scan3A_7, %scan3A_8 : i32
    %scan3A_10 = arith.constant 1 : i32
    scf.for %scan3A_12 = %scan3A_7 to %scan3A_9 step %scan3A_10  : i32 {
      %mul3A_13 = arith.constant 128 : i32
      %mul3A_14 = arith.muli %scan3A_12, %mul3A_13 : i32
      %dma_wait3A = arith.constant 0 : i32
      %dma_wait3A_15 = tpu.memref_slice %arg6[%mul3A_14, %dma_wait3A] : memref<3200x16xf32, #tpu.memory_space<vmem>> -> memref<128x16xf32, #tpu.memory_space<vmem>>
      %dma_wait3A_16 = arith.constant 0 : i32
      %dma_wait3A_17 = tpu.memref_slice %arg5[%scan3A_12, %dma_wait3A_16] : memref<25x128xi32, #tpu.memory_space<vmem>> -> memref<1x128xi32, #tpu.memory_space<vmem>>
      %dma_wait3A_18 = tpu.memref_squeeze %dma_wait3A_17 : memref<1x128xi32, #tpu.memory_space<vmem>> -> memref<128xi32, #tpu.memory_space<vmem>>
      %dma_wait3A_19 = arith.constant 0 : i32
      %dma_wait3A_20 = arith.constant 0 : i32
      %dma_wait3A_21 = tpu.memref_slice %arg3[%dma_wait3A_19, %dma_wait3A_20] : memref<1000064x16xf32, #tpu.memory_space<hbm>> -> memref<1000064x16xf32, #tpu.memory_space<hbm>>
      tpu.wait_indirect_dma semaphore(%arg7 : memref<!tpu.dma_semaphore, #tpu.memory_space<semaphore_mem>>) src(%dma_wait3A_21 : memref<1000064x16xf32, #tpu.memory_space<hbm>>) dst(%dma_wait3A_15 : memref<128x16xf32, #tpu.memory_space<vmem>>)
    }
    %scan3A_11 = arith.constant 25 : i32
    "tpu.region"() ({
      %run_scoped3A = tpu.sem_alloc : memref<!tpu.dma_semaphore, #tpu.memory_space<semaphore_mem>>
      %dma_start3A = arith.constant 0 : i32
      %dma_start3A_12 = arith.constant 0 : i32
      %dma_start3A_13 = tpu.memref_slice %arg4[%add3A, %dma_start3A, %dma_start3A_12] : memref<32x3200x16xf32, #tpu.memory_space<hbm>> -> memref<1x3200x16xf32, #tpu.memory_space<hbm>>
      %dma_start3A_14 = tpu.memref_squeeze %dma_start3A_13 : memref<1x3200x16xf32, #tpu.memory_space<hbm>> -> memref<3200x16xf32, #tpu.memory_space<hbm>>
      %dma_start3A_15 = arith.constant 0 : i32
      %dma_start3A_16 = arith.constant 0 : i32
      %dma_start3A_17 = tpu.memref_slice %arg4[%add3A, %dma_start3A_15, %dma_start3A_16] : memref<32x3200x16xf32, #tpu.memory_space<hbm>> -> memref<1x3200x16xf32, #tpu.memory_space<hbm>>
      %dma_start3A_18 = tpu.memref_squeeze %dma_start3A_17 : memref<1x3200x16xf32, #tpu.memory_space<hbm>> -> memref<3200x16xf32, #tpu.memory_space<hbm>>
      tpu.enqueue_dma source(%arg6 : memref<3200x16xf32, #tpu.memory_space<vmem>>) target(%dma_start3A_18 : memref<3200x16xf32, #tpu.memory_space<hbm>>) target_semaphore(%run_scoped3A : memref<!tpu.dma_semaphore, #tpu.memory_space<semaphore_mem>>)
      %dma_wait3A = arith.constant 0 : i32
      %dma_wait3A_19 = arith.constant 0 : i32
      %dma_wait3A_20 = tpu.memref_slice %arg4[%add3A, %dma_wait3A, %dma_wait3A_19] : memref<32x3200x16xf32, #tpu.memory_space<hbm>> -> memref<1x3200x16xf32, #tpu.memory_space<hbm>>
      %dma_wait3A_21 = tpu.memref_squeeze %dma_wait3A_20 : memref<1x3200x16xf32, #tpu.memory_space<hbm>> -> memref<3200x16xf32, #tpu.memory_space<hbm>>
      %dma_wait3A_22 = arith.constant 0 : i32
      %dma_wait3A_23 = arith.constant 0 : i32
      %dma_wait3A_24 = tpu.memref_slice %arg4[%add3A, %dma_wait3A_22, %dma_wait3A_23] : memref<32x3200x16xf32, #tpu.memory_space<hbm>> -> memref<1x3200x16xf32, #tpu.memory_space<hbm>>
      %dma_wait3A_25 = tpu.memref_squeeze %dma_wait3A_24 : memref<1x3200x16xf32, #tpu.memory_space<hbm>> -> memref<3200x16xf32, #tpu.memory_space<hbm>>
      tpu.wait_dma2 semaphore(%run_scoped3A : memref<!tpu.dma_semaphore, #tpu.memory_space<semaphore_mem>>) src(%arg6 : memref<3200x16xf32, #tpu.memory_space<vmem>>) dst(%dma_wait3A_25 : memref<3200x16xf32, #tpu.memory_space<hbm>>)
      tpu.yield
    }) : () -> ()
    return
  }
}

module attributes {stable_mosaic.version = 14 : i64} {
  func.func @body(%arg0: i32, %arg1: memref<800x128xf32, #tpu.memory_space<vmem>>, %arg2: memref<1x8x800xf32, #tpu.memory_space<vmem>>, %arg3: memref<128x512xf32, #tpu.memory_space<vmem>>, %arg4: memref<1x512xf32, #tpu.memory_space<vmem>>, %arg5: memref<64x128xf32, #tpu.memory_space<vmem>>, %arg6: memref<1x128xf32, #tpu.memory_space<vmem>>, %arg7: memref<128x64xf32, #tpu.memory_space<vmem>>, %arg8: memref<1x64xf32, #tpu.memory_space<vmem>>, %arg9: memref<64x32xf32, #tpu.memory_space<vmem>>, %arg10: memref<1x32xf32, #tpu.memory_space<vmem>>, %arg11: memref<64x32xf32, #tpu.memory_space<vmem>>, %arg12: memref<1x32xf32, #tpu.memory_space<vmem>>, %arg13: memref<64x32xf32, #tpu.memory_space<vmem>>, %arg14: memref<64x32xf32, #tpu.memory_space<vmem>>, %arg15: memref<64x32xf32, #tpu.memory_space<vmem>>, %arg16: memref<64x32xf32, #tpu.memory_space<vmem>>) attributes {dimension_semantics = [#tpu.dimension_semantics<arbitrary>], iteration_bounds = array<i64: 16>, scalar_prefetch = 0 : i64, scratch_operands = 0 : i64, tpu.core_type = #tpu.core_type<tc>, window_params = [{transform_indices = @transform_0, window_bounds = array<i64: 800, 128>}, {transform_indices = @transform_1, window_bounds = array<i64: 1, 8, 800>}, {pipeline_mode = #tpu.pipeline_mode<synchronous>, transform_indices = @transform_2, window_bounds = array<i64: 128, 512>}, {pipeline_mode = #tpu.pipeline_mode<synchronous>, transform_indices = @transform_3, window_bounds = array<i64: 1, 512>}, {pipeline_mode = #tpu.pipeline_mode<synchronous>, transform_indices = @transform_4, window_bounds = array<i64: 64, 128>}, {pipeline_mode = #tpu.pipeline_mode<synchronous>, transform_indices = @transform_5, window_bounds = array<i64: 1, 128>}, {pipeline_mode = #tpu.pipeline_mode<synchronous>, transform_indices = @transform_6, window_bounds = array<i64: 128, 64>}, {pipeline_mode = #tpu.pipeline_mode<synchronous>, transform_indices = @transform_7, window_bounds = array<i64: 1, 64>}, {pipeline_mode = #tpu.pipeline_mode<synchronous>, transform_indices = @transform_8, window_bounds = array<i64: 64, 32>}, {pipeline_mode = #tpu.pipeline_mode<synchronous>, transform_indices = @transform_9, window_bounds = array<i64: 1, 32>}, {pipeline_mode = #tpu.pipeline_mode<synchronous>, transform_indices = @transform_10, window_bounds = array<i64: 64, 32>}, {pipeline_mode = #tpu.pipeline_mode<synchronous>, transform_indices = @transform_11, window_bounds = array<i64: 1, 32>}, {transform_indices = @transform_12, window_bounds = array<i64: 64, 32>}, {transform_indices = @transform_13, window_bounds = array<i64: 64, 32>}, {transform_indices = @transform_14, window_bounds = array<i64: 64, 32>}, {transform_indices = @transform_15, window_bounds = array<i64: 64, 32>}]} {
    %get3A = arith.constant 0 : index
    %get3A_0 = arith.constant 0 : index
    %get3A_1 = vector.load %arg1[%get3A, %get3A_0] : memref<800x128xf32, #tpu.memory_space<vmem>>, vector<800x128xf32>
    %get3A_2 = arith.constant 0 : index
    %get3A_3 = arith.constant 0 : index
    %get3A_4 = vector.load %arg3[%get3A_2, %get3A_3] : memref<128x512xf32, #tpu.memory_space<vmem>>, vector<128x512xf32>
    %dot_general3A = arith.constant dense<0.000000e+00> : vector<800x512xf32>
    %dot_general3A_5 = tpu.matmul %get3A_1, %get3A_4, %dot_general3A {dimension_numbers = #tpu.dot_dimension_numbers<[1], [0], [0], [1], [0, 0, 1, 1], [], []>, transpose_lhs_hint = false} : vector<800x128xf32>, vector<128x512xf32>, vector<800x512xf32> -> vector<800x512xf32>
    %get3A_6 = arith.constant 0 : index
    %get3A_7 = arith.constant 0 : index
    %get3A_8 = vector.load %arg4[%get3A_6, %get3A_7] : memref<1x512xf32, #tpu.memory_space<vmem>>, vector<1x512xf32>
    %add3A = vector.broadcast %get3A_8 : vector<1x512xf32> to vector<800x512xf32>
    %add3A_9 = arith.addf %dot_general3A_5, %add3A : vector<800x512xf32>
    %max3A = arith.constant 0.000000e+00 : f32
    %max3A_10 = vector.broadcast %max3A : f32 to vector<800x512xf32>
    %max3A_11 = arith.maximumf %add3A_9, %max3A_10 : vector<800x512xf32>
    %iota3A = tpu.iota {dimensions = array<i32: 0>} : vector<64x800xi32>
    %mul3A = arith.constant 100 : i32
    %mul3A_12 = vector.broadcast %mul3A : i32 to vector<64x800xi32>
    %mul3A_13 = arith.muli %iota3A, %mul3A_12 : vector<64x800xi32>
    %iota3A_14 = tpu.iota {dimensions = array<i32: 1>} : vector<64x800xi32>
    %mul3A_15 = arith.constant 8 : i32
    %mul3A_16 = vector.broadcast %mul3A_15 : i32 to vector<64x800xi32>
    %mul3A_17 = arith.muli %iota3A_14, %mul3A_16 : vector<64x800xi32>
    %broadcast_in_dim3A = arith.constant 0.000000e+00 : f32
    %broadcast_in_dim3A_18 = vector.broadcast %broadcast_in_dim3A : f32 to vector<64x64xf32>
    %add3A_19 = arith.constant 0 : i32
    %add3A_20 = vector.broadcast %add3A_19 : i32 to vector<64x800xi32>
    %add3A_21 = arith.addi %mul3A_17, %add3A_20 : vector<64x800xi32>
    %ge3A = arith.cmpi sge, %add3A_21, %mul3A_13 : vector<64x800xi32>
    %add3A_22 = arith.constant 100 : i32
    %add3A_23 = vector.broadcast %add3A_22 : i32 to vector<64x800xi32>
    %add3A_24 = arith.addi %mul3A_13, %add3A_23 : vector<64x800xi32>
    %lt3A = arith.cmpi slt, %add3A_21, %add3A_24 : vector<64x800xi32>
    %and3A = arith.andi %ge3A, %lt3A : vector<64x800xi1>
    %convert_element_type3A = arith.extui %and3A : vector<64x800xi1> to vector<64x800xi32>
    %convert_element_type3A_25 = arith.sitofp %convert_element_type3A : vector<64x800xi32> to vector<64x800xf32>
    %get3A_26 = arith.constant 0 : index
    %get3A_27 = arith.constant 0 : index
    %get3A_28 = arith.constant 0 : index
    %get3A_29 = vector.load %arg2[%get3A_26, %get3A_27, %get3A_28] : memref<1x8x800xf32, #tpu.memory_space<vmem>>, vector<1x1x800xf32>
    %get3A_30 = vector.shape_cast %get3A_29 : vector<1x1x800xf32> to vector<800xf32>
    %broadcast_in_dim3A_31 = vector.shape_cast %get3A_30 : vector<800xf32> to vector<1x800xf32>
    %mul3A_32 = vector.broadcast %broadcast_in_dim3A_31 : vector<1x800xf32> to vector<64x800xf32>
    %mul3A_33 = arith.mulf %convert_element_type3A_25, %mul3A_32 : vector<64x800xf32>
    %slice3A = vector.extract_strided_slice %max3A_11 {offsets = [0, 0], sizes = [800, 64], strides = [1, 1]} : vector<800x512xf32> to vector<800x64xf32>
    %dot_general3A_34 = arith.constant dense<0.000000e+00> : vector<64x64xf32>
    %dot_general3A_35 = tpu.matmul %mul3A_33, %slice3A, %dot_general3A_34 {dimension_numbers = #tpu.dot_dimension_numbers<[1], [0], [0], [1], [0, 0, 1, 1], [], []>, transpose_lhs_hint = false} : vector<64x800xf32>, vector<800x64xf32>, vector<64x64xf32> -> vector<64x64xf32>
    %add3A_36 = arith.addf %broadcast_in_dim3A_18, %dot_general3A_35 : vector<64x64xf32>
    %add3A_37 = arith.constant 1 : i32
    %add3A_38 = vector.broadcast %add3A_37 : i32 to vector<64x800xi32>
    %add3A_39 = arith.addi %mul3A_17, %add3A_38 : vector<64x800xi32>
    %ge3A_40 = arith.cmpi sge, %add3A_39, %mul3A_13 : vector<64x800xi32>
    %add3A_41 = arith.constant 100 : i32
    %add3A_42 = vector.broadcast %add3A_41 : i32 to vector<64x800xi32>
    %add3A_43 = arith.addi %mul3A_13, %add3A_42 : vector<64x800xi32>
    %lt3A_44 = arith.cmpi slt, %add3A_39, %add3A_43 : vector<64x800xi32>
    %and3A_45 = arith.andi %ge3A_40, %lt3A_44 : vector<64x800xi1>
    %convert_element_type3A_46 = arith.extui %and3A_45 : vector<64x800xi1> to vector<64x800xi32>
    %convert_element_type3A_47 = arith.sitofp %convert_element_type3A_46 : vector<64x800xi32> to vector<64x800xf32>
    %get3A_48 = arith.constant 0 : index
    %get3A_49 = arith.constant 1 : index
    %get3A_50 = arith.constant 0 : index
    %get3A_51 = vector.load %arg2[%get3A_48, %get3A_49, %get3A_50] : memref<1x8x800xf32, #tpu.memory_space<vmem>>, vector<1x1x800xf32>
    %get3A_52 = vector.shape_cast %get3A_51 : vector<1x1x800xf32> to vector<800xf32>
    %broadcast_in_dim3A_53 = vector.shape_cast %get3A_52 : vector<800xf32> to vector<1x800xf32>
    %mul3A_54 = vector.broadcast %broadcast_in_dim3A_53 : vector<1x800xf32> to vector<64x800xf32>
    %mul3A_55 = arith.mulf %convert_element_type3A_47, %mul3A_54 : vector<64x800xf32>
    %slice3A_56 = vector.extract_strided_slice %max3A_11 {offsets = [0, 64], sizes = [800, 64], strides = [1, 1]} : vector<800x512xf32> to vector<800x64xf32>
    %dot_general3A_57 = arith.constant dense<0.000000e+00> : vector<64x64xf32>
    %dot_general3A_58 = tpu.matmul %mul3A_55, %slice3A_56, %dot_general3A_57 {dimension_numbers = #tpu.dot_dimension_numbers<[1], [0], [0], [1], [0, 0, 1, 1], [], []>, transpose_lhs_hint = false} : vector<64x800xf32>, vector<800x64xf32>, vector<64x64xf32> -> vector<64x64xf32>
    %add3A_59 = arith.addf %add3A_36, %dot_general3A_58 : vector<64x64xf32>
    %add3A_60 = arith.constant 2 : i32
    %add3A_61 = vector.broadcast %add3A_60 : i32 to vector<64x800xi32>
    %add3A_62 = arith.addi %mul3A_17, %add3A_61 : vector<64x800xi32>
    %ge3A_63 = arith.cmpi sge, %add3A_62, %mul3A_13 : vector<64x800xi32>
    %add3A_64 = arith.constant 100 : i32
    %add3A_65 = vector.broadcast %add3A_64 : i32 to vector<64x800xi32>
    %add3A_66 = arith.addi %mul3A_13, %add3A_65 : vector<64x800xi32>
    %lt3A_67 = arith.cmpi slt, %add3A_62, %add3A_66 : vector<64x800xi32>
    %and3A_68 = arith.andi %ge3A_63, %lt3A_67 : vector<64x800xi1>
    %convert_element_type3A_69 = arith.extui %and3A_68 : vector<64x800xi1> to vector<64x800xi32>
    %convert_element_type3A_70 = arith.sitofp %convert_element_type3A_69 : vector<64x800xi32> to vector<64x800xf32>
    %get3A_71 = arith.constant 0 : index
    %get3A_72 = arith.constant 2 : index
    %get3A_73 = arith.constant 0 : index
    %get3A_74 = vector.load %arg2[%get3A_71, %get3A_72, %get3A_73] : memref<1x8x800xf32, #tpu.memory_space<vmem>>, vector<1x1x800xf32>
    %get3A_75 = vector.shape_cast %get3A_74 : vector<1x1x800xf32> to vector<800xf32>
    %broadcast_in_dim3A_76 = vector.shape_cast %get3A_75 : vector<800xf32> to vector<1x800xf32>
    %mul3A_77 = vector.broadcast %broadcast_in_dim3A_76 : vector<1x800xf32> to vector<64x800xf32>
    %mul3A_78 = arith.mulf %convert_element_type3A_70, %mul3A_77 : vector<64x800xf32>
    %slice3A_79 = vector.extract_strided_slice %max3A_11 {offsets = [0, 128], sizes = [800, 64], strides = [1, 1]} : vector<800x512xf32> to vector<800x64xf32>
    %dot_general3A_80 = arith.constant dense<0.000000e+00> : vector<64x64xf32>
    %dot_general3A_81 = tpu.matmul %mul3A_78, %slice3A_79, %dot_general3A_80 {dimension_numbers = #tpu.dot_dimension_numbers<[1], [0], [0], [1], [0, 0, 1, 1], [], []>, transpose_lhs_hint = false} : vector<64x800xf32>, vector<800x64xf32>, vector<64x64xf32> -> vector<64x64xf32>
    %add3A_82 = arith.addf %add3A_59, %dot_general3A_81 : vector<64x64xf32>
    %add3A_83 = arith.constant 3 : i32
    %add3A_84 = vector.broadcast %add3A_83 : i32 to vector<64x800xi32>
    %add3A_85 = arith.addi %mul3A_17, %add3A_84 : vector<64x800xi32>
    %ge3A_86 = arith.cmpi sge, %add3A_85, %mul3A_13 : vector<64x800xi32>
    %add3A_87 = arith.constant 100 : i32
    %add3A_88 = vector.broadcast %add3A_87 : i32 to vector<64x800xi32>
    %add3A_89 = arith.addi %mul3A_13, %add3A_88 : vector<64x800xi32>
    %lt3A_90 = arith.cmpi slt, %add3A_85, %add3A_89 : vector<64x800xi32>
    %and3A_91 = arith.andi %ge3A_86, %lt3A_90 : vector<64x800xi1>
    %convert_element_type3A_92 = arith.extui %and3A_91 : vector<64x800xi1> to vector<64x800xi32>
    %convert_element_type3A_93 = arith.sitofp %convert_element_type3A_92 : vector<64x800xi32> to vector<64x800xf32>
    %get3A_94 = arith.constant 0 : index
    %get3A_95 = arith.constant 3 : index
    %get3A_96 = arith.constant 0 : index
    %get3A_97 = vector.load %arg2[%get3A_94, %get3A_95, %get3A_96] : memref<1x8x800xf32, #tpu.memory_space<vmem>>, vector<1x1x800xf32>
    %get3A_98 = vector.shape_cast %get3A_97 : vector<1x1x800xf32> to vector<800xf32>
    %broadcast_in_dim3A_99 = vector.shape_cast %get3A_98 : vector<800xf32> to vector<1x800xf32>
    %mul3A_100 = vector.broadcast %broadcast_in_dim3A_99 : vector<1x800xf32> to vector<64x800xf32>
    %mul3A_101 = arith.mulf %convert_element_type3A_93, %mul3A_100 : vector<64x800xf32>
    %slice3A_102 = vector.extract_strided_slice %max3A_11 {offsets = [0, 192], sizes = [800, 64], strides = [1, 1]} : vector<800x512xf32> to vector<800x64xf32>
    %dot_general3A_103 = arith.constant dense<0.000000e+00> : vector<64x64xf32>
    %dot_general3A_104 = tpu.matmul %mul3A_101, %slice3A_102, %dot_general3A_103 {dimension_numbers = #tpu.dot_dimension_numbers<[1], [0], [0], [1], [0, 0, 1, 1], [], []>, transpose_lhs_hint = false} : vector<64x800xf32>, vector<800x64xf32>, vector<64x64xf32> -> vector<64x64xf32>
    %add3A_105 = arith.addf %add3A_82, %dot_general3A_104 : vector<64x64xf32>
    %add3A_106 = arith.constant 4 : i32
    %add3A_107 = vector.broadcast %add3A_106 : i32 to vector<64x800xi32>
    %add3A_108 = arith.addi %mul3A_17, %add3A_107 : vector<64x800xi32>
    %ge3A_109 = arith.cmpi sge, %add3A_108, %mul3A_13 : vector<64x800xi32>
    %add3A_110 = arith.constant 100 : i32
    %add3A_111 = vector.broadcast %add3A_110 : i32 to vector<64x800xi32>
    %add3A_112 = arith.addi %mul3A_13, %add3A_111 : vector<64x800xi32>
    %lt3A_113 = arith.cmpi slt, %add3A_108, %add3A_112 : vector<64x800xi32>
    %and3A_114 = arith.andi %ge3A_109, %lt3A_113 : vector<64x800xi1>
    %convert_element_type3A_115 = arith.extui %and3A_114 : vector<64x800xi1> to vector<64x800xi32>
    %convert_element_type3A_116 = arith.sitofp %convert_element_type3A_115 : vector<64x800xi32> to vector<64x800xf32>
    %get3A_117 = arith.constant 0 : index
    %get3A_118 = arith.constant 4 : index
    %get3A_119 = arith.constant 0 : index
    %get3A_120 = vector.load %arg2[%get3A_117, %get3A_118, %get3A_119] : memref<1x8x800xf32, #tpu.memory_space<vmem>>, vector<1x1x800xf32>
    %get3A_121 = vector.shape_cast %get3A_120 : vector<1x1x800xf32> to vector<800xf32>
    %broadcast_in_dim3A_122 = vector.shape_cast %get3A_121 : vector<800xf32> to vector<1x800xf32>
    %mul3A_123 = vector.broadcast %broadcast_in_dim3A_122 : vector<1x800xf32> to vector<64x800xf32>
    %mul3A_124 = arith.mulf %convert_element_type3A_116, %mul3A_123 : vector<64x800xf32>
    %slice3A_125 = vector.extract_strided_slice %max3A_11 {offsets = [0, 256], sizes = [800, 64], strides = [1, 1]} : vector<800x512xf32> to vector<800x64xf32>
    %dot_general3A_126 = arith.constant dense<0.000000e+00> : vector<64x64xf32>
    %dot_general3A_127 = tpu.matmul %mul3A_124, %slice3A_125, %dot_general3A_126 {dimension_numbers = #tpu.dot_dimension_numbers<[1], [0], [0], [1], [0, 0, 1, 1], [], []>, transpose_lhs_hint = false} : vector<64x800xf32>, vector<800x64xf32>, vector<64x64xf32> -> vector<64x64xf32>
    %add3A_128 = arith.addf %add3A_105, %dot_general3A_127 : vector<64x64xf32>
    %add3A_129 = arith.constant 5 : i32
    %add3A_130 = vector.broadcast %add3A_129 : i32 to vector<64x800xi32>
    %add3A_131 = arith.addi %mul3A_17, %add3A_130 : vector<64x800xi32>
    %ge3A_132 = arith.cmpi sge, %add3A_131, %mul3A_13 : vector<64x800xi32>
    %add3A_133 = arith.constant 100 : i32
    %add3A_134 = vector.broadcast %add3A_133 : i32 to vector<64x800xi32>
    %add3A_135 = arith.addi %mul3A_13, %add3A_134 : vector<64x800xi32>
    %lt3A_136 = arith.cmpi slt, %add3A_131, %add3A_135 : vector<64x800xi32>
    %and3A_137 = arith.andi %ge3A_132, %lt3A_136 : vector<64x800xi1>
    %convert_element_type3A_138 = arith.extui %and3A_137 : vector<64x800xi1> to vector<64x800xi32>
    %convert_element_type3A_139 = arith.sitofp %convert_element_type3A_138 : vector<64x800xi32> to vector<64x800xf32>
    %get3A_140 = arith.constant 0 : index
    %get3A_141 = arith.constant 5 : index
    %get3A_142 = arith.constant 0 : index
    %get3A_143 = vector.load %arg2[%get3A_140, %get3A_141, %get3A_142] : memref<1x8x800xf32, #tpu.memory_space<vmem>>, vector<1x1x800xf32>
    %get3A_144 = vector.shape_cast %get3A_143 : vector<1x1x800xf32> to vector<800xf32>
    %broadcast_in_dim3A_145 = vector.shape_cast %get3A_144 : vector<800xf32> to vector<1x800xf32>
    %mul3A_146 = vector.broadcast %broadcast_in_dim3A_145 : vector<1x800xf32> to vector<64x800xf32>
    %mul3A_147 = arith.mulf %convert_element_type3A_139, %mul3A_146 : vector<64x800xf32>
    %slice3A_148 = vector.extract_strided_slice %max3A_11 {offsets = [0, 320], sizes = [800, 64], strides = [1, 1]} : vector<800x512xf32> to vector<800x64xf32>
    %dot_general3A_149 = arith.constant dense<0.000000e+00> : vector<64x64xf32>
    %dot_general3A_150 = tpu.matmul %mul3A_147, %slice3A_148, %dot_general3A_149 {dimension_numbers = #tpu.dot_dimension_numbers<[1], [0], [0], [1], [0, 0, 1, 1], [], []>, transpose_lhs_hint = false} : vector<64x800xf32>, vector<800x64xf32>, vector<64x64xf32> -> vector<64x64xf32>
    %add3A_151 = arith.addf %add3A_128, %dot_general3A_150 : vector<64x64xf32>
    %add3A_152 = arith.constant 6 : i32
    %add3A_153 = vector.broadcast %add3A_152 : i32 to vector<64x800xi32>
    %add3A_154 = arith.addi %mul3A_17, %add3A_153 : vector<64x800xi32>
    %ge3A_155 = arith.cmpi sge, %add3A_154, %mul3A_13 : vector<64x800xi32>
    %add3A_156 = arith.constant 100 : i32
    %add3A_157 = vector.broadcast %add3A_156 : i32 to vector<64x800xi32>
    %add3A_158 = arith.addi %mul3A_13, %add3A_157 : vector<64x800xi32>
    %lt3A_159 = arith.cmpi slt, %add3A_154, %add3A_158 : vector<64x800xi32>
    %and3A_160 = arith.andi %ge3A_155, %lt3A_159 : vector<64x800xi1>
    %convert_element_type3A_161 = arith.extui %and3A_160 : vector<64x800xi1> to vector<64x800xi32>
    %convert_element_type3A_162 = arith.sitofp %convert_element_type3A_161 : vector<64x800xi32> to vector<64x800xf32>
    %get3A_163 = arith.constant 0 : index
    %get3A_164 = arith.constant 6 : index
    %get3A_165 = arith.constant 0 : index
    %get3A_166 = vector.load %arg2[%get3A_163, %get3A_164, %get3A_165] : memref<1x8x800xf32, #tpu.memory_space<vmem>>, vector<1x1x800xf32>
    %get3A_167 = vector.shape_cast %get3A_166 : vector<1x1x800xf32> to vector<800xf32>
    %broadcast_in_dim3A_168 = vector.shape_cast %get3A_167 : vector<800xf32> to vector<1x800xf32>
    %mul3A_169 = vector.broadcast %broadcast_in_dim3A_168 : vector<1x800xf32> to vector<64x800xf32>
    %mul3A_170 = arith.mulf %convert_element_type3A_162, %mul3A_169 : vector<64x800xf32>
    %slice3A_171 = vector.extract_strided_slice %max3A_11 {offsets = [0, 384], sizes = [800, 64], strides = [1, 1]} : vector<800x512xf32> to vector<800x64xf32>
    %dot_general3A_172 = arith.constant dense<0.000000e+00> : vector<64x64xf32>
    %dot_general3A_173 = tpu.matmul %mul3A_170, %slice3A_171, %dot_general3A_172 {dimension_numbers = #tpu.dot_dimension_numbers<[1], [0], [0], [1], [0, 0, 1, 1], [], []>, transpose_lhs_hint = false} : vector<64x800xf32>, vector<800x64xf32>, vector<64x64xf32> -> vector<64x64xf32>
    %add3A_174 = arith.addf %add3A_151, %dot_general3A_173 : vector<64x64xf32>
    %add3A_175 = arith.constant 7 : i32
    %add3A_176 = vector.broadcast %add3A_175 : i32 to vector<64x800xi32>
    %add3A_177 = arith.addi %mul3A_17, %add3A_176 : vector<64x800xi32>
    %ge3A_178 = arith.cmpi sge, %add3A_177, %mul3A_13 : vector<64x800xi32>
    %add3A_179 = arith.constant 100 : i32
    %add3A_180 = vector.broadcast %add3A_179 : i32 to vector<64x800xi32>
    %add3A_181 = arith.addi %mul3A_13, %add3A_180 : vector<64x800xi32>
    %lt3A_182 = arith.cmpi slt, %add3A_177, %add3A_181 : vector<64x800xi32>
    %and3A_183 = arith.andi %ge3A_178, %lt3A_182 : vector<64x800xi1>
    %convert_element_type3A_184 = arith.extui %and3A_183 : vector<64x800xi1> to vector<64x800xi32>
    %convert_element_type3A_185 = arith.sitofp %convert_element_type3A_184 : vector<64x800xi32> to vector<64x800xf32>
    %get3A_186 = arith.constant 0 : index
    %get3A_187 = arith.constant 7 : index
    %get3A_188 = arith.constant 0 : index
    %get3A_189 = vector.load %arg2[%get3A_186, %get3A_187, %get3A_188] : memref<1x8x800xf32, #tpu.memory_space<vmem>>, vector<1x1x800xf32>
    %get3A_190 = vector.shape_cast %get3A_189 : vector<1x1x800xf32> to vector<800xf32>
    %broadcast_in_dim3A_191 = vector.shape_cast %get3A_190 : vector<800xf32> to vector<1x800xf32>
    %mul3A_192 = vector.broadcast %broadcast_in_dim3A_191 : vector<1x800xf32> to vector<64x800xf32>
    %mul3A_193 = arith.mulf %convert_element_type3A_185, %mul3A_192 : vector<64x800xf32>
    %slice3A_194 = vector.extract_strided_slice %max3A_11 {offsets = [0, 448], sizes = [800, 64], strides = [1, 1]} : vector<800x512xf32> to vector<800x64xf32>
    %dot_general3A_195 = arith.constant dense<0.000000e+00> : vector<64x64xf32>
    %dot_general3A_196 = tpu.matmul %mul3A_193, %slice3A_194, %dot_general3A_195 {dimension_numbers = #tpu.dot_dimension_numbers<[1], [0], [0], [1], [0, 0, 1, 1], [], []>, transpose_lhs_hint = false} : vector<64x800xf32>, vector<800x64xf32>, vector<64x64xf32> -> vector<64x64xf32>
    %add3A_197 = arith.addf %add3A_174, %dot_general3A_196 : vector<64x64xf32>
    %get3A_198 = arith.constant 0 : index
    %get3A_199 = arith.constant 0 : index
    %get3A_200 = vector.load %arg5[%get3A_198, %get3A_199] : memref<64x128xf32, #tpu.memory_space<vmem>>, vector<64x128xf32>
    %dot_general3A_201 = arith.constant dense<0.000000e+00> : vector<64x128xf32>
    %dot_general3A_202 = tpu.matmul %add3A_197, %get3A_200, %dot_general3A_201 {dimension_numbers = #tpu.dot_dimension_numbers<[1], [0], [0], [1], [0, 0, 1, 1], [], []>, precision = #tpu.contract_precision<fp32>, transpose_lhs_hint = false} : vector<64x64xf32>, vector<64x128xf32>, vector<64x128xf32> -> vector<64x128xf32>
    %get3A_203 = arith.constant 0 : index
    %get3A_204 = arith.constant 0 : index
    %get3A_205 = vector.load %arg6[%get3A_203, %get3A_204] : memref<1x128xf32, #tpu.memory_space<vmem>>, vector<1x128xf32>
    %add3A_206 = vector.broadcast %get3A_205 : vector<1x128xf32> to vector<64x128xf32>
    %add3A_207 = arith.addf %dot_general3A_202, %add3A_206 : vector<64x128xf32>
    %max3A_208 = arith.constant 0.000000e+00 : f32
    %max3A_209 = vector.broadcast %max3A_208 : f32 to vector<64x128xf32>
    %max3A_210 = arith.maximumf %add3A_207, %max3A_209 : vector<64x128xf32>
    %get3A_211 = arith.constant 0 : index
    %get3A_212 = arith.constant 0 : index
    %get3A_213 = vector.load %arg7[%get3A_211, %get3A_212] : memref<128x64xf32, #tpu.memory_space<vmem>>, vector<128x64xf32>
    %dot_general3A_214 = arith.constant dense<0.000000e+00> : vector<64x64xf32>
    %dot_general3A_215 = tpu.matmul %max3A_210, %get3A_213, %dot_general3A_214 {dimension_numbers = #tpu.dot_dimension_numbers<[1], [0], [0], [1], [0, 0, 1, 1], [], []>, precision = #tpu.contract_precision<fp32>, transpose_lhs_hint = false} : vector<64x128xf32>, vector<128x64xf32>, vector<64x64xf32> -> vector<64x64xf32>
    %get3A_216 = arith.constant 0 : index
    %get3A_217 = arith.constant 0 : index
    %get3A_218 = vector.load %arg8[%get3A_216, %get3A_217] : memref<1x64xf32, #tpu.memory_space<vmem>>, vector<1x64xf32>
    %add3A_219 = vector.broadcast %get3A_218 : vector<1x64xf32> to vector<64x64xf32>
    %add3A_220 = arith.addf %dot_general3A_215, %add3A_219 : vector<64x64xf32>
    %max3A_221 = arith.constant 0.000000e+00 : f32
    %max3A_222 = vector.broadcast %max3A_221 : f32 to vector<64x64xf32>
    %max3A_223 = arith.maximumf %add3A_220, %max3A_222 : vector<64x64xf32>
    %get3A_224 = arith.constant 0 : index
    %get3A_225 = arith.constant 0 : index
    %get3A_226 = vector.load %arg9[%get3A_224, %get3A_225] : memref<64x32xf32, #tpu.memory_space<vmem>>, vector<64x32xf32>
    %dot_general3A_227 = arith.constant dense<0.000000e+00> : vector<64x32xf32>
    %dot_general3A_228 = tpu.matmul %max3A_223, %get3A_226, %dot_general3A_227 {dimension_numbers = #tpu.dot_dimension_numbers<[1], [0], [0], [1], [0, 0, 1, 1], [], []>, precision = #tpu.contract_precision<fp32>, transpose_lhs_hint = false} : vector<64x64xf32>, vector<64x32xf32>, vector<64x32xf32> -> vector<64x32xf32>
    %get3A_229 = arith.constant 0 : index
    %get3A_230 = arith.constant 0 : index
    %get3A_231 = vector.load %arg10[%get3A_229, %get3A_230] : memref<1x32xf32, #tpu.memory_space<vmem>>, vector<1x32xf32>
    %add3A_232 = vector.broadcast %get3A_231 : vector<1x32xf32> to vector<64x32xf32>
    %add3A_233 = arith.addf %dot_general3A_228, %add3A_232 : vector<64x32xf32>
    %get3A_234 = arith.constant 0 : index
    %get3A_235 = arith.constant 0 : index
    %get3A_236 = vector.load %arg11[%get3A_234, %get3A_235] : memref<64x32xf32, #tpu.memory_space<vmem>>, vector<64x32xf32>
    %dot_general3A_237 = arith.constant dense<0.000000e+00> : vector<64x32xf32>
    %dot_general3A_238 = tpu.matmul %max3A_223, %get3A_236, %dot_general3A_237 {dimension_numbers = #tpu.dot_dimension_numbers<[1], [0], [0], [1], [0, 0, 1, 1], [], []>, precision = #tpu.contract_precision<fp32>, transpose_lhs_hint = false} : vector<64x64xf32>, vector<64x32xf32>, vector<64x32xf32> -> vector<64x32xf32>
    %get3A_239 = arith.constant 0 : index
    %get3A_240 = arith.constant 0 : index
    %get3A_241 = vector.load %arg12[%get3A_239, %get3A_240] : memref<1x32xf32, #tpu.memory_space<vmem>>, vector<1x32xf32>
    %add3A_242 = vector.broadcast %get3A_241 : vector<1x32xf32> to vector<64x32xf32>
    %add3A_243 = arith.addf %dot_general3A_238, %add3A_242 : vector<64x32xf32>
    %get3A_244 = arith.constant 0 : index
    %get3A_245 = arith.constant 0 : index
    %get3A_246 = vector.load %arg13[%get3A_244, %get3A_245] : memref<64x32xf32, #tpu.memory_space<vmem>>, vector<64x32xf32>
    %mul3A_247 = arith.constant 5.000000e-01 : f32
    %mul3A_248 = vector.broadcast %mul3A_247 : f32 to vector<64x32xf32>
    %mul3A_249 = arith.mulf %mul3A_248, %add3A_243 : vector<64x32xf32>
    %exp3A = math.exp %mul3A_249 : vector<64x32xf32>
    %mul3A_250 = arith.mulf %get3A_246, %exp3A : vector<64x32xf32>
    %add3A_251 = arith.addf %add3A_233, %mul3A_250 : vector<64x32xf32>
    %swap3A = arith.constant 0 : index
    %swap3A_252 = arith.constant 0 : index
    %swap3A_253 = vector.load %arg14[%swap3A, %swap3A_252] : memref<64x32xf32, #tpu.memory_space<vmem>>, vector<64x32xf32>
    tpu.vector_store %arg14[%swap3A, %swap3A_252], %add3A_251 {strides = array<i32>} : memref<64x32xf32, #tpu.memory_space<vmem>>, vector<64x32xf32>,
    %swap3A_254 = arith.constant 0 : index
    %swap3A_255 = arith.constant 0 : index
    %swap3A_256 = vector.load %arg15[%swap3A_254, %swap3A_255] : memref<64x32xf32, #tpu.memory_space<vmem>>, vector<64x32xf32>
    tpu.vector_store %arg15[%swap3A_254, %swap3A_255], %add3A_233 {strides = array<i32>} : memref<64x32xf32, #tpu.memory_space<vmem>>, vector<64x32xf32>,
    %swap3A_257 = arith.constant 0 : index
    %swap3A_258 = arith.constant 0 : index
    %swap3A_259 = vector.load %arg16[%swap3A_257, %swap3A_258] : memref<64x32xf32, #tpu.memory_space<vmem>>, vector<64x32xf32>
    tpu.vector_store %arg16[%swap3A_257, %swap3A_258], %add3A_243 {strides = array<i32>} : memref<64x32xf32, #tpu.memory_space<vmem>>, vector<64x32xf32>,
    return
  }
  func.func @transform_0(%arg0: i32) -> (i32, i32) {
    %c0_i32 = arith.constant 0 : i32
    %c0_i32_0 = arith.constant 0 : i32
    return %arg0, %c0_i32 : i32, i32
  }
  func.func @transform_1(%arg0: i32) -> (i32, i32, i32) {
    %c0_i32 = arith.constant 0 : i32
    %c0_i32_0 = arith.constant 0 : i32
    %c0_i32_1 = arith.constant 0 : i32
    return %arg0, %c0_i32, %c0_i32_0 : i32, i32, i32
  }
  func.func @transform_2(%arg0: i32) -> (i32, i32) {
    %c0_i32 = arith.constant 0 : i32
    %c0_i32_0 = arith.constant 0 : i32
    %c0_i32_1 = arith.constant 0 : i32
    return %c0_i32, %c0_i32_0 : i32, i32
  }
  func.func @transform_3(%arg0: i32) -> (i32, i32) {
    %c0_i32 = arith.constant 0 : i32
    %c0_i32_0 = arith.constant 0 : i32
    %c0_i32_1 = arith.constant 0 : i32
    return %c0_i32, %c0_i32_0 : i32, i32
  }
  func.func @transform_4(%arg0: i32) -> (i32, i32) {
    %c0_i32 = arith.constant 0 : i32
    %c0_i32_0 = arith.constant 0 : i32
    %c0_i32_1 = arith.constant 0 : i32
    return %c0_i32, %c0_i32_0 : i32, i32
  }
  func.func @transform_5(%arg0: i32) -> (i32, i32) {
    %c0_i32 = arith.constant 0 : i32
    %c0_i32_0 = arith.constant 0 : i32
    %c0_i32_1 = arith.constant 0 : i32
    return %c0_i32, %c0_i32_0 : i32, i32
  }
  func.func @transform_6(%arg0: i32) -> (i32, i32) {
    %c0_i32 = arith.constant 0 : i32
    %c0_i32_0 = arith.constant 0 : i32
    %c0_i32_1 = arith.constant 0 : i32
    return %c0_i32, %c0_i32_0 : i32, i32
  }
  func.func @transform_7(%arg0: i32) -> (i32, i32) {
    %c0_i32 = arith.constant 0 : i32
    %c0_i32_0 = arith.constant 0 : i32
    %c0_i32_1 = arith.constant 0 : i32
    return %c0_i32, %c0_i32_0 : i32, i32
  }
  func.func @transform_8(%arg0: i32) -> (i32, i32) {
    %c0_i32 = arith.constant 0 : i32
    %c0_i32_0 = arith.constant 0 : i32
    %c0_i32_1 = arith.constant 0 : i32
    return %c0_i32, %c0_i32_0 : i32, i32
  }
  func.func @transform_9(%arg0: i32) -> (i32, i32) {
    %c0_i32 = arith.constant 0 : i32
    %c0_i32_0 = arith.constant 0 : i32
    %c0_i32_1 = arith.constant 0 : i32
    return %c0_i32, %c0_i32_0 : i32, i32
  }
  func.func @transform_10(%arg0: i32) -> (i32, i32) {
    %c0_i32 = arith.constant 0 : i32
    %c0_i32_0 = arith.constant 0 : i32
    %c0_i32_1 = arith.constant 0 : i32
    return %c0_i32, %c0_i32_0 : i32, i32
  }
  func.func @transform_11(%arg0: i32) -> (i32, i32) {
    %c0_i32 = arith.constant 0 : i32
    %c0_i32_0 = arith.constant 0 : i32
    %c0_i32_1 = arith.constant 0 : i32
    return %c0_i32, %c0_i32_0 : i32, i32
  }
  func.func @transform_12(%arg0: i32) -> (i32, i32) {
    %c0_i32 = arith.constant 0 : i32
    %c0_i32_0 = arith.constant 0 : i32
    return %arg0, %c0_i32 : i32, i32
  }
  func.func @transform_13(%arg0: i32) -> (i32, i32) {
    %c0_i32 = arith.constant 0 : i32
    %c0_i32_0 = arith.constant 0 : i32
    return %arg0, %c0_i32 : i32, i32
  }
  func.func @transform_14(%arg0: i32) -> (i32, i32) {
    %c0_i32 = arith.constant 0 : i32
    %c0_i32_0 = arith.constant 0 : i32
    return %arg0, %c0_i32 : i32, i32
  }
  func.func @transform_15(%arg0: i32) -> (i32, i32) {
    %c0_i32 = arith.constant 0 : i32
    %c0_i32_0 = arith.constant 0 : i32
    return %arg0, %c0_i32 : i32, i32
  }
}

</mosaic_0001>

<sc_bundles>
// kernel: kernel.5.cloned.1.call-start
scs
__scs_entry_jumppad:
0x0: {  	(pc) =	sbr.rel $0x88, $3  }
0x1: {  	(tag) =	ssettag $0x0;
	lr =	simm.s32 $0x1  }
0x2: {  	[smem:$0x3F93] =	sst lr;
	_ =	strace $0xD0000000  }
0x3: {  	_ = 	snop  }
0x4: {  	_ = 	snop  }
0x5: {  	_ = 	snop  }
0x6: {  	_ = 	snop  }
0x7: {  	_ = 	snop  }
__scs_overlays_trampoline_lowered:
0x8: {  	[smem:$0x3FA2] =	sst s0  }
0x9: {  	[smem:$0x3FA3] =	sst s1  }
0xa: {  	[smem:$0x3FA4] =	sst s2  }
0xb: {  	[smem:$0x3FA5] =	sst s3  }
0xc: {  	[smem:$0x3FA6] =	sst s4  }
0xd: {  	[smem:$0x3FA7] =	sst s5  }
0xe: {  	[smem:$0x3FA8] =	sst s6  }
0xf: {  	[smem:$0x3FA9] =	sst s7  }
0x10: {  	[smem:$0x3FAA] =	sst s8  }
0x11: {  	[smem:$0x3FAB] =	sst s9;
	s0 =	simm.s32 @!p0 $0x0  }
0x12: {  	s1 =	sld [smem:$0x3F91];
	s0 =	simm.s32 @p0 $0x1  }
0x13: {  	[smem:$0x3FAC] =	sst s0;
	s0 =	simm.s32 @!p1 $0x0  }
0x14: {  	s2 =	sld [smem:$0x3F90];
	s0 =	simm.s32 @p1 $0x1  }
0x15: {  	[smem:$0x3FAD] =	sst s0;
	s0 =	simm.s32 @!p2 $0x0  }
0x16: {  	s3 =	sld [smem:$0x3FDB];
	s0 =	simm.s32 @p2 $0x1  }
0x17: {  	s4 =	simm.s32 $0x1BF5;
	[smem:$0x3FAF] =	sst s0  }
0x18: {  	s0 =	sld [smem:$0x3F92];
	_ =	swait.ge [sflag:s4], $0x0  }
0x19: {  	s7 =	sld [smem:$0x3F93]  }
0x1a: {  	s8 =	sadd.s32 $0xFFFFE003, lr  }
0x1b: {  	s9 =	sadd.s32 $0xFFFFFEF7, lr;
	s5 =	simm.s32 $0xFFFFFFFF;
	p2 =	slt.u32 s8, $0xFFFFF086  }
0x1c: {  	p1 =	slt.u32 s9, $0xF7A;
	s5 =	simm.s32 @!p2 $0x0  }
0x1d: {  	s5 =	simm.s32 @p1 $0x1;
	p0 =	seq.s32 s7, s2  }
0x1e: {  	s7 =	smul.u32 @!p0 $0xF7A, s2;
	p2 =	seq.s32 @!p0 s5, $0x0  }
0x1f: {  	s9 =	smul.u32 $0xF7A, s1;
	s8 =	simm.s32 @!p0 $0x1BF5;
	p2 =	por !p2, p0  }
0x20: {  	[sflag:s8] =	ssyncset.s32 @!p0 $0xFFFFF086;
	s6 =	sadd.s32 @!p0 s3, s7;
	s7 =	simm.s32 @!p0 $0x108  }
0x21: {  	s3 =	sadd.s32 s3, s9;
	s6 =	sadd.s32 @!p0 $0x88, s6;
	s7 =	simm.s32 @p2 $0x1082  }
0x22: {  	[simem:s7], [sflag:s8] =	dma.local @!p0 [hbm:s6], $0xF7A  }
0x23: {  	s9 =	sor.u32 $0xD0000000, s2;
	s6 =	simm.s32 $0x108;
	_ =	swait.ge @!p0 [sflag:s8], $0x0  }
0x24: {  	s3 =	sadd.s32 $0x88, s3;
	s6 =	simm.s32 @!p1 $0x1082;
	[sflag:s4] =	ssyncset.s32 $0xFFFFF086  }
0x25: {  	[simem:s6], [sflag:s4] =	dma.local [hbm:s3], $0xF7A  }
0x26: {  	[smem:$0x3F93] =	sst s1;
	(tag) =	ssettag s2;
	_ =	strace s9  }
0x27: {  	s1 =	sld [smem:$0x3FA3]  }
0x28: {  	s2 =	sld [smem:$0x3FA4]  }
0x29: {  	s4 =	sld [smem:$0x3FA6]  }
0x2a: {  	p0 =	seq.s32 s5, $0x0;
	s5 =	sld [smem:$0x3FA7]  }
0x2b: {  	s6 =	sld [smem:$0x3FA8]  }
0x2c: {  	s7 =	sld [smem:$0x3FA9]  }
0x2d: {  	s3 =	simm.s32 $0x108;
	s8 =	sld [smem:$0x3FAA]  }
0x2e: {  	s3 =	simm.s32 @!p0 $0x1082;
	s9 =	sld [smem:$0x3FAB]  }
0x2f: {  	lr =	sadd.s32 s0, s3;
	s0 =	sld [smem:$0x3FA2]  }
0x30: {  	s3 =	sld [smem:$0x3FA5]  }
0x31: {  	[smem:$0x3FAE] =	sst s10  }
0x32: {  	s10 =	sld [smem:$0x3FAC];
	_ =	sdelay $0x3  }
0x33: {  	p0 =	seq.s32 s10, $0x1;
	s10 =	sld [smem:$0x3FAE];
	_ =	sdelay $0x3  }
0x34: {  	[smem:$0x3FAE] =	sst s10  }
0x35: {  	s10 =	sld [smem:$0x3FAD];
	_ =	sdelay $0x3  }
0x36: {  	p1 =	seq.s32 s10, $0x1;
	s10 =	sld [smem:$0x3FAE];
	_ =	sdelay $0x3  }
0x37: {  	[smem:$0x3FAE] =	sst s10  }
0x38: {  	s10 =	sld [smem:$0x3FAF]  }
0x39: {  	_ = 	snop;
	(pc) =	sbr.ind lr, $3  }
0x3a: {  	_ = 	snop  }
0x3b: {  	_ = 	snop  }
0x3c: {  	p2 =	seq.s32 s10, $0x1;
	s10 =	sld [smem:$0x3FAE]  }
0x3d: {  	_ =	shalt  }
0x3e: {  	_ =	shalt  }
0x3f: {  	_ =	shalt  }
0x40: {  	_ =	shalt  }
0x41: {  	_ =	shalt  }
0x42: {  	_ =	shalt  }
0x43: {  	_ =	shalt  }
0x44: {  	_ =	shalt  }
0x45: {  	_ =	shalt  }
0x46: {  	_ =	shalt  }
0x47: {  	_ =	shalt  }
0x48: {  	_ =	shalt  }
0x49: {  	_ =	shalt  }
0x4a: {  	_ =	shalt  }
0x4b: {  	_ =	shalt  }
0x4c: {  	_ =	shalt  }
0x4d: {  	_ =	shalt  }
0x4e: {  	_ =	shalt  }
0x4f: {  	_ =	shalt  }
0x50: {  	_ =	shalt  }
0x51: {  	_ =	shalt  }
0x52: {  	_ =	shalt  }
0x53: {  	_ =	shalt  }
0x54: {  	_ =	shalt  }
0x55: {  	_ =	shalt  }
0x56: {  	_ =	shalt  }
0x57: {  	_ =	shalt  }
0x58: {  	_ =	shalt  }
0x59: {  	_ =	shalt  }
0x5a: {  	_ =	shalt  }
0x5b: {  	_ =	shalt  }
0x5c: {  	_ =	shalt  }
0x5d: {  	_ =	shalt  }
0x5e: {  	_ =	shalt  }
0x5f: {  	_ =	shalt  }
0x60: {  	_ =	shalt  }
0x61: {  	_ =	shalt  }
0x62: {  	_ =	shalt  }
0x63: {  	_ =	shalt  }
0x64: {  	_ =	shalt  }
0x65: {  	_ =	shalt  }
0x66: {  	_ =	shalt  }
0x67: {  	_ =	shalt  }
0x68: {  	_ =	shalt  }
0x69: {  	_ =	shalt  }
0x6a: {  	_ =	shalt  }
0x6b: {  	_ =	shalt  }
0x6c: {  	_ =	shalt  }
0x6d: {  	_ =	shalt  }
0x6e: {  	_ =	shalt  }
0x6f: {  	_ =	shalt  }
0x70: {  	_ =	shalt  }
0x71: {  	_ =	shalt  }
0x72: {  	_ =	shalt  }
0x73: {  	_ =	shalt  }
0x74: {  	_ =	shalt  }
0x75: {  	_ =	shalt  }
0x76: {  	_ =	shalt  }
0x77: {  	_ =	shalt  }
0x78: {  	_ =	shalt  }
0x79: {  	_ =	shalt  }
0x7a: {  	_ =	shalt  }
0x7b: {  	_ =	shalt  }
0x7c: {  	_ =	shalt  }
0x7d: {  	_ =	shalt  }
0x7e: {  	_ =	shalt  }
0x7f: {  	_ =	shalt  }
0x80: {  	_ =	shalt  }
0x81: {  	_ =	shalt  }
0x82: {  	_ =	shalt  }
0x83: {  	_ =	shalt  }
0x84: {  	_ =	shalt  }
0x85: {  	_ =	shalt  }
0x86: {  	_ =	shalt  }
0x87: {  	_ =	shalt  }
.Lfunc_end0:
.L_simem_size_0:
called_computation_lowered:
.L_overlay_start_0:
0x88: {  	s2 =	sld [smem:$0x3FD9]  }
0x89: {  	s3 =	sld [smem:$0x3FFE];
	_ =	sdelay $0x1  }
0x8a: {  	s1 =	srdreg.scid  }
0x8b: {  	s0 =	sand.u32 $0x1, s1  }
0x8c: {  	s17 =	sshll.u32 s0, $0xA;
	s2 =	sadd.s32 s3, s2  }
0x8d: {  	s2 =	sadd.s32 s2, s17  }
0x8e: {  	[smem:$0x3FBA] =	sst s2  }
0x8f: {  	_ = 	snop  }
0x90: {  	s2 =	sld [smem:$0x3FC7];
	(tm) =	ssettm $0x1  }
0x91: {  	s18 =	sld [smem:$0x3FFB];
	_ =	sdelay $0x3  }
0x92: {  	_ =	strace s18  }
0x93: {  	s3 =	sld [smem:$0x3FFC];
	_ =	sdelay $0x3  }
0x94: {  	_ =	strace s3  }
0x95: {  	s3 =	sld [smem:$0x3FFD];
	_ =	sdelay $0x3  }
0x96: {  	_ =	strace s3  }
0x97: {  	_ =	strace $0x8FFFFFFF  }
0x98: {  	s19 =	sld [smem:$0x3FDB];
	_ =	sdelay $0x1  }
0x99: {  	s4 =	simm.s32 $_scs_section_size  }
0x9a: {  	s5 =	simm.s32 $_size__tile_overlayer_lowered;
	s6 =	simm.s32 $_tile_overlayer_lowered  }
0x9b: {  	s22 =	simm.s32 $0x1BFF;
	s21 =	sshll.u32 s6, $0x1;
	s3 =	sadd.s32 s4, s19  }
0x9c: {  	s7 =	simm.s32 $0x0;
	s20 =	sshll.u32 s5, $0x1;
	s5 =	sadd.s32 s21, s3  }
0x9d: {  	[timem:s7], [sflag:s22] =	dma.local [hbm:s5], s20  }
0x9e: {  	_ =	swait.ge [sflag:s22], s20  }
0x9f: {  	s4 =	ssub.s32 $0x0, s20;
	[sflag:s22] =	ssyncset.done $0x0  }
0xa0: {  	[sflag:s22] =	ssyncadd.s32 s4;
	_ =	sdelay $0x1  }
0xa1: {  	s23 =	simm.s32 $0x1B8B  }
0xa2: {  	_ =	swait.ge [sflag:s23], $0x1  }
0xa3: {  	[sflag:s23] =	ssyncset.done $0x0  }
0xa4: {  	s25 =	simm.s32 $0x1B8E;
	s24 =	sld [smem:$0x3FFE];
	[sflag:s23] =	ssyncadd.s32 $0xFFFFFFFF  }
0xa5: {  	s26 =	simm.s32 $execute0_lowered;
	[smem:$0x3FD2] =	sst s25  }
0xa6: {  	s5 =	sshll.u32 s26, $0x1;
	_ =	strace $0x80000046;
	[dreg:$0x1] =	wrdreg $0xFFFFFFFF  }
0xa7: {  	s28 =	simm.s32 $_size_execute0_lowered;
	s3 =	sadd.s32 s3, s5;
	[dreg:$0x0] =	wrdreg $0x0  }
0xa8: {  	s5 =	sshll.u32 s28, $0x1;
	[dreg:$0x2] =	wrdreg s3  }
0xa9: {  	[dreg:$0x3] =	wrdreg s5  }
0xaa: {  	[dreg:$0x4] =	wrdreg $0xC0  }
0xab: {  	_ =	task [dreg:s7], $0x5FFFF  }
0xac: {  	[dreg:$0x1] =	wrdreg $0xFFFFFFFF  }
0xad: {  	[dreg:$0x0] =	wrdreg $0x60  }
0xae: {  	[dreg:$0x2] =	wrdreg s2  }
0xaf: {  	[dreg:$0x3] =	wrdreg s24  }
0xb0: {  	[dreg:$0x4] =	wrdreg $0x9  }
0xb1: {  	_ =	task.clear_ibuf [dreg:s7], $0x5FFFF;
	_ =	strace $0x90000046  }
0xb2: {  	s29 =	simm.s32 $0x9;
	_ =	strace $0x80000048  }
0xb3: {  	_ =	swait.ge [sflag:s29], $0x1  }
0xb4: {  	[sflag:s29] =	ssyncadd.s32 $0xFFFFFFFF  }
0xb5: {  	_ =	strace $0x90000048  }
0xb6: {  	_ =	sfence  }
0xb7: {  	s30 =	sld [smem:$0x0];
	_ =	sdelay $0x2  }
0xb8: {  	s31 =	sshll.u32 s1, $0xD;
	s1 =	sshrl.u32 s1, $0x2  }
0xb9: {  	s3 =	sand.u32 $0x4000, s31;
	s1 =	sadd.s32 s1, s30  }
0xba: {  	s0 =	sor.u32 s3, s0;
	s1 =	sshll.u32 s1, $0x11  }
0xbb: {  	s0 =	sor.u32 s1, s0  }
0xbc: {  	s0 =	sadd.s32 $0x8F2B, s0  }
0xbd: {  	[sflag:s0] =	ssyncadd.remote.s32 $0x1  }
0xbe: {  	_ =	sfence.sel $0xFFFF  }
0xbf: {  	[dreg:$0x0] =	wrdreg $0xFFFFFFFF;
	(pc) =	sbr.abs _section_cstart, $3  }
0xc0: {  	[dreg:$0x1] =	wrdreg $0xFFFFFFFF  }
0xc1: {  	_ =	task.clear_ibuf [dreg:s7], $0x2FFFF;
	_ =	strace $0x9FFFFFFF  }
0xc2: {  	(tm) =	ssettm $0x7FFFFFFF  }
0xc3: {  	_ =	shalt  }
tec
execute0_lowered:
.L_overlay_start_1:
0x0: {  	(tag) =	ssettag $0x1  }
0x1: {  	v0 =	vlaneseq.u32  }
0x2: {  	v1 =	vand.u32 $0x7, v0;
	v0 =	vmul.u32 $0x10, v0;
	_ =	sdelay $0x1  }
0x3: {  	v1 =	vmul.u32 $0x10, v1;
	v3 =	vor.u32 $0x200, v0;
	v4 =	vor.u32 $0x300, v0  }
0x4: {  	v5 =	vor.u32 $0x400, v0;
	v6 =	vor.u32 $0x500, v0;
	v7 =	vor.u32 $0x600, v0  }
0x5: {  	v8 =	vor.u32 $0x700, v0;
	v9 =	vor.u32 $0x1, v0;
	v10 =	vor.u32 $0x101, v0  }
0x6: {  	v11 =	vor.u32 $0x201, v0;
	v12 =	vor.u32 $0x301, v0;
	v13 =	vor.u32 $0x401, v0  }
0x7: {  	s0 =	rddreg [dreg:$0x0];
	v14 =	vor.u32 $0x501, v0;
	v15 =	vor.u32 $0x601, v0;
	v16 =	vor.u32 $0x701, v0  }
0x8: {  	s1 =	rddreg [dreg:$0x1];
	s2 =	simm.s32 $0x0;
	v17 =	vor.u32 $0x2, v0;
	v18 =	vor.u32 $0x102, v0;
	v19 =	vor.u32 $0x202, v0  }
0x9: {  	s9 =	stileid.u32;
	s3 =	srdreg.scid;
	s15 =	simm.s32 $0x7A1400;
	v20 =	vor.u32 $0x302, v0;
	v21 =	vor.u32 $0x402, v0;
	v22 =	vor.u32 $0x502, v0  }
0xa: {  	s16 =	simm.s32 $0x400;
	s28 =	simm.s32 $0xB;
	s29 =	simm.s32 $0xC;
	v23 =	vor.u32 $0x602, v0;
	v24 =	vor.u32 $0x702, v0;
	v25 =	vor.u32 $0x3, v0  }
0xb: {  	s30 =	simm.s32 $0xD;
	s31 =	simm.s32 $0xE;
	s17 =	simm.s32 $0x0;
	v26 =	vor.u32 $0x103, v0;
	v27 =	vor.u32 $0x203, v0;
	v28 =	vor.u32 $0x303, v0  }
0xc: {  	[smem:$0x7FF] =	sst s2;
	s3 =	sand.u32 $0x1, s3;
	s4 =	sshll.u32 s9, $0x1;
	v29 =	vor.u32 $0x403, v0;
	v30 =	vor.u32 $0x503, v0;
	v31 =	vor.u32 $0x603, v0  }
0xd: {  	s24 =	sshll.u32 s9, $0x9;
	s10 =	sshll.u32 s9, $0x8;
	s18 =	sor.u32 s3, s4;
	v32 =	vor.u32 $0x703, v0;
	v33 =	vor.u32 $0x4, v0;
	v34 =	vor.u32 $0x104, v0  }
0xe: {  	s5 =	ssub.s32 $0x2, s3;
	s1 =	sadd.s32 s24, s1;
	s11 =	sshll.u32 s3, $0x7;
	v35 =	vor.u32 $0x204, v0;
	v36 =	vor.u32 $0x304, v0;
	v37 =	vor.u32 $0x404, v0  }
0xf: {  	s3 =	sshll.u32 s3, $0x8;
	s24 =	simm.s32 $0x4000;
	s6 =	sshll.u32 s18, $0x7;
	v38 =	vor.u32 $0x504, v0;
	v39 =	vor.u32 $0x604, v0;
	v40 =	vor.u32 $0x704, v0  }
0x10: {  	s7 =	sshrl.u32 s5, $0x1;
	s26 =	sadd.s32 s3, s1;
	v41 =	vor.u32 $0x5, v0;
	v42 =	vor.u32 $0x105, v0;
	v43 =	vor.u32 $0x205, v0;
	s1 =	simm.s32 $0x10  }
0x11: {  	v44 =	vor.u32 $0x305, v0;
	v45 =	vor.u32 $0x405, v0;
	v46 =	vor.u32 $0x505, v0;
	s4 =	sadd.s32 s0, s6;
	s5 =	ssub.s32 s5, s7;
	s0 =	sadd.s32 s10, s0  }
0x12: {  	v47 =	vor.u32 $0x605, v0;
	v48 =	vor.u32 $0x705, v0;
	v50 =	vor.u32 $0x106, v0;
	s19 =	sadd.s32 $0x2600, s26;
	s26 =	simm.s32 $0xA;
	s6 =	sadd.s32 $0x1000, s4  }
.Ltmp0:
0x13: {  	v51 =	vor.u32 $0x206, v0;
	v52 =	vor.u32 $0x306, v0;
	v1 =	vor.u32 $0xFFFFF880, v1;
	s25 =	sadd.s32 $0x2000, s4;
	s7 =	sadd.s32 $0x3000, s4;
	(pc) =	sbr.rel .LBB2_1-.Ltmp0, $4  }
0x14: {  	v49 =	vor.u32 $0x6, v0;
	v53 =	vor.u32 $0x406, v0;
	[tilespmem:$0x1FFE0] =	vst v1;
	v1 =	vor.u32 $0x100, v0;
	s8 =	sadd.s32 $0x4000, s4;
	s9 =	sadd.s32 $0x5000, s4;
	s10 =	sadd.s32 $0x6000, s4  }
0x15: {  	v54 =	vor.u32 $0x506, v0;
	v55 =	vor.u32 $0x606, v0;
	v56 =	vor.u32 $0x706, v0;
	s0 =	sadd.s32 s11, s0;
	s11 =	sadd.s32 $0x7000, s4;
	s13 =	smax.u32 s5, $0x1;
	[tilespmem:$0x1FFF0] =	vst v1  }
0x16: {  	v57 =	vor.u32 $0x7, v0;
	v58 =	vor.u32 $0x107, v0;
	v59 =	vor.u32 $0x207, v0;
	s20 =	sadd.s32 $0x8000, s0;
	_ =	strace $0x80000047;
	[dreg:$0x3] =	wrdreg s6  }
0x17: {  	v60 =	vor.u32 $0x307, v0;
	v61 =	vor.u32 $0x407, v0;
	v62 =	vor.u32 $0x507, v0;
	s0 =	simm.s32 $0xF;
	[dreg:$0x4] =	wrdreg s25;
	s25 =	simm.s32 $0x9  }
.LBB2_5:
0x18: {  	_ =	swait.ge [sflag:s25], $0x800  }
0x19: {  	[sflag:s25] =	ssyncset.done $0x0  }
0x1a: {  	[sflag:s25] =	ssyncadd.s32 $0xFFFFF800  }
0x1b: {  	_ =	swait.ge [sflag:s26], $0x800  }
0x1c: {  	[sflag:s26] =	ssyncset.done $0x0  }
0x1d: {  	[sflag:s26] =	ssyncadd.s32 $0xFFFFF800  }
0x1e: {  	_ =	swait.ge [sflag:s28], $0x800  }
0x1f: {  	[sflag:s28] =	ssyncset.done $0x0  }
0x20: {  	[sflag:s28] =	ssyncadd.s32 $0xFFFFF800  }
0x21: {  	_ =	swait.ge [sflag:s29], $0x800  }
0x22: {  	[sflag:s29] =	ssyncset.done $0x0  }
0x23: {  	[sflag:s29] =	ssyncadd.s32 $0xFFFFF800  }
0x24: {  	_ =	swait.ge [sflag:s30], $0x800  }
0x25: {  	[sflag:s30] =	ssyncset.done $0x0  }
0x26: {  	[sflag:s30] =	ssyncadd.s32 $0xFFFFF800  }
0x27: {  	_ =	swait.ge [sflag:s31], $0x800  }
0x28: {  	[sflag:s31] =	ssyncset.done $0x0  }
0x29: {  	s17 =	sadd.s32 $0x1, s17;
	[sflag:s31] =	ssyncadd.s32 $0xFFFFF800  }
0x2a: {  	p0 =	sne.s32 s17, s13;
	_ =	swait.ge [sflag:s0], $0x800  }
.Ltmp1:
0x2b: {  	[sflag:s0] =	ssyncset.done $0x0;
	(pc) =	sbr.rel @!p0 .LBB2_6-.Ltmp1, $4  }
0x2c: {  	[sflag:s0] =	ssyncadd.s32 $0xFFFFF800  }
0x2d: {  	_ =	swait.ge [sflag:s1], $0x800  }
0x2e: {  	[sflag:s1] =	ssyncset.done $0x0  }
0x2f: {  	[sflag:s1] =	ssyncadd.s32 $0xFFFFF800  }
.LBB2_1:
0x30: {  	[tilespmem:s2], [sflag:$0x1] =	stream.strided.gather [hbm4b:s4+s16], $0x800, s15, s16, $0x38;
	[tilespmem:$0x8000] =	vst v63  }
0x31: {  	s3 =	rddreg [dreg:$0x3];
	s5 =	simm.s32 $0x800  }
0x32: {  	[tilespmem:s5], [sflag:$0x2] =	stream.strided.gather [hbm4b:s3+s16], $0x800, s15, s16, $0x38;
	[tilespmem:$0x8000] =	vst v63  }
0x33: {  	s6 =	simm.s32 $0x1000;
	s5 =	rddreg [dreg:$0x4]  }
0x34: {  	[tilespmem:s6], [sflag:$0x3] =	stream.strided.gather [hbm4b:s5+s16], $0x800, s15, s16, $0x38;
	[tilespmem:$0x8000] =	vst v63  }
0x35: {  	s12 =	simm.s32 $0x1800  }
0x36: {  	[tilespmem:s12], [sflag:$0x4] =	stream.strided.gather [hbm4b:s7+s16], $0x800, s15, s16, $0x38;
	[tilespmem:$0x8000] =	vst v63  }
0x37: {  	s14 =	simm.s32 $0x2000  }
0x38: {  	[tilespmem:s14], [sflag:$0x5] =	stream.strided.gather [hbm4b:s8+s16], $0x800, s15, s16, $0x38;
	[tilespmem:$0x8000] =	vst v63  }
0x39: {  	s21 =	simm.s32 $0x2800  }
0x3a: {  	[tilespmem:s21], [sflag:$0x6] =	stream.strided.gather [hbm4b:s9+s16], $0x800, s15, s16, $0x38;
	[tilespmem:$0x8000] =	vst v63  }
.Ltmp2:
0x3b: {  	_ = 	snop;
	(pc) =	sbr.rel .LBB2_2-.Ltmp2, $4  }
0x3c: {  	s22 =	simm.s32 $0x3000;
	s23 =	simm.s32 $0x3800;
	s3 =	smov.u32 s18  }
0x3d: {  	[tilespmem:s22], [sflag:$0x7] =	stream.strided.gather [hbm4b:s10+s16], $0x800, s15, s16, $0x38;
	[tilespmem:$0x8000] =	vst v63  }
0x3e: {  	s12 =	smov.u32 s20;
	s14 =	smov.u32 s19;
	s21 =	simm.s32 $0x0  }
0x3f: {  	[tilespmem:s23], [sflag:$0x8] =	stream.strided.gather [hbm4b:s11+s16], $0x800, s15, s16, $0x38;
	[tilespmem:$0x8000] =	vst v63  }
.LBB2_4:
0x40: {  	s21 =	sadd.s32 $0x1, s21  }
0x41: {  	p0 =	sne.s32 s21, $0xF5  }
.Ltmp3:
0x42: {  	_ = 	snop;
	(pc) =	sbr.rel @!p0 .LBB2_5-.Ltmp3, $2  }
0x43: {  	_ =	sdelay $0x2  }
0x44: {  	s12 =	sadd.s32 $0x1000, s12;
	s14 =	sadd.s32 $0x2000, s14;
	s3 =	sadd.s32 $0x20, s3  }
.LBB2_2:
0x45: {  	p0 =	sgt.u32 s3, $0x1E84  }
.Ltmp4:
0x46: {  	_ = 	snop;
	(pc) =	sbr.rel @p0 .LBB2_4-.Ltmp4, $1  }
0x47: {  	_ =	sdelay $0x3  }
0x48: {  	s23 =	sand.u32 $0x7, s21  }
0x49: {  	s22 =	sadd.s32 $0x1, s23  }
0x4a: {  	_ =	swait.ge [sflag:s22], $0x800  }
0x4b: {  	p0 =	slt.u32 s21, $0x8;
	[sflag:s22] =	ssyncset.done $0x0  }
0x4c: {  	s6 =	sadd.s32 @!p0 $0x9, s23;
	[sflag:s22] =	ssyncadd.s32 $0xFFFFF800  }
0x4d: {  	_ =	swait.ge @!p0 [sflag:s6], $0x800  }
0x4e: {  	v2 =	vld [tilespmem:$0x1FFE0];
	_ =	sdelay $0x2  }
0x4f: {  	s5 =	sshll.u32 s23, $0xB;
	[sflag:s6] =	ssyncset.done @!p0 $0x0  }
0x50: {  	v63 =	vor.u32 s5, v0;
	[sflag:s6] =	ssyncadd.s32 @!p0 $0xFFFFF800  }
0x51: {  	v1 =	vld [tilespmem:s5+$0x0];
	v63 =	vand.u32 v2, v63  }
0x52: {  	v2 =	vld [tilespmem:$0x1FFF0];
	_ =	sdelay $0x3  }
0x53: {  	[tilespmem:v63+s24+$0x0] =	vst.idx.msk $0xffff, v1  }
0x54: {  	v63 =	vor.u32 s5, v2;
	v1 =	vld [tilespmem:s5+$0x10];
	_ =	sdelay $0x4  }
0x55: {  	[tilespmem:v63+s24+$0x0] =	vst.idx.msk $0xffff, v1  }
0x56: {  	v63 =	vor.u32 s5, v3;
	v1 =	vld [tilespmem:s5+$0x20];
	_ =	sdelay $0x4  }
0x57: {  	[tilespmem:v63+s24+$0x0] =	vst.idx.msk $0xffff, v1  }
0x58: {  	v63 =	vor.u32 s5, v4;
	v1 =	vld [tilespmem:s5+$0x30];
	_ =	sdelay $0x4  }
0x59: {  	[tilespmem:v63+s24+$0x0] =	vst.idx.msk $0xffff, v1  }
0x5a: {  	v63 =	vor.u32 s5, v5;
	v1 =	vld [tilespmem:s5+$0x40];
	_ =	sdelay $0x4  }
0x5b: {  	[tilespmem:v63+s24+$0x0] =	vst.idx.msk $0xffff, v1  }
0x5c: {  	v63 =	vor.u32 s5, v6;
	v1 =	vld [tilespmem:s5+$0x50];
	_ =	sdelay $0x4  }
0x5d: {  	[tilespmem:v63+s24+$0x0] =	vst.idx.msk $0xffff, v1  }
0x5e: {  	v63 =	vor.u32 s5, v7;
	v1 =	vld [tilespmem:s5+$0x60];
	_ =	sdelay $0x4  }
0x5f: {  	[tilespmem:v63+s24+$0x0] =	vst.idx.msk $0xffff, v1  }
0x60: {  	v63 =	vor.u32 s5, v8;
	v1 =	vld [tilespmem:s5+$0x70];
	_ =	sdelay $0x4  }
0x61: {  	[tilespmem:v63+s24+$0x0] =	vst.idx.msk $0xffff, v1  }
0x62: {  	v63 =	vor.u32 s5, v9;
	v1 =	vld [tilespmem:s5+$0x80];
	_ =	sdelay $0x4  }
0x63: {  	[tilespmem:v63+s24+$0x0] =	vst.idx.msk $0xffff, v1  }
0x64: {  	v63 =	vor.u32 s5, v10;
	v1 =	vld [tilespmem:s5+$0x90];
	_ =	sdelay $0x4  }
0x65: {  	[tilespmem:v63+s24+$0x0] =	vst.idx.msk $0xffff, v1  }
0x66: {  	v63 =	vor.u32 s5, v11;
	v1 =	vld [tilespmem:s5+$0xA0];
	_ =	sdelay $0x4  }
0x67: {  	[tilespmem:v63+s24+$0x0] =	vst.idx.msk $0xffff, v1  }
0x68: {  	v63 =	vor.u32 s5, v12;
	v1 =	vld [tilespmem:s5+$0xB0];
	_ =	sdelay $0x4  }
0x69: {  	[tilespmem:v63+s24+$0x0] =	vst.idx.msk $0xffff, v1  }
0x6a: {  	v63 =	vor.u32 s5, v13;
	v1 =	vld [tilespmem:s5+$0xC0];
	_ =	sdelay $0x4  }
0x6b: {  	[tilespmem:v63+s24+$0x0] =	vst.idx.msk $0xffff, v1  }
0x6c: {  	v63 =	vor.u32 s5, v14;
	v1 =	vld [tilespmem:s5+$0xD0];
	_ =	sdelay $0x4  }
0x6d: {  	[tilespmem:v63+s24+$0x0] =	vst.idx.msk $0xffff, v1  }
0x6e: {  	v63 =	vor.u32 s5, v15;
	v1 =	vld [tilespmem:s5+$0xE0];
	_ =	sdelay $0x4  }
0x6f: {  	[tilespmem:v63+s24+$0x0] =	vst.idx.msk $0xffff, v1  }
0x70: {  	v63 =	vor.u32 s5, v16;
	v1 =	vld [tilespmem:s5+$0xF0];
	_ =	sdelay $0x4  }
0x71: {  	[tilespmem:v63+s24+$0x0] =	vst.idx.msk $0xffff, v1  }
0x72: {  	v63 =	vor.u32 s5, v17;
	v1 =	vld [tilespmem:s5+$0x100];
	_ =	sdelay $0x4  }
0x73: {  	[tilespmem:v63+s24+$0x0] =	vst.idx.msk $0xffff, v1  }
0x74: {  	v63 =	vor.u32 s5, v18;
	v1 =	vld [tilespmem:s5+$0x110];
	_ =	sdelay $0x4  }
0x75: {  	[tilespmem:v63+s24+$0x0] =	vst.idx.msk $0xffff, v1  }
0x76: {  	v63 =	vor.u32 s5, v19;
	v1 =	vld [tilespmem:s5+$0x120];
	_ =	sdelay $0x4  }
0x77: {  	[tilespmem:v63+s24+$0x0] =	vst.idx.msk $0xffff, v1  }
0x78: {  	v63 =	vor.u32 s5, v20;
	v1 =	vld [tilespmem:s5+$0x130];
	_ =	sdelay $0x4  }
0x79: {  	[tilespmem:v63+s24+$0x0] =	vst.idx.msk $0xffff, v1  }
0x7a: {  	v63 =	vor.u32 s5, v21;
	v1 =	vld [tilespmem:s5+$0x140];
	_ =	sdelay $0x4  }
0x7b: {  	[tilespmem:v63+s24+$0x0] =	vst.idx.msk $0xffff, v1  }
0x7c: {  	v63 =	vor.u32 s5, v22;
	v1 =	vld [tilespmem:s5+$0x150];
	_ =	sdelay $0x4  }
0x7d: {  	[tilespmem:v63+s24+$0x0] =	vst.idx.msk $0xffff, v1  }
0x7e: {  	v63 =	vor.u32 s5, v23;
	v1 =	vld [tilespmem:s5+$0x160];
	_ =	sdelay $0x4  }
0x7f: {  	[tilespmem:v63+s24+$0x0] =	vst.idx.msk $0xffff, v1  }
0x80: {  	v63 =	vor.u32 s5, v24;
	v1 =	vld [tilespmem:s5+$0x170];
	_ =	sdelay $0x4  }
0x81: {  	[tilespmem:v63+s24+$0x0] =	vst.idx.msk $0xffff, v1  }
0x82: {  	v63 =	vor.u32 s5, v25;
	v1 =	vld [tilespmem:s5+$0x180];
	_ =	sdelay $0x4  }
0x83: {  	[tilespmem:v63+s24+$0x0] =	vst.idx.msk $0xffff, v1  }
0x84: {  	v63 =	vor.u32 s5, v26;
	v1 =	vld [tilespmem:s5+$0x190];
	_ =	sdelay $0x4  }
0x85: {  	[tilespmem:v63+s24+$0x0] =	vst.idx.msk $0xffff, v1  }
0x86: {  	v63 =	vor.u32 s5, v27;
	v1 =	vld [tilespmem:s5+$0x1A0];
	_ =	sdelay $0x4  }
0x87: {  	[tilespmem:v63+s24+$0x0] =	vst.idx.msk $0xffff, v1  }
0x88: {  	v63 =	vor.u32 s5, v28;
	v1 =	vld [tilespmem:s5+$0x1B0];
	_ =	sdelay $0x4  }
0x89: {  	[tilespmem:v63+s24+$0x0] =	vst.idx.msk $0xffff, v1  }
0x8a: {  	v63 =	vor.u32 s5, v29;
	v1 =	vld [tilespmem:s5+$0x1C0];
	_ =	sdelay $0x4  }
0x8b: {  	[tilespmem:v63+s24+$0x0] =	vst.idx.msk $0xffff, v1  }
0x8c: {  	v63 =	vor.u32 s5, v30;
	v1 =	vld [tilespmem:s5+$0x1D0];
	_ =	sdelay $0x4  }
0x8d: {  	[tilespmem:v63+s24+$0x0] =	vst.idx.msk $0xffff, v1  }
0x8e: {  	v63 =	vor.u32 s5, v31;
	v1 =	vld [tilespmem:s5+$0x1E0];
	_ =	sdelay $0x4  }
0x8f: {  	[tilespmem:v63+s24+$0x0] =	vst.idx.msk $0xffff, v1  }
0x90: {  	v63 =	vor.u32 s5, v32;
	v1 =	vld [tilespmem:s5+$0x1F0];
	_ =	sdelay $0x4  }
0x91: {  	[tilespmem:v63+s24+$0x0] =	vst.idx.msk $0xffff, v1  }
0x92: {  	v63 =	vor.u32 s5, v33;
	v1 =	vld [tilespmem:s5+$0x200];
	_ =	sdelay $0x4  }
0x93: {  	[tilespmem:v63+s24+$0x0] =	vst.idx.msk $0xffff, v1  }
0x94: {  	v63 =	vor.u32 s5, v34;
	v1 =	vld [tilespmem:s5+$0x210];
	_ =	sdelay $0x4  }
0x95: {  	[tilespmem:v63+s24+$0x0] =	vst.idx.msk $0xffff, v1  }
0x96: {  	v63 =	vor.u32 s5, v35;
	v1 =	vld [tilespmem:s5+$0x220];
	_ =	sdelay $0x4  }
0x97: {  	[tilespmem:v63+s24+$0x0] =	vst.idx.msk $0xffff, v1  }
0x98: {  	v63 =	vor.u32 s5, v36;
	v1 =	vld [tilespmem:s5+$0x230];
	_ =	sdelay $0x4  }
0x99: {  	[tilespmem:v63+s24+$0x0] =	vst.idx.msk $0xffff, v1  }
0x9a: {  	v63 =	vor.u32 s5, v37;
	v1 =	vld [tilespmem:s5+$0x240];
	_ =	sdelay $0x4  }
0x9b: {  	[tilespmem:v63+s24+$0x0] =	vst.idx.msk $0xffff, v1  }
0x9c: {  	v63 =	vor.u32 s5, v38;
	v1 =	vld [tilespmem:s5+$0x250];
	_ =	sdelay $0x4  }
0x9d: {  	[tilespmem:v63+s24+$0x0] =	vst.idx.msk $0xffff, v1  }
0x9e: {  	v63 =	vor.u32 s5, v39;
	v1 =	vld [tilespmem:s5+$0x260];
	_ =	sdelay $0x4  }
0x9f: {  	[tilespmem:v63+s24+$0x0] =	vst.idx.msk $0xffff, v1  }
0xa0: {  	v63 =	vor.u32 s5, v40;
	v1 =	vld [tilespmem:s5+$0x270];
	_ =	sdelay $0x4  }
0xa1: {  	[tilespmem:v63+s24+$0x0] =	vst.idx.msk $0xffff, v1  }
0xa2: {  	v63 =	vor.u32 s5, v41;
	v1 =	vld [tilespmem:s5+$0x280];
	_ =	sdelay $0x4  }
0xa3: {  	[tilespmem:v63+s24+$0x0] =	vst.idx.msk $0xffff, v1  }
0xa4: {  	v63 =	vor.u32 s5, v42;
	v1 =	vld [tilespmem:s5+$0x290];
	_ =	sdelay $0x4  }
0xa5: {  	[tilespmem:v63+s24+$0x0] =	vst.idx.msk $0xffff, v1  }
0xa6: {  	v63 =	vor.u32 s5, v43;
	v1 =	vld [tilespmem:s5+$0x2A0];
	_ =	sdelay $0x4  }
0xa7: {  	[tilespmem:v63+s24+$0x0] =	vst.idx.msk $0xffff, v1  }
0xa8: {  	v63 =	vor.u32 s5, v44;
	v1 =	vld [tilespmem:s5+$0x2B0];
	_ =	sdelay $0x4  }
0xa9: {  	[tilespmem:v63+s24+$0x0] =	vst.idx.msk $0xffff, v1  }
0xaa: {  	v63 =	vor.u32 s5, v45;
	v1 =	vld [tilespmem:s5+$0x2C0];
	_ =	sdelay $0x4  }
0xab: {  	[tilespmem:v63+s24+$0x0] =	vst.idx.msk $0xffff, v1  }
0xac: {  	v63 =	vor.u32 s5, v46;
	v1 =	vld [tilespmem:s5+$0x2D0];
	_ =	sdelay $0x4  }
0xad: {  	[tilespmem:v63+s24+$0x0] =	vst.idx.msk $0xffff, v1  }
0xae: {  	v63 =	vor.u32 s5, v47;
	v1 =	vld [tilespmem:s5+$0x2E0];
	_ =	sdelay $0x4  }
0xaf: {  	[tilespmem:v63+s24+$0x0] =	vst.idx.msk $0xffff, v1  }
0xb0: {  	v63 =	vor.u32 s5, v48;
	v1 =	vld [tilespmem:s5+$0x2F0];
	_ =	sdelay $0x4  }
0xb1: {  	[tilespmem:v63+s24+$0x0] =	vst.idx.msk $0xffff, v1  }
0xb2: {  	v63 =	vor.u32 s5, v49;
	v1 =	vld [tilespmem:s5+$0x300];
	_ =	sdelay $0x4  }
0xb3: {  	[tilespmem:v63+s24+$0x0] =	vst.idx.msk $0xffff, v1  }
0xb4: {  	v63 =	vor.u32 s5, v50;
	v1 =	vld [tilespmem:s5+$0x310];
	_ =	sdelay $0x4  }
0xb5: {  	[tilespmem:v63+s24+$0x0] =	vst.idx.msk $0xffff, v1  }
0xb6: {  	v63 =	vor.u32 s5, v51;
	v1 =	vld [tilespmem:s5+$0x320];
	_ =	sdelay $0x4  }
0xb7: {  	[tilespmem:v63+s24+$0x0] =	vst.idx.msk $0xffff, v1  }
0xb8: {  	v63 =	vor.u32 s5, v52;
	v1 =	vld [tilespmem:s5+$0x330];
	_ =	sdelay $0x4  }
0xb9: {  	[tilespmem:v63+s24+$0x0] =	vst.idx.msk $0xffff, v1  }
0xba: {  	v63 =	vor.u32 s5, v53;
	v1 =	vld [tilespmem:s5+$0x340];
	_ =	sdelay $0x4  }
0xbb: {  	[tilespmem:v63+s24+$0x0] =	vst.idx.msk $0xffff, v1  }
0xbc: {  	v63 =	vor.u32 s5, v54;
	v1 =	vld [tilespmem:s5+$0x350];
	_ =	sdelay $0x4  }
0xbd: {  	[tilespmem:v63+s24+$0x0] =	vst.idx.msk $0xffff, v1  }
0xbe: {  	v63 =	vor.u32 s5, v55;
	v1 =	vld [tilespmem:s5+$0x360];
	_ =	sdelay $0x4  }
0xbf: {  	[tilespmem:v63+s24+$0x0] =	vst.idx.msk $0xffff, v1  }
0xc0: {  	v63 =	vor.u32 s5, v56;
	v1 =	vld [tilespmem:s5+$0x370];
	_ =	sdelay $0x4  }
0xc1: {  	[tilespmem:v63+s24+$0x0] =	vst.idx.msk $0xffff, v1  }
0xc2: {  	v63 =	vor.u32 s5, v57;
	v1 =	vld [tilespmem:s5+$0x380];
	_ =	sdelay $0x4  }
0xc3: {  	[tilespmem:v63+s24+$0x0] =	vst.idx.msk $0xffff, v1  }
0xc4: {  	v63 =	vor.u32 s5, v58;
	v1 =	vld [tilespmem:s5+$0x390];
	_ =	sdelay $0x4  }
0xc5: {  	[tilespmem:v63+s24+$0x0] =	vst.idx.msk $0xffff, v1  }
0xc6: {  	v63 =	vor.u32 s5, v59;
	v1 =	vld [tilespmem:s5+$0x3A0];
	_ =	sdelay $0x4  }
0xc7: {  	[tilespmem:v63+s24+$0x0] =	vst.idx.msk $0xffff, v1  }
0xc8: {  	v63 =	vor.u32 s5, v60;
	v1 =	vld [tilespmem:s5+$0x3B0];
	_ =	sdelay $0x4  }
0xc9: {  	[tilespmem:v63+s24+$0x0] =	vst.idx.msk $0xffff, v1  }
0xca: {  	v63 =	vor.u32 s5, v61;
	v1 =	vld [tilespmem:s5+$0x3C0];
	_ =	sdelay $0x4  }
0xcb: {  	[tilespmem:v63+s24+$0x0] =	vst.idx.msk $0xffff, v1  }
0xcc: {  	v63 =	vor.u32 s5, v62;
	v1 =	vld [tilespmem:s5+$0x3D0];
	_ =	sdelay $0x4  }
0xcd: {  	[tilespmem:v63+s24+$0x0] =	vst.idx.msk $0xffff, v1;
	v1 =	vor.u32 $0x607, v0  }
0xce: {  	v63 =	vld [tilespmem:s5+$0x3E0];
	v1 =	vor.u32 s5, v1;
	_ =	sdelay $0x4  }
0xcf: {  	[tilespmem:v1+s24+$0x0] =	vst.idx.msk $0xffff, v63;
	v1 =	vor.u32 $0x707, v0  }
0xd0: {  	v63 =	vld [tilespmem:s5+$0x3F0];
	v1 =	vor.u32 s5, v1;
	_ =	sdelay $0x4  }
0xd1: {  	[tilespmem:v1+s24+$0x0] =	vst.idx.msk $0xffff, v63;
	v1 =	vor.u32 $0x8, v0  }
0xd2: {  	v63 =	vld [tilespmem:s5+$0x400];
	v1 =	vor.u32 s5, v1;
	_ =	sdelay $0x4  }
0xd3: {  	[tilespmem:v1+s24+$0x0] =	vst.idx.msk $0xffff, v63;
	v1 =	vor.u32 $0x108, v0  }
0xd4: {  	v63 =	vld [tilespmem:s5+$0x410];
	v1 =	vor.u32 s5, v1;
	_ =	sdelay $0x4  }
0xd5: {  	[tilespmem:v1+s24+$0x0] =	vst.idx.msk $0xffff, v63;
	v1 =	vor.u32 $0x208, v0  }
0xd6: {  	v63 =	vld [tilespmem:s5+$0x420];
	v1 =	vor.u32 s5, v1;
	_ =	sdelay $0x4  }
0xd7: {  	[tilespmem:v1+s24+$0x0] =	vst.idx.msk $0xffff, v63;
	v1 =	vor.u32 $0x308, v0  }
0xd8: {  	v63 =	vld [tilespmem:s5+$0x430];
	v1 =	vor.u32 s5, v1;
	_ =	sdelay $0x4  }
0xd9: {  	[tilespmem:v1+s24+$0x0] =	vst.idx.msk $0xffff, v63;
	v1 =	vor.u32 $0x408, v0  }
0xda: {  	v63 =	vld [tilespmem:s5+$0x440];
	v1 =	vor.u32 s5, v1;
	_ =	sdelay $0x4  }
0xdb: {  	[tilespmem:v1+s24+$0x0] =	vst.idx.msk $0xffff, v63;
	v1 =	vor.u32 $0x508, v0  }
0xdc: {  	v63 =	vld [tilespmem:s5+$0x450];
	v1 =	vor.u32 s5, v1;
	_ =	sdelay $0x4  }
0xdd: {  	[tilespmem:v1+s24+$0x0] =	vst.idx.msk $0xffff, v63;
	v1 =	vor.u32 $0x608, v0  }
0xde: {  	v63 =	vld [tilespmem:s5+$0x460];
	v1 =	vor.u32 s5, v1;
	_ =	sdelay $0x4  }
0xdf: {  	[tilespmem:v1+s24+$0x0] =	vst.idx.msk $0xffff, v63;
	v1 =	vor.u32 $0x708, v0  }
0xe0: {  	v63 =	vld [tilespmem:s5+$0x470];
	v1 =	vor.u32 s5, v1;
	_ =	sdelay $0x4  }
0xe1: {  	[tilespmem:v1+s24+$0x0] =	vst.idx.msk $0xffff, v63;
	v1 =	vor.u32 $0x9, v0  }
0xe2: {  	v63 =	vld [tilespmem:s5+$0x480];
	v1 =	vor.u32 s5, v1;
	_ =	sdelay $0x4  }
0xe3: {  	[tilespmem:v1+s24+$0x0] =	vst.idx.msk $0xffff, v63;
	v1 =	vor.u32 $0x109, v0  }
0xe4: {  	v63 =	vld [tilespmem:s5+$0x490];
	v1 =	vor.u32 s5, v1;
	_ =	sdelay $0x4  }
0xe5: {  	[tilespmem:v1+s24+$0x0] =	vst.idx.msk $0xffff, v63;
	v1 =	vor.u32 $0x209, v0  }
0xe6: {  	v63 =	vld [tilespmem:s5+$0x4A0];
	v1 =	vor.u32 s5, v1;
	_ =	sdelay $0x4  }
0xe7: {  	[tilespmem:v1+s24+$0x0] =	vst.idx.msk $0xffff, v63;
	v1 =	vor.u32 $0x309, v0  }
0xe8: {  	v63 =	vld [tilespmem:s5+$0x4B0];
	v1 =	vor.u32 s5, v1;
	_ =	sdelay $0x4  }
0xe9: {  	[tilespmem:v1+s24+$0x0] =	vst.idx.msk $0xffff, v63;
	v1 =	vor.u32 $0x409, v0  }
0xea: {  	v63 =	vld [tilespmem:s5+$0x4C0];
	v1 =	vor.u32 s5, v1;
	_ =	sdelay $0x4  }
0xeb: {  	[tilespmem:v1+s24+$0x0] =	vst.idx.msk $0xffff, v63;
	v1 =	vor.u32 $0x509, v0  }
0xec: {  	v63 =	vld [tilespmem:s5+$0x4D0];
	v1 =	vor.u32 s5, v1;
	_ =	sdelay $0x4  }
0xed: {  	[tilespmem:v1+s24+$0x0] =	vst.idx.msk $0xffff, v63;
	v1 =	vor.u32 $0x609, v0  }
0xee: {  	v63 =	vld [tilespmem:s5+$0x4E0];
	v1 =	vor.u32 s5, v1;
	_ =	sdelay $0x4  }
0xef: {  	[tilespmem:v1+s24+$0x0] =	vst.idx.msk $0xffff, v63;
	v1 =	vor.u32 $0x709, v0  }
0xf0: {  	v63 =	vld [tilespmem:s5+$0x4F0];
	v1 =	vor.u32 s5, v1;
	_ =	sdelay $0x4  }
0xf1: {  	[tilespmem:v1+s24+$0x0] =	vst.idx.msk $0xffff, v63;
	v1 =	vor.u32 $0xA, v0  }
0xf2: {  	v63 =	vld [tilespmem:s5+$0x500];
	v1 =	vor.u32 s5, v1;
	_ =	sdelay $0x4  }
0xf3: {  	[tilespmem:v1+s24+$0x0] =	vst.idx.msk $0xffff, v63;
	v1 =	vor.u32 $0x10A, v0  }
0xf4: {  	v63 =	vld [tilespmem:s5+$0x510];
	v1 =	vor.u32 s5, v1;
	_ =	sdelay $0x4  }
0xf5: {  	[tilespmem:v1+s24+$0x0] =	vst.idx.msk $0xffff, v63;
	v1 =	vor.u32 $0x20A, v0  }
0xf6: {  	v63 =	vld [tilespmem:s5+$0x520];
	v1 =	vor.u32 s5, v1;
	_ =	sdelay $0x4  }
0xf7: {  	[tilespmem:v1+s24+$0x0] =	vst.idx.msk $0xffff, v63;
	v1 =	vor.u32 $0x30A, v0  }
0xf8: {  	v63 =	vld [tilespmem:s5+$0x530];
	v1 =	vor.u32 s5, v1;
	_ =	sdelay $0x4  }
0xf9: {  	[tilespmem:v1+s24+$0x0] =	vst.idx.msk $0xffff, v63;
	v1 =	vor.u32 $0x40A, v0  }
0xfa: {  	v63 =	vld [tilespmem:s5+$0x540];
	v1 =	vor.u32 s5, v1;
	_ =	sdelay $0x4  }
0xfb: {  	[tilespmem:v1+s24+$0x0] =	vst.idx.msk $0xffff, v63;
	v1 =	vor.u32 $0x50A, v0  }
0xfc: {  	v63 =	vld [tilespmem:s5+$0x550];
	v1 =	vor.u32 s5, v1;
	_ =	sdelay $0x4  }
0xfd: {  	[tilespmem:v1+s24+$0x0] =	vst.idx.msk $0xffff, v63;
	v1 =	vor.u32 $0x60A, v0  }
0xfe: {  	v63 =	vld [tilespmem:s5+$0x560];
	v1 =	vor.u32 s5, v1;
	_ =	sdelay $0x4  }
0xff: {  	[tilespmem:v1+s24+$0x0] =	vst.idx.msk $0xffff, v63;
	v1 =	vor.u32 $0x70A, v0  }
0x100: {  	v63 =	vld [tilespmem:s5+$0x570];
	v1 =	vor.u32 s5, v1;
	_ =	sdelay $0x4  }
0x101: {  	[tilespmem:v1+s24+$0x0] =	vst.idx.msk $0xffff, v63;
	v1 =	vor.u32 $0xB, v0  }
0x102: {  	v63 =	vld [tilespmem:s5+$0x580];
	v1 =	vor.u32 s5, v1;
	_ =	sdelay $0x4  }
0x103: {  	[tilespmem:v1+s24+$0x0] =	vst.idx.msk $0xffff, v63;
	v1 =	vor.u32 $0x10B, v0  }
0x104: {  	v63 =	vld [tilespmem:s5+$0x590];
	v1 =	vor.u32 s5, v1;
	_ =	sdelay $0x4  }
0x105: {  	[tilespmem:v1+s24+$0x0] =	vst.idx.msk $0xffff, v63;
	v1 =	vor.u32 $0x20B, v0  }
0x106: {  	v63 =	vld [tilespmem:s5+$0x5A0];
	v1 =	vor.u32 s5, v1;
	_ =	sdelay $0x4  }
0x107: {  	[tilespmem:v1+s24+$0x0] =	vst.idx.msk $0xffff, v63;
	v1 =	vor.u32 $0x30B, v0  }
0x108: {  	v63 =	vld [tilespmem:s5+$0x5B0];
	v1 =	vor.u32 s5, v1;
	_ =	sdelay $0x4  }
0x109: {  	[tilespmem:v1+s24+$0x0] =	vst.idx.msk $0xffff, v63;
	v1 =	vor.u32 $0x40B, v0  }
0x10a: {  	v63 =	vld [tilespmem:s5+$0x5C0];
	v1 =	vor.u32 s5, v1;
	_ =	sdelay $0x4  }
0x10b: {  	[tilespmem:v1+s24+$0x0] =	vst.idx.msk $0xffff, v63;
	v1 =	vor.u32 $0x50B, v0  }
0x10c: {  	v63 =	vld [tilespmem:s5+$0x5D0];
	v1 =	vor.u32 s5, v1;
	_ =	sdelay $0x4  }
0x10d: {  	[tilespmem:v1+s24+$0x0] =	vst.idx.msk $0xffff, v63;
	v1 =	vor.u32 $0x60B, v0  }
0x10e: {  	v63 =	vld [tilespmem:s5+$0x5E0];
	v1 =	vor.u32 s5, v1;
	_ =	sdelay $0x4  }
0x10f: {  	[tilespmem:v1+s24+$0x0] =	vst.idx.msk $0xffff, v63;
	v1 =	vor.u32 $0x70B, v0  }
0x110: {  	v63 =	vld [tilespmem:s5+$0x5F0];
	v1 =	vor.u32 s5, v1;
	_ =	sdelay $0x4  }
0x111: {  	[tilespmem:v1+s24+$0x0] =	vst.idx.msk $0xffff, v63;
	v1 =	vor.u32 $0xC, v0  }
0x112: {  	v63 =	vld [tilespmem:s5+$0x600];
	v1 =	vor.u32 s5, v1;
	_ =	sdelay $0x4  }
0x113: {  	[tilespmem:v1+s24+$0x0] =	vst.idx.msk $0xffff, v63;
	v1 =	vor.u32 $0x10C, v0  }
0x114: {  	v63 =	vld [tilespmem:s5+$0x610];
	v1 =	vor.u32 s5, v1;
	_ =	sdelay $0x4  }
0x115: {  	[tilespmem:v1+s24+$0x0] =	vst.idx.msk $0xffff, v63;
	v1 =	vor.u32 $0x20C, v0  }
0x116: {  	v63 =	vld [tilespmem:s5+$0x620];
	v1 =	vor.u32 s5, v1;
	_ =	sdelay $0x4  }
0x117: {  	[tilespmem:v1+s24+$0x0] =	vst.idx.msk $0xffff, v63;
	v1 =	vor.u32 $0x30C, v0  }
0x118: {  	v63 =	vld [tilespmem:s5+$0x630];
	v1 =	vor.u32 s5, v1;
	_ =	sdelay $0x4  }
0x119: {  	[tilespmem:v1+s24+$0x0] =	vst.idx.msk $0xffff, v63;
	v1 =	vor.u32 $0x40C, v0  }
0x11a: {  	v63 =	vld [tilespmem:s5+$0x640];
	v1 =	vor.u32 s5, v1;
	_ =	sdelay $0x4  }
0x11b: {  	[tilespmem:v1+s24+$0x0] =	vst.idx.msk $0xffff, v63;
	v1 =	vor.u32 $0x50C, v0  }
0x11c: {  	v63 =	vld [tilespmem:s5+$0x650];
	v1 =	vor.u32 s5, v1;
	_ =	sdelay $0x4  }
0x11d: {  	[tilespmem:v1+s24+$0x0] =	vst.idx.msk $0xffff, v63;
	v1 =	vor.u32 $0x60C, v0  }
0x11e: {  	v63 =	vld [tilespmem:s5+$0x660];
	v1 =	vor.u32 s5, v1;
	_ =	sdelay $0x4  }
0x11f: {  	[tilespmem:v1+s24+$0x0] =	vst.idx.msk $0xffff, v63;
	v1 =	vor.u32 $0x70C, v0  }
0x120: {  	v63 =	vld [tilespmem:s5+$0x670];
	v1 =	vor.u32 s5, v1;
	_ =	sdelay $0x4  }
0x121: {  	[tilespmem:v1+s24+$0x0] =	vst.idx.msk $0xffff, v63;
	v1 =	vor.u32 $0xD, v0  }
0x122: {  	v63 =	vld [tilespmem:s5+$0x680];
	v1 =	vor.u32 s5, v1;
	_ =	sdelay $0x4  }
0x123: {  	[tilespmem:v1+s24+$0x0] =	vst.idx.msk $0xffff, v63;
	v1 =	vor.u32 $0x10D, v0  }
0x124: {  	v63 =	vld [tilespmem:s5+$0x690];
	v1 =	vor.u32 s5, v1;
	_ =	sdelay $0x4  }
0x125: {  	[tilespmem:v1+s24+$0x0] =	vst.idx.msk $0xffff, v63;
	v1 =	vor.u32 $0x20D, v0  }
0x126: {  	v63 =	vld [tilespmem:s5+$0x6A0];
	v1 =	vor.u32 s5, v1;
	_ =	sdelay $0x4  }
0x127: {  	[tilespmem:v1+s24+$0x0] =	vst.idx.msk $0xffff, v63;
	v1 =	vor.u32 $0x30D, v0  }
0x128: {  	v63 =	vld [tilespmem:s5+$0x6B0];
	v1 =	vor.u32 s5, v1;
	_ =	sdelay $0x4  }
0x129: {  	[tilespmem:v1+s24+$0x0] =	vst.idx.msk $0xffff, v63;
	v1 =	vor.u32 $0x40D, v0  }
0x12a: {  	v63 =	vld [tilespmem:s5+$0x6C0];
	v1 =	vor.u32 s5, v1;
	_ =	sdelay $0x4  }
0x12b: {  	[tilespmem:v1+s24+$0x0] =	vst.idx.msk $0xffff, v63;
	v1 =	vor.u32 $0x50D, v0  }
0x12c: {  	v63 =	vld [tilespmem:s5+$0x6D0];
	v1 =	vor.u32 s5, v1;
	_ =	sdelay $0x4  }
0x12d: {  	[tilespmem:v1+s24+$0x0] =	vst.idx.msk $0xffff, v63;
	v1 =	vor.u32 $0x60D, v0  }
0x12e: {  	v63 =	vld [tilespmem:s5+$0x6E0];
	v1 =	vor.u32 s5, v1;
	_ =	sdelay $0x4  }
0x12f: {  	[tilespmem:v1+s24+$0x0] =	vst.idx.msk $0xffff, v63;
	v1 =	vor.u32 $0x70D, v0  }
0x130: {  	v63 =	vld [tilespmem:s5+$0x6F0];
	v1 =	vor.u32 s5, v1;
	_ =	sdelay $0x4  }
0x131: {  	[tilespmem:v1+s24+$0x0] =	vst.idx.msk $0xffff, v63;
	v1 =	vor.u32 $0xE, v0  }
0x132: {  	v63 =	vld [tilespmem:s5+$0x700];
	v1 =	vor.u32 s5, v1;
	_ =	sdelay $0x4  }
0x133: {  	[tilespmem:v1+s24+$0x0] =	vst.idx.msk $0xffff, v63;
	v1 =	vor.u32 $0x10E, v0  }
0x134: {  	v63 =	vld [tilespmem:s5+$0x710];
	v1 =	vor.u32 s5, v1;
	_ =	sdelay $0x4  }
0x135: {  	[tilespmem:v1+s24+$0x0] =	vst.idx.msk $0xffff, v63;
	v1 =	vor.u32 $0x20E, v0  }
0x136: {  	v63 =	vld [tilespmem:s5+$0x720];
	v1 =	vor.u32 s5, v1;
	_ =	sdelay $0x4  }
0x137: {  	[tilespmem:v1+s24+$0x0] =	vst.idx.msk $0xffff, v63;
	v1 =	vor.u32 $0x30E, v0  }
0x138: {  	v63 =	vld [tilespmem:s5+$0x730];
	v1 =	vor.u32 s5, v1;
	_ =	sdelay $0x4  }
0x139: {  	[tilespmem:v1+s24+$0x0] =	vst.idx.msk $0xffff, v63;
	v1 =	vor.u32 $0x40E, v0  }
0x13a: {  	v63 =	vld [tilespmem:s5+$0x740];
	v1 =	vor.u32 s5, v1;
	_ =	sdelay $0x4  }
0x13b: {  	[tilespmem:v1+s24+$0x0] =	vst.idx.msk $0xffff, v63;
	v1 =	vor.u32 $0x50E, v0  }
0x13c: {  	v63 =	vld [tilespmem:s5+$0x750];
	v1 =	vor.u32 s5, v1;
	_ =	sdelay $0x4  }
0x13d: {  	[tilespmem:v1+s24+$0x0] =	vst.idx.msk $0xffff, v63;
	v1 =	vor.u32 $0x60E, v0  }
0x13e: {  	v63 =	vld [tilespmem:s5+$0x760];
	v1 =	vor.u32 s5, v1;
	_ =	sdelay $0x4  }
0x13f: {  	[tilespmem:v1+s24+$0x0] =	vst.idx.msk $0xffff, v63;
	v1 =	vor.u32 $0x70E, v0  }
0x140: {  	v63 =	vld [tilespmem:s5+$0x770];
	v1 =	vor.u32 s5, v1;
	_ =	sdelay $0x4  }
0x141: {  	[tilespmem:v1+s24+$0x0] =	vst.idx.msk $0xffff, v63;
	v1 =	vor.u32 $0xF, v0  }
0x142: {  	v63 =	vld [tilespmem:s5+$0x780];
	v1 =	vor.u32 s5, v1;
	_ =	sdelay $0x4  }
0x143: {  	[tilespmem:v1+s24+$0x0] =	vst.idx.msk $0xffff, v63;
	v1 =	vor.u32 $0x10F, v0  }
0x144: {  	v63 =	vld [tilespmem:s5+$0x790];
	v1 =	vor.u32 s5, v1;
	_ =	sdelay $0x4  }
0x145: {  	[tilespmem:v1+s24+$0x0] =	vst.idx.msk $0xffff, v63;
	v1 =	vor.u32 $0x20F, v0  }
0x146: {  	v63 =	vld [tilespmem:s5+$0x7A0];
	v1 =	vor.u32 s5, v1;
	_ =	sdelay $0x4  }
0x147: {  	[tilespmem:v1+s24+$0x0] =	vst.idx.msk $0xffff, v63;
	v1 =	vor.u32 $0x30F, v0  }
0x148: {  	v63 =	vld [tilespmem:s5+$0x7B0];
	v1 =	vor.u32 s5, v1;
	_ =	sdelay $0x4  }
0x149: {  	[tilespmem:v1+s24+$0x0] =	vst.idx.msk $0xffff, v63;
	v1 =	vor.u32 $0x40F, v0  }
0x14a: {  	v63 =	vld [tilespmem:s5+$0x7C0];
	v1 =	vor.u32 s5, v1;
	_ =	sdelay $0x4  }
0x14b: {  	[tilespmem:v1+s24+$0x0] =	vst.idx.msk $0xffff, v63;
	v1 =	vor.u32 $0x50F, v0  }
0x14c: {  	v63 =	vld [tilespmem:s5+$0x7D0];
	v1 =	vor.u32 s5, v1;
	_ =	sdelay $0x4  }
0x14d: {  	[tilespmem:v1+s24+$0x0] =	vst.idx.msk $0xffff, v63;
	v1 =	vor.u32 $0x60F, v0  }
0x14e: {  	v63 =	vld [tilespmem:s5+$0x7E0];
	v1 =	vor.u32 s5, v1;
	_ =	sdelay $0x4  }
0x14f: {  	[tilespmem:v1+s24+$0x0] =	vst.idx.msk $0xffff, v63;
	v1 =	vor.u32 $0x70F, v0  }
0x150: {  	v63 =	vld [tilespmem:s5+$0x7F0];
	v1 =	vor.u32 s5, v1;
	_ =	sdelay $0x3  }
.Ltmp5:
0x151: {  	_ = 	snop;
	(pc) =	sbr.rel .LBB2_4-.Ltmp5, $4  }
0x152: {  	s6 =	sadd.s32 $0x9, s23;
	s23 =	sor.u32 $0x4000, s5;
	p0 =	sgt.u32 s3, $0x1D84;
	[tilespmem:v1+s24+$0x0] =	vst.idx.msk $0xffff, v63  }
0x153: {  	[hbm4b:s14+s2] =	stream.linear.scatter [tilespmem:s23], [sflag:s6], $0x800, $0x38;
	[tilespmem:$0x8000] =	vst v63  }
0x154: {  	s6 =	simm.s32 @!p0 $0x400;
	s23 =	simm.s32 @!p0 $0x7A1400  }
0x155: {  	[tilespmem:s5], [sflag:s22] =	stream.strided.gather @!p0 [hbm4b:s12+s6], $0x800, s23, s6, $0x38;
	[tilespmem:$0x8000] =	vst v63  }
.LBB2_6:
0x156: {  	_ =	sfence.sel $0x180000  }
0x157: {  	[bflag:$0x0] =	sbarrier.arrive $0xFFFF  }
0x158: {  	_ =	strace $0x90000047  }
0x159: {  	s0 =	stileid.u32;
	[bflag:$0x2] =	sbarrier.arrive $0xFFFF  }
0x15a: {  	p0 =	sne.s32 s0, $0x0;
	s0 =	rddreg [dreg:$0x2]  }
0x15b: {  	s0 =	sadd.s32 @!p0 $0x100000, s0  }
0x15c: {  	[sflag:s0] =	ssyncadd.tile.s32 @!p0 $0x1;
	_ =	shalt  }
.Lfunc_end2:
_tile_overlayer_lowered:
.L_overlay_start_2:
0x15d: {  	(tag) =	ssettag $0x2  }
0x15e: {  	s0 =	rddreg [dreg:$0x0];
	s2 =	stileid.u32  }
0x15f: {  	s1 =	rddreg [dreg:$0x1];
	p0 =	sne.s32 s2, $0x0  }
0x160: {  	s3 =	rddreg [dreg:$0x2];
	[bflag:$0x3] =	sbarrier.arrive $0xFFFF;
	s2 =	simm.s32 @!p0 $0x1C11  }
0x161: {  	[timem:s3], [sflag:s2] =	dma.local @!p0 [hbm:s0], s1  }
0x162: {  	s0 =	simm.s32 @!p0 $0x11  }
0x163: {  	_ =	swait.ge @!p0 [sflag:s0], s1  }
0x164: {  	s1 =	ssub.s32 @!p0 $0x0, s1;
	[sflag:s0] =	ssyncset.done @!p0 $0x0  }
0x165: {  	[sflag:s0] =	ssyncadd.s32 @!p0 s1  }
0x166: {  	[bflag:$0x3] =	sbarrier.arrive $0xFFFF  }
0x167: {  	_ =	shalt  }

// kernel: kernel.8.cloned.1.call-start
scs
__scs_entry_jumppad:
0x0: {  	(pc) =	sbr.rel $0x88, $3  }
0x1: {  	(tag) =	ssettag $0x0;
	lr =	simm.s32 $0x1  }
0x2: {  	[smem:$0x3F93] =	sst lr;
	_ =	strace $0xD0000000  }
0x3: {  	_ = 	snop  }
0x4: {  	_ = 	snop  }
0x5: {  	_ = 	snop  }
0x6: {  	_ = 	snop  }
0x7: {  	_ = 	snop  }
__scs_overlays_trampoline_lowered:
0x8: {  	[smem:$0x3FA2] =	sst s0  }
0x9: {  	[smem:$0x3FA3] =	sst s1  }
0xa: {  	[smem:$0x3FA4] =	sst s2  }
0xb: {  	[smem:$0x3FA5] =	sst s3  }
0xc: {  	[smem:$0x3FA6] =	sst s4  }
0xd: {  	[smem:$0x3FA7] =	sst s5  }
0xe: {  	[smem:$0x3FA8] =	sst s6  }
0xf: {  	[smem:$0x3FA9] =	sst s7  }
0x10: {  	[smem:$0x3FAA] =	sst s8  }
0x11: {  	[smem:$0x3FAB] =	sst s9;
	s0 =	simm.s32 @!p0 $0x0  }
0x12: {  	s1 =	sld [smem:$0x3F91];
	s0 =	simm.s32 @p0 $0x1  }
0x13: {  	[smem:$0x3FAC] =	sst s0;
	s0 =	simm.s32 @!p1 $0x0  }
0x14: {  	s2 =	sld [smem:$0x3F90];
	s0 =	simm.s32 @p1 $0x1  }
0x15: {  	[smem:$0x3FAD] =	sst s0;
	s0 =	simm.s32 @!p2 $0x0  }
0x16: {  	s3 =	sld [smem:$0x3FDB];
	s0 =	simm.s32 @p2 $0x1  }
0x17: {  	s4 =	simm.s32 $0x1BF5;
	[smem:$0x3FAF] =	sst s0  }
0x18: {  	s0 =	sld [smem:$0x3F92];
	_ =	swait.ge [sflag:s4], $0x0  }
0x19: {  	s7 =	sld [smem:$0x3F93]  }
0x1a: {  	s8 =	sadd.s32 $0xFFFFE003, lr  }
0x1b: {  	s9 =	sadd.s32 $0xFFFFFEF7, lr;
	s5 =	simm.s32 $0xFFFFFFFF;
	p2 =	slt.u32 s8, $0xFFFFF086  }
0x1c: {  	p1 =	slt.u32 s9, $0xF7A;
	s5 =	simm.s32 @!p2 $0x0  }
0x1d: {  	s5 =	simm.s32 @p1 $0x1;
	p0 =	seq.s32 s7, s2  }
0x1e: {  	s7 =	smul.u32 @!p0 $0xF7A, s2;
	p2 =	seq.s32 @!p0 s5, $0x0  }
0x1f: {  	s9 =	smul.u32 $0xF7A, s1;
	s8 =	simm.s32 @!p0 $0x1BF5;
	p2 =	por !p2, p0  }
0x20: {  	[sflag:s8] =	ssyncset.s32 @!p0 $0xFFFFF086;
	s6 =	sadd.s32 @!p0 s3, s7;
	s7 =	simm.s32 @!p0 $0x108  }
0x21: {  	s3 =	sadd.s32 s3, s9;
	s6 =	sadd.s32 @!p0 $0x88, s6;
	s7 =	simm.s32 @p2 $0x1082  }
0x22: {  	[simem:s7], [sflag:s8] =	dma.local @!p0 [hbm:s6], $0xF7A  }
0x23: {  	s9 =	sor.u32 $0xD0000000, s2;
	s6 =	simm.s32 $0x108;
	_ =	swait.ge @!p0 [sflag:s8], $0x0  }
0x24: {  	s3 =	sadd.s32 $0x88, s3;
	s6 =	simm.s32 @!p1 $0x1082;
	[sflag:s4] =	ssyncset.s32 $0xFFFFF086  }
0x25: {  	[simem:s6], [sflag:s4] =	dma.local [hbm:s3], $0xF7A  }
0x26: {  	[smem:$0x3F93] =	sst s1;
	(tag) =	ssettag s2;
	_ =	strace s9  }
0x27: {  	s1 =	sld [smem:$0x3FA3]  }
0x28: {  	s2 =	sld [smem:$0x3FA4]  }
0x29: {  	s4 =	sld [smem:$0x3FA6]  }
0x2a: {  	p0 =	seq.s32 s5, $0x0;
	s5 =	sld [smem:$0x3FA7]  }
0x2b: {  	s6 =	sld [smem:$0x3FA8]  }
0x2c: {  	s7 =	sld [smem:$0x3FA9]  }
0x2d: {  	s3 =	simm.s32 $0x108;
	s8 =	sld [smem:$0x3FAA]  }
0x2e: {  	s3 =	simm.s32 @!p0 $0x1082;
	s9 =	sld [smem:$0x3FAB]  }
0x2f: {  	lr =	sadd.s32 s0, s3;
	s0 =	sld [smem:$0x3FA2]  }
0x30: {  	s3 =	sld [smem:$0x3FA5]  }
0x31: {  	[smem:$0x3FAE] =	sst s10  }
0x32: {  	s10 =	sld [smem:$0x3FAC];
	_ =	sdelay $0x3  }
0x33: {  	p0 =	seq.s32 s10, $0x1;
	s10 =	sld [smem:$0x3FAE];
	_ =	sdelay $0x3  }
0x34: {  	[smem:$0x3FAE] =	sst s10  }
0x35: {  	s10 =	sld [smem:$0x3FAD];
	_ =	sdelay $0x3  }
0x36: {  	p1 =	seq.s32 s10, $0x1;
	s10 =	sld [smem:$0x3FAE];
	_ =	sdelay $0x3  }
0x37: {  	[smem:$0x3FAE] =	sst s10  }
0x38: {  	s10 =	sld [smem:$0x3FAF]  }
0x39: {  	_ = 	snop;
	(pc) =	sbr.ind lr, $3  }
0x3a: {  	_ = 	snop  }
0x3b: {  	_ = 	snop  }
0x3c: {  	p2 =	seq.s32 s10, $0x1;
	s10 =	sld [smem:$0x3FAE]  }
0x3d: {  	_ =	shalt  }
0x3e: {  	_ =	shalt  }
0x3f: {  	_ =	shalt  }
0x40: {  	_ =	shalt  }
0x41: {  	_ =	shalt  }
0x42: {  	_ =	shalt  }
0x43: {  	_ =	shalt  }
0x44: {  	_ =	shalt  }
0x45: {  	_ =	shalt  }
0x46: {  	_ =	shalt  }
0x47: {  	_ =	shalt  }
0x48: {  	_ =	shalt  }
0x49: {  	_ =	shalt  }
0x4a: {  	_ =	shalt  }
0x4b: {  	_ =	shalt  }
0x4c: {  	_ =	shalt  }
0x4d: {  	_ =	shalt  }
0x4e: {  	_ =	shalt  }
0x4f: {  	_ =	shalt  }
0x50: {  	_ =	shalt  }
0x51: {  	_ =	shalt  }
0x52: {  	_ =	shalt  }
0x53: {  	_ =	shalt  }
0x54: {  	_ =	shalt  }
0x55: {  	_ =	shalt  }
0x56: {  	_ =	shalt  }
0x57: {  	_ =	shalt  }
0x58: {  	_ =	shalt  }
0x59: {  	_ =	shalt  }
0x5a: {  	_ =	shalt  }
0x5b: {  	_ =	shalt  }
0x5c: {  	_ =	shalt  }
0x5d: {  	_ =	shalt  }
0x5e: {  	_ =	shalt  }
0x5f: {  	_ =	shalt  }
0x60: {  	_ =	shalt  }
0x61: {  	_ =	shalt  }
0x62: {  	_ =	shalt  }
0x63: {  	_ =	shalt  }
0x64: {  	_ =	shalt  }
0x65: {  	_ =	shalt  }
0x66: {  	_ =	shalt  }
0x67: {  	_ =	shalt  }
0x68: {  	_ =	shalt  }
0x69: {  	_ =	shalt  }
0x6a: {  	_ =	shalt  }
0x6b: {  	_ =	shalt  }
0x6c: {  	_ =	shalt  }
0x6d: {  	_ =	shalt  }
0x6e: {  	_ =	shalt  }
0x6f: {  	_ =	shalt  }
0x70: {  	_ =	shalt  }
0x71: {  	_ =	shalt  }
0x72: {  	_ =	shalt  }
0x73: {  	_ =	shalt  }
0x74: {  	_ =	shalt  }
0x75: {  	_ =	shalt  }
0x76: {  	_ =	shalt  }
0x77: {  	_ =	shalt  }
0x78: {  	_ =	shalt  }
0x79: {  	_ =	shalt  }
0x7a: {  	_ =	shalt  }
0x7b: {  	_ =	shalt  }
0x7c: {  	_ =	shalt  }
0x7d: {  	_ =	shalt  }
0x7e: {  	_ =	shalt  }
0x7f: {  	_ =	shalt  }
0x80: {  	_ =	shalt  }
0x81: {  	_ =	shalt  }
0x82: {  	_ =	shalt  }
0x83: {  	_ =	shalt  }
0x84: {  	_ =	shalt  }
0x85: {  	_ =	shalt  }
0x86: {  	_ =	shalt  }
0x87: {  	_ =	shalt  }
.Lfunc_end0:
.L_simem_size_0:
called_computation.1_lowered:
.L_overlay_start_0:
0x88: {  	s2 =	sld [smem:$0x3FD9]  }
0x89: {  	s3 =	sld [smem:$0x3FFE];
	_ =	sdelay $0x1  }
0x8a: {  	s1 =	srdreg.scid  }
0x8b: {  	s0 =	sand.u32 $0x1, s1  }
0x8c: {  	s16 =	sshll.u32 s0, $0xA;
	s2 =	sadd.s32 s3, s2  }
0x8d: {  	s2 =	sadd.s32 s2, s16  }
0x8e: {  	[smem:$0x3FBA] =	sst s2  }
0x8f: {  	_ = 	snop  }
0x90: {  	(tm) =	ssettm $0x1  }
0x91: {  	s17 =	sld [smem:$0x3FFB];
	_ =	sdelay $0x3  }
0x92: {  	_ =	strace s17  }
0x93: {  	s2 =	sld [smem:$0x3FFC];
	_ =	sdelay $0x3  }
0x94: {  	_ =	strace s2  }
0x95: {  	s2 =	sld [smem:$0x3FFD];
	_ =	sdelay $0x3  }
0x96: {  	_ =	strace s2  }
0x97: {  	_ =	strace $0x8FFFFFFF  }
0x98: {  	s18 =	sld [smem:$0x3FDB];
	_ =	sdelay $0x1  }
0x99: {  	s19 =	simm.s32 $_scs_section_size  }
0x9a: {  	s4 =	simm.s32 $_size__tile_overlayer_lowered;
	s5 =	simm.s32 $_tile_overlayer_lowered  }
0x9b: {  	s22 =	simm.s32 $0x1BFF;
	s21 =	sshll.u32 s5, $0x1;
	s2 =	sadd.s32 s19, s18  }
0x9c: {  	s6 =	simm.s32 $0x0;
	s20 =	sshll.u32 s4, $0x1;
	s4 =	sadd.s32 s21, s2  }
0x9d: {  	[timem:s6], [sflag:s22] =	dma.local [hbm:s4], s20  }
0x9e: {  	_ =	swait.ge [sflag:s22], s20  }
0x9f: {  	s3 =	ssub.s32 $0x0, s20;
	[sflag:s22] =	ssyncset.done $0x0  }
0xa0: {  	[sflag:s22] =	ssyncadd.s32 s3;
	_ =	sdelay $0x1  }
0xa1: {  	s23 =	simm.s32 $0x1B8B  }
0xa2: {  	_ =	swait.ge [sflag:s23], $0x1  }
0xa3: {  	[sflag:s23] =	ssyncset.done $0x0  }
0xa4: {  	s25 =	simm.s32 $0x1B8E;
	s24 =	sld [smem:$0x3FFE];
	[sflag:s23] =	ssyncadd.s32 $0xFFFFFFFF  }
0xa5: {  	s26 =	simm.s32 $execute0_lowered;
	[smem:$0x3FD2] =	sst s25  }
0xa6: {  	s4 =	sshll.u32 s26, $0x1;
	_ =	strace $0x80000049;
	[dreg:$0x1] =	wrdreg $0xFFFFFFFF  }
0xa7: {  	s28 =	simm.s32 $_size_execute0_lowered;
	s2 =	sadd.s32 s2, s4;
	[dreg:$0x0] =	wrdreg $0x0  }
0xa8: {  	s4 =	sshll.u32 s28, $0x1;
	[dreg:$0x2] =	wrdreg s2  }
0xa9: {  	[dreg:$0x3] =	wrdreg s4  }
0xaa: {  	[dreg:$0x4] =	wrdreg $0xC0  }
0xab: {  	_ =	task [dreg:s6], $0x5FFFF  }
0xac: {  	[dreg:$0x1] =	wrdreg $0xFFFFFFFF  }
0xad: {  	[dreg:$0x0] =	wrdreg $0x60  }
0xae: {  	[dreg:$0x2] =	wrdreg s24  }
0xaf: {  	[dreg:$0x3] =	wrdreg $0x9  }
0xb0: {  	_ =	task.clear_ibuf [dreg:s6], $0x4FFFF;
	_ =	strace $0x90000049  }
0xb1: {  	s29 =	simm.s32 $0x9;
	_ =	strace $0x8000004B  }
0xb2: {  	_ =	swait.ge [sflag:s29], $0x1  }
0xb3: {  	[sflag:s29] =	ssyncadd.s32 $0xFFFFFFFF  }
0xb4: {  	_ =	strace $0x9000004B  }
0xb5: {  	_ =	sfence  }
0xb6: {  	s30 =	sld [smem:$0x0];
	_ =	sdelay $0x2  }
0xb7: {  	s31 =	sshll.u32 s1, $0xD;
	s1 =	sshrl.u32 s1, $0x2  }
0xb8: {  	s3 =	sand.u32 $0x4000, s31;
	s1 =	sadd.s32 s1, s30  }
0xb9: {  	s0 =	sor.u32 s3, s0;
	s1 =	sshll.u32 s1, $0x11  }
0xba: {  	s0 =	sor.u32 s1, s0  }
0xbb: {  	s0 =	sadd.s32 $0x8F2B, s0  }
0xbc: {  	[sflag:s0] =	ssyncadd.remote.s32 $0x1  }
0xbd: {  	_ =	sfence.sel $0xFFFF  }
0xbe: {  	[dreg:$0x0] =	wrdreg $0xFFFFFFFF;
	(pc) =	sbr.abs _section_cstart, $3  }
0xbf: {  	[dreg:$0x1] =	wrdreg $0xFFFFFFFF  }
0xc0: {  	_ =	task.clear_ibuf [dreg:s6], $0x2FFFF;
	_ =	strace $0x9FFFFFFF  }
0xc1: {  	(tm) =	ssettm $0x7FFFFFFF  }
tec
execute0_lowered:
.L_overlay_start_1:
0x0: {  	(tag) =	ssettag $0x1  }
0x1: {  	s2 =	stileid.u32  }
0x2: {  	s4 =	rddreg [dreg:$0x0];
	s22 =	sshll.u32 s2, $0x1;
	s2 =	simm.s32 $0x0  }
0x3: {  	s23 =	simm.s32 $0x1480;
	[smem:$0x7FF] =	sst s2  }
0x4: {  	s24 =	simm.s32 $0x100;
	_ =	strace $0x8000004A;
	[dreg:$0x4] =	wrdreg s23  }
0x5: {  	s25 =	simm.s32 $0x1C80;
	[dreg:$0x5] =	wrdreg s24  }
0x6: {  	s26 =	simm.s32 $0x180;
	[dreg:$0x6] =	wrdreg s25  }
0x7: {  	s5 =	simm.s32 $0x200;
	[dreg:$0x7] =	wrdreg s26  }
0x8: {  	s6 =	simm.s32 $0x2C80;
	[dreg:$0x9] =	wrdreg s5  }
0x9: {  	s7 =	simm.s32 $0x280;
	[dreg:$0xa] =	wrdreg s6  }
0xa: {  	s8 =	simm.s32 $0x3480;
	[dreg:$0xb] =	wrdreg s7  }
0xb: {  	s9 =	simm.s32 $0x300;
	[dreg:$0xc] =	wrdreg s8  }
0xc: {  	s10 =	simm.s32 $0x3C80;
	[dreg:$0xd] =	wrdreg s9  }
0xd: {  	s11 =	simm.s32 $0x380;
	[dreg:$0xe] =	wrdreg s10  }
0xe: {  	s12 =	simm.s32 $0x4480;
	[dreg:$0xf] =	wrdreg s11  }
0xf: {  	s13 =	simm.s32 $0x400;
	[dreg:$0x10] =	wrdreg s12  }
0x10: {  	s14 =	simm.s32 $0x4C80;
	[dreg:$0x11] =	wrdreg s13  }
0x11: {  	s15 =	simm.s32 $0x480;
	[dreg:$0x12] =	wrdreg s14  }
0x12: {  	s16 =	simm.s32 $0x5480;
	[dreg:$0x13] =	wrdreg s15  }
0x13: {  	s17 =	simm.s32 $0x500;
	[dreg:$0x14] =	wrdreg s16  }
0x14: {  	s0 =	srdreg.scid;
	s18 =	simm.s32 $0x5C80;
	[dreg:$0x15] =	wrdreg s17  }
0x15: {  	s19 =	simm.s32 $0x580;
	s1 =	sand.u32 $0x1, s0;
	[dreg:$0x16] =	wrdreg s18  }
0x16: {  	s20 =	simm.s32 $0x6480;
	s0 =	sor.u32 s1, s22;
	[dreg:$0x17] =	wrdreg s19  }
0x17: {  	s21 =	simm.s32 $0x600;
	s3 =	smul.u32 $0x190, s0;
	[dreg:$0x18] =	wrdreg s20  }
0x18: {  	s22 =	simm.s32 $0x6C80;
	s0 =	smul.u32 $0x1900, s0;
	[dreg:$0x19] =	wrdreg s21  }
0x19: {  	[dreg:$0x1a] =	wrdreg s22;
	s23 =	simm.s32 $0x680;
	s3 =	sadd.s32 s3, s4  }
0x1a: {  	[dreg:$0x1b] =	wrdreg s23;
	s0 =	sadd.s32 s0, s4;
	s3 =	sadd.s32 $0x1EAC00, s3  }
0x1b: {  	s0 =	sadd.s32 $0x1EDE00, s0;
	[dreg:$0x2] =	wrdreg s3  }
0x1c: {  	[dreg:$0x3] =	wrdreg s0;
	s3 =	simm.s32 $0x2480  }
0x1d: {  	[dreg:$0x8] =	wrdreg s3  }
0x1e: {  	s5 =	rddreg [dreg:$0x2];
	s3 =	simm.s32 $0x2  }
0x1f: {  	[tilespmem:s2], [sflag:$0x2] =	stream.linear.gather [hbm4b:s5+s2], $0xC80, $0x38;
	[tilespmem:$0xD480] =	vst v63  }
0x20: {  	_ =	swait.ge [sflag:s3], $0xC80  }
0x21: {  	s0 =	rddreg [dreg:$0x1a]  }
0x22: {  	s7 =	rddreg [dreg:$0x18]  }
0x23: {  	s8 =	rddreg [dreg:$0x16]  }
0x24: {  	s9 =	rddreg [dreg:$0x14]  }
0x25: {  	s10 =	rddreg [dreg:$0x12]  }
0x26: {  	s11 =	rddreg [dreg:$0x10]  }
0x27: {  	s12 =	rddreg [dreg:$0xe]  }
0x28: {  	s13 =	rddreg [dreg:$0xc]  }
0x29: {  	s6 =	simm.s32 $0x80;
	s14 =	rddreg [dreg:$0xa]  }
0x2a: {  	s5 =	sadd.s32 $0x2600, s4;
	s15 =	rddreg [dreg:$0x5];
	[sflag:s3] =	ssyncset.done $0x0  }
0x2b: {  	s4 =	simm.s32 $0xC80;
	s16 =	rddreg [dreg:$0x4];
	[sflag:s3] =	ssyncadd.s32 $0xFFFFF380  }
0x2c: {  	[tilespmem:s4], [sflag:$0x1] =	stream.indirect.gather [hbm4b:s5+s6], $0x10, s2, s6, $0xb8;
	[tilespmem:$0xD480] =	vst v63  }
0x2d: {  	s17 =	rddreg [dreg:$0x6]  }
0x2e: {  	[tilespmem:s16], [sflag:$0x1] =	stream.indirect.gather [hbm4b:s5+s6], $0x10, s6, s6, $0xb8;
	[tilespmem:$0xD480] =	vst v63  }
0x2f: {  	s18 =	rddreg [dreg:$0x8]  }
0x30: {  	[tilespmem:s17], [sflag:$0x1] =	stream.indirect.gather [hbm4b:s5+s6], $0x10, s15, s6, $0xb8;
	[tilespmem:$0xD480] =	vst v63  }
0x31: {  	s24 =	rddreg [dreg:$0x7]  }
0x32: {  	[tilespmem:s18], [sflag:$0x1] =	stream.indirect.gather [hbm4b:s5+s6], $0x10, s24, s6, $0xb8;
	[tilespmem:$0xD480] =	vst v63  }
0x33: {  	s25 =	rddreg [dreg:$0x9]  }
0x34: {  	[tilespmem:s14], [sflag:$0x1] =	stream.indirect.gather [hbm4b:s5+s6], $0x10, s25, s6, $0xb8;
	[tilespmem:$0xD480] =	vst v63  }
0x35: {  	s26 =	rddreg [dreg:$0xb]  }
0x36: {  	[tilespmem:s13], [sflag:$0x1] =	stream.indirect.gather [hbm4b:s5+s6], $0x10, s26, s6, $0xb8;
	[tilespmem:$0xD480] =	vst v63  }
0x37: {  	s15 =	rddreg [dreg:$0xd]  }
0x38: {  	[tilespmem:s12], [sflag:$0x1] =	stream.indirect.gather [hbm4b:s5+s6], $0x10, s15, s6, $0xb8;
	[tilespmem:$0xD480] =	vst v63  }
0x39: {  	s17 =	rddreg [dreg:$0xf]  }
0x3a: {  	[tilespmem:s11], [sflag:$0x1] =	stream.indirect.gather [hbm4b:s5+s6], $0x10, s17, s6, $0xb8;
	[tilespmem:$0xD480] =	vst v63  }
0x3b: {  	s18 =	rddreg [dreg:$0x11]  }
0x3c: {  	[tilespmem:s10], [sflag:$0x1] =	stream.indirect.gather [hbm4b:s5+s6], $0x10, s18, s6, $0xb8;
	[tilespmem:$0xD480] =	vst v63  }
0x3d: {  	s19 =	rddreg [dreg:$0x13]  }
0x3e: {  	[tilespmem:s9], [sflag:$0x1] =	stream.indirect.gather [hbm4b:s5+s6], $0x10, s19, s6, $0xb8;
	[tilespmem:$0xD480] =	vst v63  }
0x3f: {  	s20 =	rddreg [dreg:$0x15]  }
0x40: {  	[tilespmem:s8], [sflag:$0x1] =	stream.indirect.gather [hbm4b:s5+s6], $0x10, s20, s6, $0xb8;
	[tilespmem:$0xD480] =	vst v63  }
0x41: {  	s21 =	rddreg [dreg:$0x17]  }
0x42: {  	[tilespmem:s7], [sflag:$0x1] =	stream.indirect.gather [hbm4b:s5+s6], $0x10, s21, s6, $0xb8;
	[tilespmem:$0xD480] =	vst v63  }
0x43: {  	s22 =	rddreg [dreg:$0x19]  }
0x44: {  	[tilespmem:s0], [sflag:$0x1] =	stream.indirect.gather [hbm4b:s5+s6], $0x10, s22, s6, $0xb8;
	[tilespmem:$0xD480] =	vst v63  }
0x45: {  	s23 =	rddreg [dreg:$0x1b];
	s24 =	simm.s32 $0x7480  }
0x46: {  	[tilespmem:s24], [sflag:$0x1] =	stream.indirect.gather [hbm4b:s5+s6], $0x10, s23, s6, $0xb8;
	[tilespmem:$0xD480] =	vst v63  }
0x47: {  	s25 =	simm.s32 $0x700;
	s26 =	simm.s32 $0x7C80  }
0x48: {  	[tilespmem:s26], [sflag:$0x1] =	stream.indirect.gather [hbm4b:s5+s6], $0x10, s25, s6, $0xb8;
	[tilespmem:$0xD480] =	vst v63  }
0x49: {  	s9 =	simm.s32 $0x8480;
	s8 =	simm.s32 $0x780  }
0x4a: {  	[tilespmem:s9], [sflag:$0x1] =	stream.indirect.gather [hbm4b:s5+s6], $0x10, s8, s6, $0xb8;
	[tilespmem:$0xD480] =	vst v63  }
0x4b: {  	s11 =	simm.s32 $0x8C80;
	s10 =	simm.s32 $0x800  }
0x4c: {  	[tilespmem:s11], [sflag:$0x1] =	stream.indirect.gather [hbm4b:s5+s6], $0x10, s10, s6, $0xb8;
	[tilespmem:$0xD480] =	vst v63  }
0x4d: {  	s13 =	simm.s32 $0x9480;
	s12 =	simm.s32 $0x880  }
0x4e: {  	[tilespmem:s13], [sflag:$0x1] =	stream.indirect.gather [hbm4b:s5+s6], $0x10, s12, s6, $0xb8;
	[tilespmem:$0xD480] =	vst v63  }
0x4f: {  	s14 =	simm.s32 $0x900;
	s15 =	simm.s32 $0x9C80  }
0x50: {  	[tilespmem:s15], [sflag:$0x1] =	stream.indirect.gather [hbm4b:s5+s6], $0x10, s14, s6, $0xb8;
	[tilespmem:$0xD480] =	vst v63  }
0x51: {  	s16 =	simm.s32 $0x980;
	s17 =	simm.s32 $0xA480  }
0x52: {  	[tilespmem:s17], [sflag:$0x1] =	stream.indirect.gather [hbm4b:s5+s6], $0x10, s16, s6, $0xb8;
	[tilespmem:$0xD480] =	vst v63  }
0x53: {  	s20 =	simm.s32 $0xA00;
	s21 =	simm.s32 $0xAC80  }
0x54: {  	[tilespmem:s21], [sflag:$0x1] =	stream.indirect.gather [hbm4b:s5+s6], $0x10, s20, s6, $0xb8;
	[tilespmem:$0xD480] =	vst v63  }
0x55: {  	s22 =	simm.s32 $0xA80;
	s23 =	simm.s32 $0xB480  }
0x56: {  	[tilespmem:s23], [sflag:$0x1] =	stream.indirect.gather [hbm4b:s5+s6], $0x10, s22, s6, $0xb8;
	[tilespmem:$0xD480] =	vst v63  }
0x57: {  	s24 =	simm.s32 $0xB00;
	s26 =	simm.s32 $0xBC80  }
0x58: {  	[tilespmem:s26], [sflag:$0x1] =	stream.indirect.gather [hbm4b:s5+s6], $0x10, s24, s6, $0xb8;
	[tilespmem:$0xD480] =	vst v63  }
0x59: {  	s28 =	simm.s32 $0xB80;
	s29 =	simm.s32 $0xC480  }
0x5a: {  	[tilespmem:s29], [sflag:$0x1] =	stream.indirect.gather [hbm4b:s5+s6], $0x10, s28, s6, $0xb8;
	[tilespmem:$0xD480] =	vst v63  }
0x5b: {  	s30 =	simm.s32 $0xC00;
	s31 =	simm.s32 $0xCC80;
	s25 =	simm.s32 $0x1  }
0x5c: {  	[tilespmem:s31], [sflag:$0x1] =	stream.indirect.gather [hbm4b:s5+s6], $0x10, s30, s6, $0xb8;
	[tilespmem:$0xD480] =	vst v63  }
0x5d: {  	_ =	swait.ge [sflag:s25], $0x800  }
0x5e: {  	[sflag:s25] =	ssyncset.done $0x0  }
0x5f: {  	[sflag:s25] =	ssyncadd.s32 $0xFFFFF800  }
0x60: {  	_ =	swait.ge [sflag:s25], $0x800  }
0x61: {  	[sflag:s25] =	ssyncset.done $0x0  }
0x62: {  	[sflag:s25] =	ssyncadd.s32 $0xFFFFF800  }
0x63: {  	_ =	swait.ge [sflag:s25], $0x800  }
0x64: {  	[sflag:s25] =	ssyncset.done $0x0  }
0x65: {  	[sflag:s25] =	ssyncadd.s32 $0xFFFFF800  }
0x66: {  	_ =	swait.ge [sflag:s25], $0x800  }
0x67: {  	[sflag:s25] =	ssyncset.done $0x0  }
0x68: {  	[sflag:s25] =	ssyncadd.s32 $0xFFFFF800  }
0x69: {  	_ =	swait.ge [sflag:s25], $0x800  }
0x6a: {  	[sflag:s25] =	ssyncset.done $0x0  }
0x6b: {  	[sflag:s25] =	ssyncadd.s32 $0xFFFFF800  }
0x6c: {  	_ =	swait.ge [sflag:s25], $0x800  }
0x6d: {  	[sflag:s25] =	ssyncset.done $0x0  }
0x6e: {  	[sflag:s25] =	ssyncadd.s32 $0xFFFFF800  }
0x6f: {  	_ =	swait.ge [sflag:s25], $0x800  }
0x70: {  	[sflag:s25] =	ssyncset.done $0x0  }
0x71: {  	[sflag:s25] =	ssyncadd.s32 $0xFFFFF800  }
0x72: {  	_ =	swait.ge [sflag:s25], $0x800  }
0x73: {  	[sflag:s25] =	ssyncset.done $0x0  }
0x74: {  	[sflag:s25] =	ssyncadd.s32 $0xFFFFF800  }
0x75: {  	_ =	swait.ge [sflag:s25], $0x800  }
0x76: {  	[sflag:s25] =	ssyncset.done $0x0  }
0x77: {  	[sflag:s25] =	ssyncadd.s32 $0xFFFFF800  }
0x78: {  	_ =	swait.ge [sflag:s25], $0x800  }
0x79: {  	[sflag:s25] =	ssyncset.done $0x0  }
0x7a: {  	[sflag:s25] =	ssyncadd.s32 $0xFFFFF800  }
0x7b: {  	_ =	swait.ge [sflag:s25], $0x800  }
0x7c: {  	[sflag:s25] =	ssyncset.done $0x0  }
0x7d: {  	[sflag:s25] =	ssyncadd.s32 $0xFFFFF800  }
0x7e: {  	_ =	swait.ge [sflag:s25], $0x800  }
0x7f: {  	[sflag:s25] =	ssyncset.done $0x0  }
0x80: {  	[sflag:s25] =	ssyncadd.s32 $0xFFFFF800  }
0x81: {  	_ =	swait.ge [sflag:s25], $0x800  }
0x82: {  	[sflag:s25] =	ssyncset.done $0x0  }
0x83: {  	[sflag:s25] =	ssyncadd.s32 $0xFFFFF800  }
0x84: {  	_ =	swait.ge [sflag:s25], $0x800  }
0x85: {  	[sflag:s25] =	ssyncset.done $0x0  }
0x86: {  	[sflag:s25] =	ssyncadd.s32 $0xFFFFF800  }
0x87: {  	_ =	swait.ge [sflag:s25], $0x800  }
0x88: {  	[sflag:s25] =	ssyncset.done $0x0  }
0x89: {  	[sflag:s25] =	ssyncadd.s32 $0xFFFFF800  }
0x8a: {  	_ =	swait.ge [sflag:s25], $0x800  }
0x8b: {  	[sflag:s25] =	ssyncset.done $0x0  }
0x8c: {  	[sflag:s25] =	ssyncadd.s32 $0xFFFFF800  }
0x8d: {  	_ =	swait.ge [sflag:s25], $0x800  }
0x8e: {  	[sflag:s25] =	ssyncset.done $0x0  }
0x8f: {  	[sflag:s25] =	ssyncadd.s32 $0xFFFFF800  }
0x90: {  	_ =	swait.ge [sflag:s25], $0x800  }
0x91: {  	[sflag:s25] =	ssyncset.done $0x0  }
0x92: {  	[sflag:s25] =	ssyncadd.s32 $0xFFFFF800  }
0x93: {  	_ =	swait.ge [sflag:s25], $0x800  }
0x94: {  	[sflag:s25] =	ssyncset.done $0x0  }
0x95: {  	[sflag:s25] =	ssyncadd.s32 $0xFFFFF800  }
0x96: {  	_ =	swait.ge [sflag:s25], $0x800  }
0x97: {  	s18 =	ssub.s32 $0x2, s1;
	[sflag:s25] =	ssyncset.done $0x0  }
0x98: {  	s1 =	sshrl.u32 s18, $0x1;
	[sflag:s25] =	ssyncadd.s32 $0xFFFFF800  }
0x99: {  	s0 =	ssub.s32 s18, s1;
	_ =	swait.ge [sflag:s25], $0x800  }
0x9a: {  	s0 =	smax.u32 s0, $0x1;
	[sflag:s25] =	ssyncset.done $0x0  }
0x9b: {  	p0 =	sne.s32 s0, $0x1;
	[sflag:s25] =	ssyncadd.s32 $0xFFFFF800  }
.Ltmp0:
0x9c: {  	_ =	swait.ge [sflag:s25], $0x800;
	(pc) =	sbr.rel @!p0 .LBB2_2-.Ltmp0, $4  }
0x9d: {  	[sflag:s25] =	ssyncset.done $0x0  }
0x9e: {  	[sflag:s25] =	ssyncadd.s32 $0xFFFFF800  }
0x9f: {  	_ =	swait.ge [sflag:s25], $0x800  }
0xa0: {  	s19 =	simm.s32 $0xA480;
	s1 =	sadd.s32 $0xFFFFFFFF, s0;
	[sflag:s25] =	ssyncset.done $0x0  }
.LBB2_1:
0xa1: {  	[sflag:s25] =	ssyncadd.s32 $0xFFFFF800  }
0xa2: {  	_ =	swait.ge [sflag:s25], $0x800  }
0xa3: {  	[sflag:s25] =	ssyncset.done $0x0  }
0xa4: {  	[sflag:s25] =	ssyncadd.s32 $0xFFFFF800  }
0xa5: {  	_ =	swait.ge [sflag:s25], $0x800  }
0xa6: {  	[sflag:s25] =	ssyncset.done $0x0  }
0xa7: {  	s0 =	rddreg [dreg:$0x3];
	[sflag:s25] =	ssyncadd.s32 $0xFFFFF800  }
0xa8: {  	[hbm4b:s0+s2] =	stream.linear.scatter [tilespmem:s4], [sflag:$0x2], $0xC800, $0x38;
	[tilespmem:$0xD480] =	vst v63  }
0xa9: {  	_ =	swait.ge [sflag:s3], $0xC800  }
0xaa: {  	[sflag:s3] =	ssyncset.done $0x0  }
0xab: {  	s16 =	rddreg [dreg:$0x2];
	[sflag:s3] =	ssyncadd.s32 $0xFFFF3800  }
0xac: {  	[tilespmem:s2], [sflag:$0x2] =	stream.linear.gather [hbm4b:s16+s2], $0xC80, $0x38;
	[tilespmem:$0xD480] =	vst v63  }
0xad: {  	_ =	swait.ge [sflag:s3], $0xC80  }
0xae: {  	s0 =	rddreg [dreg:$0x1a]  }
0xaf: {  	s7 =	rddreg [dreg:$0x18]  }
0xb0: {  	s8 =	rddreg [dreg:$0x16]  }
0xb1: {  	s9 =	rddreg [dreg:$0x14]  }
0xb2: {  	s10 =	rddreg [dreg:$0x12]  }
0xb3: {  	s11 =	rddreg [dreg:$0x10]  }
0xb4: {  	s12 =	rddreg [dreg:$0xe]  }
0xb5: {  	s13 =	rddreg [dreg:$0xc]  }
0xb6: {  	s14 =	rddreg [dreg:$0xa]  }
0xb7: {  	s15 =	rddreg [dreg:$0x5];
	[sflag:s3] =	ssyncset.done $0x0  }
0xb8: {  	s16 =	rddreg [dreg:$0x4];
	[sflag:s3] =	ssyncadd.s32 $0xFFFFF380  }
0xb9: {  	[tilespmem:s4], [sflag:$0x1] =	stream.indirect.gather [hbm4b:s5+s6], $0x10, s2, s6, $0xb8;
	[tilespmem:$0xD480] =	vst v63  }
0xba: {  	s17 =	rddreg [dreg:$0x6]  }
0xbb: {  	[tilespmem:s16], [sflag:$0x1] =	stream.indirect.gather [hbm4b:s5+s6], $0x10, s6, s6, $0xb8;
	[tilespmem:$0xD480] =	vst v63  }
0xbc: {  	s18 =	rddreg [dreg:$0x8]  }
0xbd: {  	[tilespmem:s17], [sflag:$0x1] =	stream.indirect.gather [hbm4b:s5+s6], $0x10, s15, s6, $0xb8;
	[tilespmem:$0xD480] =	vst v63  }
0xbe: {  	s16 =	rddreg [dreg:$0x7]  }
0xbf: {  	[tilespmem:s18], [sflag:$0x1] =	stream.indirect.gather [hbm4b:s5+s6], $0x10, s16, s6, $0xb8;
	[tilespmem:$0xD480] =	vst v63  }
0xc0: {  	s17 =	rddreg [dreg:$0x9]  }
0xc1: {  	[tilespmem:s14], [sflag:$0x1] =	stream.indirect.gather [hbm4b:s5+s6], $0x10, s17, s6, $0xb8;
	[tilespmem:$0xD480] =	vst v63  }
0xc2: {  	s18 =	rddreg [dreg:$0xb]  }
0xc3: {  	[tilespmem:s13], [sflag:$0x1] =	stream.indirect.gather [hbm4b:s5+s6], $0x10, s18, s6, $0xb8;
	[tilespmem:$0xD480] =	vst v63  }
0xc4: {  	s15 =	rddreg [dreg:$0xd]  }
0xc5: {  	[tilespmem:s12], [sflag:$0x1] =	stream.indirect.gather [hbm4b:s5+s6], $0x10, s15, s6, $0xb8;
	[tilespmem:$0xD480] =	vst v63  }
0xc6: {  	s17 =	rddreg [dreg:$0xf]  }
0xc7: {  	[tilespmem:s11], [sflag:$0x1] =	stream.indirect.gather [hbm4b:s5+s6], $0x10, s17, s6, $0xb8;
	[tilespmem:$0xD480] =	vst v63  }
0xc8: {  	s18 =	rddreg [dreg:$0x11]  }
0xc9: {  	[tilespmem:s10], [sflag:$0x1] =	stream.indirect.gather [hbm4b:s5+s6], $0x10, s18, s6, $0xb8;
	[tilespmem:$0xD480] =	vst v63  }
0xca: {  	s13 =	rddreg [dreg:$0x13]  }
0xcb: {  	[tilespmem:s9], [sflag:$0x1] =	stream.indirect.gather [hbm4b:s5+s6], $0x10, s13, s6, $0xb8;
	[tilespmem:$0xD480] =	vst v63  }
0xcc: {  	s14 =	rddreg [dreg:$0x15]  }
0xcd: {  	[tilespmem:s8], [sflag:$0x1] =	stream.indirect.gather [hbm4b:s5+s6], $0x10, s14, s6, $0xb8;
	[tilespmem:$0xD480] =	vst v63  }
0xce: {  	s15 =	rddreg [dreg:$0x17]  }
0xcf: {  	[tilespmem:s7], [sflag:$0x1] =	stream.indirect.gather [hbm4b:s5+s6], $0x10, s15, s6, $0xb8;
	[tilespmem:$0xD480] =	vst v63  }
0xd0: {  	s16 =	rddreg [dreg:$0x19]  }
0xd1: {  	[tilespmem:s0], [sflag:$0x1] =	stream.indirect.gather [hbm4b:s5+s6], $0x10, s16, s6, $0xb8;
	[tilespmem:$0xD480] =	vst v63  }
0xd2: {  	s17 =	rddreg [dreg:$0x1b];
	s18 =	simm.s32 $0x7480  }
0xd3: {  	[tilespmem:s18], [sflag:$0x1] =	stream.indirect.gather [hbm4b:s5+s6], $0x10, s17, s6, $0xb8;
	[tilespmem:$0xD480] =	vst v63  }
0xd4: {  	s9 =	simm.s32 $0x7C80;
	s8 =	simm.s32 $0x700  }
0xd5: {  	[tilespmem:s9], [sflag:$0x1] =	stream.indirect.gather [hbm4b:s5+s6], $0x10, s8, s6, $0xb8;
	[tilespmem:$0xD480] =	vst v63  }
0xd6: {  	s11 =	simm.s32 $0x8480;
	s10 =	simm.s32 $0x780  }
0xd7: {  	[tilespmem:s11], [sflag:$0x1] =	stream.indirect.gather [hbm4b:s5+s6], $0x10, s10, s6, $0xb8;
	[tilespmem:$0xD480] =	vst v63  }
0xd8: {  	s12 =	simm.s32 $0x800;
	s13 =	simm.s32 $0x8C80  }
0xd9: {  	[tilespmem:s13], [sflag:$0x1] =	stream.indirect.gather [hbm4b:s5+s6], $0x10, s12, s6, $0xb8;
	[tilespmem:$0xD480] =	vst v63  }
0xda: {  	s14 =	simm.s32 $0x880;
	s15 =	simm.s32 $0x9480  }
0xdb: {  	[tilespmem:s15], [sflag:$0x1] =	stream.indirect.gather [hbm4b:s5+s6], $0x10, s14, s6, $0xb8;
	[tilespmem:$0xD480] =	vst v63  }
0xdc: {  	s16 =	simm.s32 $0x900;
	s17 =	simm.s32 $0x9C80  }
0xdd: {  	[tilespmem:s17], [sflag:$0x1] =	stream.indirect.gather [hbm4b:s5+s6], $0x10, s16, s6, $0xb8;
	[tilespmem:$0xD480] =	vst v63  }
0xde: {  	s18 =	simm.s32 $0x980  }
0xdf: {  	[tilespmem:s19], [sflag:$0x1] =	stream.indirect.gather [hbm4b:s5+s6], $0x10, s18, s6, $0xb8;
	[tilespmem:$0xD480] =	vst v63  }
0xe0: {  	_ = 	snop  }
0xe1: {  	[tilespmem:s21], [sflag:$0x1] =	stream.indirect.gather [hbm4b:s5+s6], $0x10, s20, s6, $0xb8;
	[tilespmem:$0xD480] =	vst v63  }
0xe2: {  	_ = 	snop  }
0xe3: {  	[tilespmem:s23], [sflag:$0x1] =	stream.indirect.gather [hbm4b:s5+s6], $0x10, s22, s6, $0xb8;
	[tilespmem:$0xD480] =	vst v63  }
0xe4: {  	_ = 	snop  }
0xe5: {  	[tilespmem:s26], [sflag:$0x1] =	stream.indirect.gather [hbm4b:s5+s6], $0x10, s24, s6, $0xb8;
	[tilespmem:$0xD480] =	vst v63  }
0xe6: {  	_ = 	snop  }
0xe7: {  	[tilespmem:s29], [sflag:$0x1] =	stream.indirect.gather [hbm4b:s5+s6], $0x10, s28, s6, $0xb8;
	[tilespmem:$0xD480] =	vst v63  }
0xe8: {  	_ = 	snop  }
0xe9: {  	[tilespmem:s31], [sflag:$0x1] =	stream.indirect.gather [hbm4b:s5+s6], $0x10, s30, s6, $0xb8;
	[tilespmem:$0xD480] =	vst v63  }
0xea: {  	_ =	swait.ge [sflag:s25], $0x800  }
0xeb: {  	[sflag:s25] =	ssyncset.done $0x0  }
0xec: {  	[sflag:s25] =	ssyncadd.s32 $0xFFFFF800  }
0xed: {  	_ =	swait.ge [sflag:s25], $0x800  }
0xee: {  	[sflag:s25] =	ssyncset.done $0x0  }
0xef: {  	[sflag:s25] =	ssyncadd.s32 $0xFFFFF800  }
0xf0: {  	_ =	swait.ge [sflag:s25], $0x800  }
0xf1: {  	[sflag:s25] =	ssyncset.done $0x0  }
0xf2: {  	[sflag:s25] =	ssyncadd.s32 $0xFFFFF800  }
0xf3: {  	_ =	swait.ge [sflag:s25], $0x800  }
0xf4: {  	[sflag:s25] =	ssyncset.done $0x0  }
0xf5: {  	[sflag:s25] =	ssyncadd.s32 $0xFFFFF800  }
0xf6: {  	_ =	swait.ge [sflag:s25], $0x800  }
0xf7: {  	[sflag:s25] =	ssyncset.done $0x0  }
0xf8: {  	[sflag:s25] =	ssyncadd.s32 $0xFFFFF800  }
0xf9: {  	_ =	swait.ge [sflag:s25], $0x800  }
0xfa: {  	[sflag:s25] =	ssyncset.done $0x0  }
0xfb: {  	[sflag:s25] =	ssyncadd.s32 $0xFFFFF800  }
0xfc: {  	_ =	swait.ge [sflag:s25], $0x800  }
0xfd: {  	[sflag:s25] =	ssyncset.done $0x0  }
0xfe: {  	[sflag:s25] =	ssyncadd.s32 $0xFFFFF800  }
0xff: {  	_ =	swait.ge [sflag:s25], $0x800  }
0x100: {  	[sflag:s25] =	ssyncset.done $0x0  }
0x101: {  	[sflag:s25] =	ssyncadd.s32 $0xFFFFF800  }
0x102: {  	_ =	swait.ge [sflag:s25], $0x800  }
0x103: {  	[sflag:s25] =	ssyncset.done $0x0  }
0x104: {  	[sflag:s25] =	ssyncadd.s32 $0xFFFFF800  }
0x105: {  	_ =	swait.ge [sflag:s25], $0x800  }
0x106: {  	[sflag:s25] =	ssyncset.done $0x0  }
0x107: {  	[sflag:s25] =	ssyncadd.s32 $0xFFFFF800  }
0x108: {  	_ =	swait.ge [sflag:s25], $0x800  }
0x109: {  	[sflag:s25] =	ssyncset.done $0x0  }
0x10a: {  	[sflag:s25] =	ssyncadd.s32 $0xFFFFF800  }
0x10b: {  	_ =	swait.ge [sflag:s25], $0x800  }
0x10c: {  	[sflag:s25] =	ssyncset.done $0x0  }
0x10d: {  	[sflag:s25] =	ssyncadd.s32 $0xFFFFF800  }
0x10e: {  	_ =	swait.ge [sflag:s25], $0x800  }
0x10f: {  	[sflag:s25] =	ssyncset.done $0x0  }
0x110: {  	[sflag:s25] =	ssyncadd.s32 $0xFFFFF800  }
0x111: {  	_ =	swait.ge [sflag:s25], $0x800  }
0x112: {  	[sflag:s25] =	ssyncset.done $0x0  }
0x113: {  	[sflag:s25] =	ssyncadd.s32 $0xFFFFF800  }
0x114: {  	_ =	swait.ge [sflag:s25], $0x800  }
0x115: {  	[sflag:s25] =	ssyncset.done $0x0  }
0x116: {  	[sflag:s25] =	ssyncadd.s32 $0xFFFFF800  }
0x117: {  	_ =	swait.ge [sflag:s25], $0x800  }
0x118: {  	[sflag:s25] =	ssyncset.done $0x0  }
0x119: {  	[sflag:s25] =	ssyncadd.s32 $0xFFFFF800  }
0x11a: {  	_ =	swait.ge [sflag:s25], $0x800  }
0x11b: {  	[sflag:s25] =	ssyncset.done $0x0  }
0x11c: {  	[sflag:s25] =	ssyncadd.s32 $0xFFFFF800  }
0x11d: {  	_ =	swait.ge [sflag:s25], $0x800  }
0x11e: {  	[sflag:s25] =	ssyncset.done $0x0  }
0x11f: {  	[sflag:s25] =	ssyncadd.s32 $0xFFFFF800  }
0x120: {  	_ =	swait.ge [sflag:s25], $0x800  }
0x121: {  	[sflag:s25] =	ssyncset.done $0x0  }
0x122: {  	[sflag:s25] =	ssyncadd.s32 $0xFFFFF800  }
0x123: {  	_ =	swait.ge [sflag:s25], $0x800  }
0x124: {  	[sflag:s25] =	ssyncset.done $0x0  }
0x125: {  	[sflag:s25] =	ssyncadd.s32 $0xFFFFF800  }
0x126: {  	_ =	swait.ge [sflag:s25], $0x800  }
0x127: {  	[sflag:s25] =	ssyncset.done $0x0  }
0x128: {  	p0 =	sne.s32 s1, $0x1;
	[sflag:s25] =	ssyncadd.s32 $0xFFFFF800  }
.Ltmp1:
0x129: {  	_ =	swait.ge [sflag:s25], $0x800;
	(pc) =	sbr.rel @p0 .LBB2_1-.Ltmp1, $4  }
0x12a: {  	[sflag:s25] =	ssyncset.done $0x0  }
0x12b: {  	[sflag:s25] =	ssyncadd.s32 $0xFFFFF800  }
0x12c: {  	_ =	swait.ge [sflag:s25], $0x800  }
0x12d: {  	s1 =	sadd.s32 $0xFFFFFFFF, s1;
	[sflag:s25] =	ssyncset.done $0x0  }
.LBB2_2:
0x12e: {  	[sflag:s25] =	ssyncadd.s32 $0xFFFFF800  }
0x12f: {  	_ =	swait.ge [sflag:s25], $0x800  }
0x130: {  	[sflag:s25] =	ssyncset.done $0x0  }
0x131: {  	[sflag:s25] =	ssyncadd.s32 $0xFFFFF800  }
0x132: {  	_ =	swait.ge [sflag:s25], $0x800  }
0x133: {  	[sflag:s25] =	ssyncset.done $0x0  }
0x134: {  	s0 =	rddreg [dreg:$0x3];
	[sflag:s25] =	ssyncadd.s32 $0xFFFFF800  }
0x135: {  	[hbm4b:s0+s2] =	stream.linear.scatter [tilespmem:s4], [sflag:$0x2], $0xC800, $0x38;
	[tilespmem:$0xD480] =	vst v63  }
0x136: {  	_ =	swait.ge [sflag:s3], $0xC800  }
0x137: {  	[sflag:s3] =	ssyncset.done $0x0  }
0x138: {  	[sflag:s3] =	ssyncadd.s32 $0xFFFF3800  }
0x139: {  	_ =	sfence.sel $0x180000  }
0x13a: {  	[bflag:$0x0] =	sbarrier.arrive $0xFFFF  }
0x13b: {  	_ =	strace $0x9000004A  }
0x13c: {  	s31 =	stileid.u32;
	[bflag:$0x2] =	sbarrier.arrive $0xFFFF  }
0x13d: {  	p0 =	sne.s32 s31, $0x0;
	s0 =	rddreg [dreg:$0x1]  }
0x13e: {  	s0 =	sadd.s32 @!p0 $0x100000, s0  }
0x13f: {  	[sflag:s0] =	ssyncadd.tile.s32 @!p0 $0x1;
	_ =	shalt  }
.Lfunc_end2:
_tile_overlayer_lowered:
.L_overlay_start_2:
0x140: {  	(tag) =	ssettag $0x2  }
0x141: {  	s0 =	rddreg [dreg:$0x0];
	s2 =	stileid.u32  }
0x142: {  	s1 =	rddreg [dreg:$0x1];
	p0 =	sne.s32 s2, $0x0  }
0x143: {  	s3 =	rddreg [dreg:$0x2];
	[bflag:$0x3] =	sbarrier.arrive $0xFFFF;
	s2 =	simm.s32 @!p0 $0x1C02  }
0x144: {  	[timem:s3], [sflag:s2] =	dma.local @!p0 [hbm:s0], s1  }
0x145: {  	s0 =	simm.s32 @!p0 $0x2  }
0x146: {  	_ =	swait.ge @!p0 [sflag:s0], s1  }
0x147: {  	s1 =	ssub.s32 @!p0 $0x0, s1;
	[sflag:s0] =	ssyncset.done @!p0 $0x0  }
0x148: {  	[sflag:s0] =	ssyncadd.s32 @!p0 s1  }
0x149: {  	[bflag:$0x3] =	sbarrier.arrive $0xFFFF  }
0x14a: {  	_ =	shalt  }

</sc_bundles>
